<compile_context>
chip_gen: v7x
topology: tpu7x:2x2x1
jax: 0.10.2.dev20260603
libtpu: 0.0.44.dev20260713+nightly
codegen_flags: <defaults>
</compile_context>

<pallas_src>
import functools

import jax
import jax.numpy as jnp
from jax import lax
from jax.experimental import pallas as pl
from jax.experimental.pallas import tpu as pltpu
from jax.experimental.pallas import tpu_sc as plsc

B = 4096
N_TOK = 26
TOK_DIM = 10000
N_FLOAT = 13
SEQ_VOCAB = 100000
HIST = 50
D = 64

NC = 2
NSUB = 16
NW = NC * NSUB
PB = B // NW
NB = 4
NSTEPS = PB // NB
HISTP = 64
BC = 512
TBC = 16384

_mesh = plsc.VectorSubcoreMesh(core_axis_name="c", subcore_axis_name="s")



def _tr_body(i_ref, o_ref):
    a = i_ref[...].T
    o_ref[...] = jnp.concatenate(
        [jnp.concatenate([a[g * BC: g * BC + BC // 2],
                          a[g * BC + BC // 2: (g + 1) * BC]], axis=1)
         for g in range(TBC // BC)], axis=0)


def _transpose_table(table_t, v):
    grid = (v + TBC - 1) // TBC
    out = pl.pallas_call(
        _tr_body,
        grid=(grid,),
        in_specs=[pl.BlockSpec((D, TBC), lambda c: (0, c))],
        out_specs=pl.BlockSpec((TBC // 2, 128), lambda c: (c, 0)),
        out_shape=jax.ShapeDtypeStruct((grid * (TBC // 2), 128), jnp.float32),
    )(table_t)
    return out.reshape(grid * TBC, D)


def _remap(v):
    return (v & -512) + ((v & 255) << 1) + ((v >> 8) & 1)



def _dense_body(ft_ref, ff_ref, o_ref):
    ft = ft_ref[...]
    ff = ff_ref[...]
    o_ref[...] = ft[:, :, None] * ff[:, None, :]


_dense_call = pl.pallas_call(
    _dense_body,
    grid=(B // 512,),
    in_specs=[pl.BlockSpec((N_FLOAT, D), lambda i: (0, 0)),
              pl.BlockSpec((N_FLOAT, 512), lambda i: (0, i))],
    out_specs=pl.BlockSpec((N_FLOAT, D, 512), lambda i: (0, 0, i)),
    out_shape=jax.ShapeDtypeStruct((N_FLOAT, D, B), jnp.float32),
)



@functools.partial(
    pl.kernel,
    out_type=jax.ShapeDtypeStruct((B, D), jnp.float32),
    mesh=_mesh,
    scratch_types=(
        pltpu.VMEM((PB * HISTP,), jnp.int32),
        pltpu.VMEM((1, D), jnp.float32),
        pltpu.VMEM((NB * HIST, D), jnp.float32),
        pltpu.VMEM((NB * HIST, D), jnp.float32),
        pltpu.VMEM((NB, D), jnp.float32),
        pltpu.VMEM((NB, D), jnp.float32),
        pltpu.SemaphoreType.DMA,
        pltpu.SemaphoreType.DMA,
        pltpu.SemaphoreType.DMA,
        pltpu.SemaphoreType.DMA,
    ),
    compiler_params=pltpu.CompilerParams(use_tc_tiling_on_sc=False,
                                         needs_layout_passes=False),
)
def _sc_pool(seq_idx, seq_table,
             out_pool,
             idx_seq_v, row0_v, seq0, seq1, pool0, pool1,
             sem_g0, sem_g1, sem_o0, sem_o1):
    wid = lax.axis_index("s") * NC + lax.axis_index("c")

    pltpu.sync_copy(seq_idx.at[pl.ds(wid * (PB * HISTP), PB * HISTP)], idx_seq_v)
    pltpu.sync_copy(seq_table.at[pl.ds(0, 1)], row0_v)

    lane = lax.iota(jnp.int32, 16)
    tail_mask = lane < 2

    def issue(s, seqbuf, sem):
        g0 = s * NB
        for j in range(NB):
            pltpu.async_copy(
                seq_table.at[idx_seq_v.at[pl.ds((g0 + j) * HISTP, HIST)]],
                seqbuf.at[pl.ds(j * HIST, HIST)], sem)

    def process(s, seqbuf, poolbuf, sem_g, sem_o, t):
        g0 = s * NB
        b0 = wid * PB + g0

        pltpu.make_async_copy(
            seq_table.at[pl.ds(0, NB * HIST)], seqbuf, sem_g).wait()

        @pl.when(t > 0)
        def _():
            pltpu.make_async_copy(
                seq_table.at[pl.ds(0, NB)], poolbuf, sem_o).wait()

        for j in range(NB):
            g = g0 + j
            off = g * HISTP
            k0 = idx_seq_v[pl.ds(off, 16)]
            k1 = idx_seq_v[pl.ds(off + 16, 16)]
            k2 = idx_seq_v[pl.ds(off + 32, 16)]
            k3 = idx_seq_v[pl.ds(off + 48, 16)]
            nz = (plsc.all_reduce_population_count(k0 == 0)
                  + plsc.all_reduce_population_count(k1 == 0)
                  + plsc.all_reduce_population_count(k2 == 0)
                  + plsc.all_reduce_population_count((k3 == 0) & tail_mask))
            zf = nz.astype(jnp.float32)
            cnt = 50.0 - zf

            def body(h, accs):
                r = j * HIST + h
                return tuple(
                    accs[q] + seqbuf[r, pl.ds(q * 16, 16)] for q in range(4))

            zero = jnp.zeros((16,), jnp.float32)
            accs = lax.fori_loop(0, HIST, body, (zero, zero, zero, zero))
            for q in range(4):
                p = (accs[q] - zf * row0_v[0, pl.ds(q * 16, 16)]) / (cnt + 1e-8)
                poolbuf[j, pl.ds(q * 16, 16)] = jnp.where(cnt > 0.0, p, 0.0)

        pltpu.async_copy(poolbuf, out_pool.at[pl.ds(b0, NB)], sem_o)

        @pl.when(t < NSTEPS // 2 - 1)
        def _():
            issue(s + 2, seqbuf, sem_g)

    issue(0, seq0, sem_g0)
    issue(1, seq1, sem_g1)

    def pair(t, _):
        process(2 * t, seq0, pool0, sem_g0, sem_o0, t)
        process(2 * t + 1, seq1, pool1, sem_g1, sem_o1, t)
        return 0

    lax.fori_loop(0, NSTEPS // 2, pair, 0)
    pltpu.make_async_copy(seq_table.at[pl.ds(0, NB)], pool0, sem_o0).wait()
    pltpu.make_async_copy(seq_table.at[pl.ds(0, NB)], pool1, sem_o1).wait()



@functools.partial(
    pl.kernel,
    out_type=jax.ShapeDtypeStruct((B * (N_TOK + 1), D), jnp.float32),
    mesh=_mesh,
    scratch_types=(
        pltpu.VMEM((PB * N_TOK,), jnp.int32),
        pltpu.VMEM((PB, D), jnp.float32),
        pltpu.VMEM((NB * N_TOK, D), jnp.float32),
        pltpu.VMEM((NB * N_TOK, D), jnp.float32),
        pltpu.SemaphoreType.DMA,
        pltpu.SemaphoreType.DMA,
        pltpu.SemaphoreType.DMA,
        pltpu.SemaphoreType.DMA,
    ),
    compiler_params=pltpu.CompilerParams(use_tc_tiling_on_sc=False,
                                         needs_layout_passes=False),
)
def _sc_tok(tok_idx, pooled, tok_table,
            out_sp,
            idx_tok_v, pool_v, tok0, tok1,
            sem_g0, sem_g1, sem_o0, sem_o1):
    wid = lax.axis_index("s") * NC + lax.axis_index("c")

    pltpu.sync_copy(tok_idx.at[pl.ds(wid * (PB * N_TOK), PB * N_TOK)], idx_tok_v)
    pltpu.sync_copy(pooled.at[pl.ds(wid * PB, PB)], pool_v)

    def issue(s, tokbuf, sem):
        g0 = s * NB
        pltpu.async_copy(
            tok_table.at[idx_tok_v.at[pl.ds(g0 * N_TOK, NB * N_TOK)]],
            tokbuf, sem)

    def process(s, tokbuf, sem_g, sem_o, t):
        g0 = s * NB
        orow = (wid * PB + g0) * (N_TOK + 1)

        pltpu.make_async_copy(
            tok_table.at[pl.ds(0, NB * N_TOK)], tokbuf, sem_g).wait()

        outs = []
        for j in range(NB):
            outs.append(pltpu.async_copy(
                tokbuf.at[pl.ds(j * N_TOK, N_TOK)],
                out_sp.at[pl.ds(orow + j * (N_TOK + 1), N_TOK)], sem_o))
            outs.append(pltpu.async_copy(
                pool_v.at[pl.ds(g0 + j, 1)],
                out_sp.at[pl.ds(orow + j * (N_TOK + 1) + N_TOK, 1)], sem_o))
        for o in outs:
            o.wait()

        @pl.when(t < NSTEPS // 2 - 1)
        def _():
            issue(s + 2, tokbuf, sem_g)

    issue(0, tok0, sem_g0)
    issue(1, tok1, sem_g1)

    def pair(t, _):
        process(2 * t, tok0, sem_g0, sem_o0, t)
        process(2 * t + 1, tok1, sem_g1, sem_o1, t)
        return 0

    lax.fori_loop(0, NSTEPS // 2, pair, 0)


def kernel(token_fields, float_fields, token_seq_field, token_table,
           float_table, seq_table):
    offsets = (jnp.arange(N_TOK, dtype=jnp.int32) * TOK_DIM)[None, :]
    tok_idx = _remap(token_fields.astype(jnp.int32) + offsets).reshape(-1)
    seq_idx = jnp.pad(_remap(token_seq_field.astype(jnp.int32)),
                      ((0, 0), (0, HISTP - HIST)),
                      constant_values=1).reshape(-1)

    seq_lin = _transpose_table(seq_table.T, SEQ_VOCAB)
    pooled = _sc_pool(seq_idx, seq_lin)
    tok_lin = _transpose_table(token_table.T, TOK_DIM * N_TOK)
    out_sp = _sc_tok(tok_idx, pooled, tok_lin)
    dense = _dense_call(float_table, float_fields.T)

    return (out_sp.reshape(B, N_TOK + 1, D), jnp.transpose(dense, (2, 0, 1)))

# --- scband reference (transcript-rebuilt; emitter-appended) ---
"""Pipeline reference for scband-context-recommender-90761248899647 (READ-ONLY COPY).

The authoritative reference and input builder live on the scoring server;
editing this copy changes nothing except your own understanding.
"""

import jax, jax.numpy as jnp
import numpy as np

B = 4096
N_TOK = 26
TOK_DIM = 10000
N_FLOAT = 13
SEQ_VOCAB = 100000
HIST = 50
D = 64


def setup_inputs(seed: int = 0) -> dict:
    key = jax.random.key(seed)
    ks = jax.random.split(key, 6)
    token_fields = jax.random.randint(ks[0], (B, N_TOK), 0, TOK_DIM)
    float_fields = jax.random.uniform(ks[1], (B, N_FLOAT), dtype=jnp.float32)
    token_seq_field = jax.random.randint(ks[2], (B, HIST), 0, SEQ_VOCAB)
    token_table = jax.random.normal(ks[3], (N_TOK * TOK_DIM, D), dtype=jnp.float32) * 0.02
    float_table = jax.random.normal(ks[4], (N_FLOAT, D), dtype=jnp.float32) * 0.02
    seq_table = jax.random.normal(ks[5], (SEQ_VOCAB, D), dtype=jnp.float32) * 0.02
    return {
        "token_fields": token_fields,
        "float_fields": float_fields,
        "token_seq_field": token_seq_field,
        "token_table": token_table,
        "float_table": float_table,
        "seq_table": seq_table,
    }


def reference(token_fields, float_fields, token_seq_field, token_table, float_table, seq_table):
    # --- embed_token_fields via FMEmbedding: shared table + per-field offsets ---
    offsets = (jnp.arange(N_TOK, dtype=token_fields.dtype) * TOK_DIM)[None, :]
    token_emb = jnp.take(token_table, token_fields + offsets, axis=0)  # [B, N_TOK, D]

    # --- embed_float_fields: gather per-field float embedding, scale by value ---
    idx = jnp.arange(N_FLOAT)
    float_field_emb = jnp.take(float_table, idx, axis=0)  # [N_FLOAT, D]
    dense_embedding = float_field_emb[None, :, :] * float_fields[:, :, None]  # [B, N_FLOAT, D]

    # --- embed_token_seq_fields (mode='mean') with padding-0 masking ---
    mask = (token_seq_field != 0).astype(jnp.float32)  # [B, HIST]
    value_cnt = jnp.sum(mask, axis=1, keepdims=True)  # [B, 1]
    seq_emb = jnp.take(seq_table, token_seq_field, axis=0)  # [B, HIST, D]
    masked = seq_emb * mask[:, :, None]
    pooled = jnp.sum(masked, axis=1) / (value_cnt + 1e-08)  # [B, D]
    seq_result = pooled[:, None, :]  # [B, 1, D]

    sparse_embedding = jnp.concatenate([token_emb, seq_result], axis=1)  # [B, N_TOK+1, D]
    return sparse_embedding, dense_embedding

if __name__ == "__main__":
    import jax
    _d = setup_inputs()
    print(jax.jit(kernel)(*tuple(_d.values())))

</pallas_src>

<mosaic_0001>
#map = affine_map<(d0, d1) -> (0)>
#map1 = affine_map<(d0, d1) -> (0, 0)>
module attributes {stable_mosaic.version = 14 : i64} {
  func.func @_sc_tok(%arg0: i32, %arg1: i32, %arg2: memref<106496xi32, #tpu.memory_space<hbm>>, %arg3: memref<4096x64xf32, #tpu.memory_space<hbm>>, %arg4: memref<262144x64xf32, #tpu.memory_space<hbm>>, %arg5: memref<110592x64xf32, #tpu.memory_space<hbm>>, %arg6: memref<3328xi32, #tpu.memory_space<vmem>>, %arg7: memref<128x64xf32, #tpu.memory_space<vmem>>, %arg8: memref<104x64xf32, #tpu.memory_space<vmem>>, %arg9: memref<104x64xf32, #tpu.memory_space<vmem>>, %arg10: memref<!tpu.dma_semaphore, #tpu.memory_space<semaphore_mem>>, %arg11: memref<!tpu.dma_semaphore, #tpu.memory_space<semaphore_mem>>, %arg12: memref<!tpu.dma_semaphore, #tpu.memory_space<semaphore_mem>>, %arg13: memref<!tpu.dma_semaphore, #tpu.memory_space<semaphore_mem>>) attributes {dimension_semantics = [#tpu.dimension_semantics<core_parallel>, #tpu.dimension_semantics<subcore_parallel>], iteration_bounds = array<i64: 2, 16>, scalar_prefetch = 0 : i64, scratch_operands = 8 : i64, tpu.core_type = #tpu.core_type<sc_vector_subcore>, window_params = [{transform_indices = #map}, {transform_indices = #map1}, {transform_indices = #map1}, {transform_indices = #map1}]} {
    %mul3A = arith.constant 2 : i32
    %mul3A_0 = arith.muli %arg1, %mul3A : i32
    %add3A = arith.addi %mul3A_0, %arg0 : i32
    %mul3A_1 = arith.constant 3328 : i32
    %mul3A_2 = arith.muli %add3A, %mul3A_1 : i32
    "tpu.region"() ({
      %run_scoped3A = tpu.sem_alloc : memref<!tpu.dma_semaphore, #tpu.memory_space<semaphore_mem>>
      %dma_start3A_20 = tpu.memref_slice %arg2[%mul3A_2] : memref<106496xi32, #tpu.memory_space<hbm>> -> memref<3328xi32, #tpu.memory_space<hbm>>
      %dma_start3A_21 = tpu.memref_slice %arg2[%mul3A_2] : memref<106496xi32, #tpu.memory_space<hbm>> -> memref<3328xi32, #tpu.memory_space<hbm>>
      tpu.enqueue_dma source(%dma_start3A_21 : memref<3328xi32, #tpu.memory_space<hbm>>) target(%arg6 : memref<3328xi32, #tpu.memory_space<vmem>>) target_semaphore(%run_scoped3A : memref<!tpu.dma_semaphore, #tpu.memory_space<semaphore_mem>>)
      %dma_wait3A = tpu.memref_slice %arg2[%mul3A_2] : memref<106496xi32, #tpu.memory_space<hbm>> -> memref<3328xi32, #tpu.memory_space<hbm>>
      %dma_wait3A_22 = tpu.memref_slice %arg2[%mul3A_2] : memref<106496xi32, #tpu.memory_space<hbm>> -> memref<3328xi32, #tpu.memory_space<hbm>>
      tpu.wait_dma2 semaphore(%run_scoped3A : memref<!tpu.dma_semaphore, #tpu.memory_space<semaphore_mem>>) src(%dma_wait3A_22 : memref<3328xi32, #tpu.memory_space<hbm>>) dst(%arg6 : memref<3328xi32, #tpu.memory_space<vmem>>)
      tpu.yield
    }) : () -> ()
    %mul3A_3 = arith.constant 128 : i32
    %mul3A_4 = arith.muli %add3A, %mul3A_3 : i32
    "tpu.region"() ({
      %run_scoped3A = tpu.sem_alloc : memref<!tpu.dma_semaphore, #tpu.memory_space<semaphore_mem>>
      %dma_start3A_20 = arith.constant 0 : i32
      %dma_start3A_21 = tpu.memref_slice %arg3[%mul3A_4, %dma_start3A_20] : memref<4096x64xf32, #tpu.memory_space<hbm>> -> memref<128x64xf32, #tpu.memory_space<hbm>>
      %dma_start3A_22 = arith.constant 0 : i32
      %dma_start3A_23 = tpu.memref_slice %arg3[%mul3A_4, %dma_start3A_22] : memref<4096x64xf32, #tpu.memory_space<hbm>> -> memref<128x64xf32, #tpu.memory_space<hbm>>
      tpu.enqueue_dma source(%dma_start3A_23 : memref<128x64xf32, #tpu.memory_space<hbm>>) target(%arg7 : memref<128x64xf32, #tpu.memory_space<vmem>>) target_semaphore(%run_scoped3A : memref<!tpu.dma_semaphore, #tpu.memory_space<semaphore_mem>>)
      %dma_wait3A = arith.constant 0 : i32
      %dma_wait3A_24 = tpu.memref_slice %arg3[%mul3A_4, %dma_wait3A] : memref<4096x64xf32, #tpu.memory_space<hbm>> -> memref<128x64xf32, #tpu.memory_space<hbm>>
      %dma_wait3A_25 = arith.constant 0 : i32
      %dma_wait3A_26 = tpu.memref_slice %arg3[%mul3A_4, %dma_wait3A_25] : memref<4096x64xf32, #tpu.memory_space<hbm>> -> memref<128x64xf32, #tpu.memory_space<hbm>>
      tpu.wait_dma2 semaphore(%run_scoped3A : memref<!tpu.dma_semaphore, #tpu.memory_space<semaphore_mem>>) src(%dma_wait3A_26 : memref<128x64xf32, #tpu.memory_space<hbm>>) dst(%arg7 : memref<128x64xf32, #tpu.memory_space<vmem>>)
      tpu.yield
    }) : () -> ()
    %dma_start3A = arith.constant 0 : i32
    %dma_start3A_5 = tpu.memref_slice %arg6[%dma_start3A] : memref<3328xi32, #tpu.memory_space<vmem>> -> memref<104xi32, #tpu.memory_space<vmem>>
    %dma_start3A_6 = arith.constant 0 : i32
    %dma_start3A_7 = arith.constant 0 : i32
    %dma_start3A_8 = tpu.memref_slice %arg4[%dma_start3A_6, %dma_start3A_7] : memref<262144x64xf32, #tpu.memory_space<hbm>> -> memref<262144x64xf32, #tpu.memory_space<hbm>>
    tpu.enqueue_indirect_dma source(%dma_start3A_8 : memref<262144x64xf32, #tpu.memory_space<hbm>>) target(%arg8 : memref<104x64xf32, #tpu.memory_space<vmem>>) offsets(%dma_start3A_5 : memref<104xi32, #tpu.memory_space<vmem>>) semaphore(%arg10 : memref<!tpu.dma_semaphore, #tpu.memory_space<semaphore_mem>>)
    %dma_start3A_9 = arith.constant 104 : i32
    %dma_start3A_10 = tpu.memref_slice %arg6[%dma_start3A_9] : memref<3328xi32, #tpu.memory_space<vmem>> -> memref<104xi32, #tpu.memory_space<vmem>>
    %dma_start3A_11 = arith.constant 0 : i32
    %dma_start3A_12 = arith.constant 0 : i32
    %dma_start3A_13 = tpu.memref_slice %arg4[%dma_start3A_11, %dma_start3A_12] : memref<262144x64xf32, #tpu.memory_space<hbm>> -> memref<262144x64xf32, #tpu.memory_space<hbm>>
    tpu.enqueue_indirect_dma source(%dma_start3A_13 : memref<262144x64xf32, #tpu.memory_space<hbm>>) target(%arg9 : memref<104x64xf32, #tpu.memory_space<vmem>>) offsets(%dma_start3A_10 : memref<104xi32, #tpu.memory_space<vmem>>) semaphore(%arg11 : memref<!tpu.dma_semaphore, #tpu.memory_space<semaphore_mem>>)
    %scan3A = arith.constant 0 : i32
    %scan3A_14 = arith.constant 0 : i32
    %scan3A_15 = arith.constant 16 : i32
    %scan3A_16 = arith.addi %scan3A_14, %scan3A_15 : i32
    %scan3A_17 = arith.constant 1 : i32
    %scan3A_18 = scf.for %scan3A_20 = %scan3A_14 to %scan3A_16 step %scan3A_17 iter_args(%scan3A_21 = %scan3A) -> (i32)  : i32 {
      %mul3A_22 = arith.constant 2 : i32
      %mul3A_23 = arith.muli %mul3A_22, %scan3A_20 : i32
      %mul3A_24 = arith.constant 4 : i32
      %mul3A_25 = arith.muli %mul3A_23, %mul3A_24 : i32
      %mul3A_26 = arith.constant 128 : i32
      %mul3A_27 = arith.muli %add3A, %mul3A_26 : i32
      %add3A_28 = arith.addi %mul3A_27, %mul3A_25 : i32
      %mul3A_29 = arith.constant 27 : i32
      %mul3A_30 = arith.muli %add3A_28, %mul3A_29 : i32
      %dma_wait3A = arith.constant 0 : i32
      %dma_wait3A_31 = arith.constant 0 : i32
      %dma_wait3A_32 = tpu.memref_slice %arg4[%dma_wait3A, %dma_wait3A_31] : memref<262144x64xf32, #tpu.memory_space<hbm>> -> memref<104x64xf32, #tpu.memory_space<hbm>>
      %dma_wait3A_33 = arith.constant 0 : i32
      %dma_wait3A_34 = arith.constant 0 : i32
      %dma_wait3A_35 = tpu.memref_slice %arg4[%dma_wait3A_33, %dma_wait3A_34] : memref<262144x64xf32, #tpu.memory_space<hbm>> -> memref<104x64xf32, #tpu.memory_space<hbm>>
      tpu.wait_dma2 semaphore(%arg10 : memref<!tpu.dma_semaphore, #tpu.memory_space<semaphore_mem>>) src(%dma_wait3A_35 : memref<104x64xf32, #tpu.memory_space<hbm>>) dst(%arg8 : memref<104x64xf32, #tpu.memory_space<vmem>>)
      %add3A_36 = arith.constant 0 : i32
      %add3A_37 = arith.addi %mul3A_30, %add3A_36 : i32
      %dma_start3A_38 = arith.constant 0 : i32
      %dma_start3A_39 = arith.constant 0 : i32
      %dma_start3A_40 = tpu.memref_slice %arg8[%dma_start3A_38, %dma_start3A_39] : memref<104x64xf32, #tpu.memory_space<vmem>> -> memref<26x64xf32, #tpu.memory_space<vmem>>
      %dma_start3A_41 = arith.constant 0 : i32
      %dma_start3A_42 = tpu.memref_slice %arg5[%add3A_37, %dma_start3A_41] : memref<110592x64xf32, #tpu.memory_space<hbm>> -> memref<26x64xf32, #tpu.memory_space<hbm>>
      %dma_start3A_43 = arith.constant 0 : i32
      %dma_start3A_44 = tpu.memref_slice %arg5[%add3A_37, %dma_start3A_43] : memref<110592x64xf32, #tpu.memory_space<hbm>> -> memref<26x64xf32, #tpu.memory_space<hbm>>
      %dma_start3A_45 = arith.constant 0 : i32
      %dma_start3A_46 = arith.constant 0 : i32
      %dma_start3A_47 = tpu.memref_slice %arg8[%dma_start3A_45, %dma_start3A_46] : memref<104x64xf32, #tpu.memory_space<vmem>> -> memref<26x64xf32, #tpu.memory_space<vmem>>
      tpu.enqueue_dma source(%dma_start3A_47 : memref<26x64xf32, #tpu.memory_space<vmem>>) target(%dma_start3A_44 : memref<26x64xf32, #tpu.memory_space<hbm>>) target_semaphore(%arg12 : memref<!tpu.dma_semaphore, #tpu.memory_space<semaphore_mem>>)
      %add3A_48 = arith.constant 0 : i32
      %add3A_49 = arith.addi %mul3A_25, %add3A_48 : i32
      %add3A_50 = arith.constant 0 : i32
      %add3A_51 = arith.addi %mul3A_30, %add3A_50 : i32
      %add3A_52 = arith.constant 26 : i32
      %add3A_53 = arith.addi %add3A_51, %add3A_52 : i32
      %dma_start3A_54 = arith.constant 0 : i32
      %dma_start3A_55 = tpu.memref_slice %arg7[%add3A_49, %dma_start3A_54] : memref<128x64xf32, #tpu.memory_space<vmem>> -> memref<1x64xf32, #tpu.memory_space<vmem>>
      %dma_start3A_56 = arith.constant 0 : i32
      %dma_start3A_57 = tpu.memref_slice %arg5[%add3A_53, %dma_start3A_56] : memref<110592x64xf32, #tpu.memory_space<hbm>> -> memref<1x64xf32, #tpu.memory_space<hbm>>
      %dma_start3A_58 = arith.constant 0 : i32
      %dma_start3A_59 = tpu.memref_slice %arg5[%add3A_53, %dma_start3A_58] : memref<110592x64xf32, #tpu.memory_space<hbm>> -> memref<1x64xf32, #tpu.memory_space<hbm>>
      %dma_start3A_60 = arith.constant 0 : i32
      %dma_start3A_61 = tpu.memref_slice %arg7[%add3A_49, %dma_start3A_60] : memref<128x64xf32, #tpu.memory_space<vmem>> -> memref<1x64xf32, #tpu.memory_space<vmem>>
      tpu.enqueue_dma source(%dma_start3A_61 : memref<1x64xf32, #tpu.memory_space<vmem>>) target(%dma_start3A_59 : memref<1x64xf32, #tpu.memory_space<hbm>>) target_semaphore(%arg12 : memref<!tpu.dma_semaphore, #tpu.memory_space<semaphore_mem>>)
      %add3A_62 = arith.constant 27 : i32
      %add3A_63 = arith.addi %mul3A_30, %add3A_62 : i32
      %dma_start3A_64 = arith.constant 26 : i32
      %dma_start3A_65 = arith.constant 0 : i32
      %dma_start3A_66 = tpu.memref_slice %arg8[%dma_start3A_64, %dma_start3A_65] : memref<104x64xf32, #tpu.memory_space<vmem>> -> memref<26x64xf32, #tpu.memory_space<vmem>>
      %dma_start3A_67 = arith.constant 0 : i32
      %dma_start3A_68 = tpu.memref_slice %arg5[%add3A_63, %dma_start3A_67] : memref<110592x64xf32, #tpu.memory_space<hbm>> -> memref<26x64xf32, #tpu.memory_space<hbm>>
      %dma_start3A_69 = arith.constant 0 : i32
      %dma_start3A_70 = tpu.memref_slice %arg5[%add3A_63, %dma_start3A_69] : memref<110592x64xf32, #tpu.memory_space<hbm>> -> memref<26x64xf32, #tpu.memory_space<hbm>>
      %dma_start3A_71 = arith.constant 26 : i32
      %dma_start3A_72 = arith.constant 0 : i32
      %dma_start3A_73 = tpu.memref_slice %arg8[%dma_start3A_71, %dma_start3A_72] : memref<104x64xf32, #tpu.memory_space<vmem>> -> memref<26x64xf32, #tpu.memory_space<vmem>>
      tpu.enqueue_dma source(%dma_start3A_73 : memref<26x64xf32, #tpu.memory_space<vmem>>) target(%dma_start3A_70 : memref<26x64xf32, #tpu.memory_space<hbm>>) target_semaphore(%arg12 : memref<!tpu.dma_semaphore, #tpu.memory_space<semaphore_mem>>)
      %add3A_74 = arith.constant 1 : i32
      %add3A_75 = arith.addi %mul3A_25, %add3A_74 : i32
      %add3A_76 = arith.constant 27 : i32
      %add3A_77 = arith.addi %mul3A_30, %add3A_76 : i32
      %add3A_78 = arith.constant 26 : i32
      %add3A_79 = arith.addi %add3A_77, %add3A_78 : i32
      %dma_start3A_80 = arith.constant 0 : i32
      %dma_start3A_81 = tpu.memref_slice %arg7[%add3A_75, %dma_start3A_80] : memref<128x64xf32, #tpu.memory_space<vmem>> -> memref<1x64xf32, #tpu.memory_space<vmem>>
      %dma_start3A_82 = arith.constant 0 : i32
      %dma_start3A_83 = tpu.memref_slice %arg5[%add3A_79, %dma_start3A_82] : memref<110592x64xf32, #tpu.memory_space<hbm>> -> memref<1x64xf32, #tpu.memory_space<hbm>>
      %dma_start3A_84 = arith.constant 0 : i32
      %dma_start3A_85 = tpu.memref_slice %arg5[%add3A_79, %dma_start3A_84] : memref<110592x64xf32, #tpu.memory_space<hbm>> -> memref<1x64xf32, #tpu.memory_space<hbm>>
      %dma_start3A_86 = arith.constant 0 : i32
      %dma_start3A_87 = tpu.memref_slice %arg7[%add3A_75, %dma_start3A_86] : memref<128x64xf32, #tpu.memory_space<vmem>> -> memref<1x64xf32, #tpu.memory_space<vmem>>
      tpu.enqueue_dma source(%dma_start3A_87 : memref<1x64xf32, #tpu.memory_space<vmem>>) target(%dma_start3A_85 : memref<1x64xf32, #tpu.memory_space<hbm>>) target_semaphore(%arg12 : memref<!tpu.dma_semaphore, #tpu.memory_space<semaphore_mem>>)
      %add3A_88 = arith.constant 54 : i32
      %add3A_89 = arith.addi %mul3A_30, %add3A_88 : i32
      %dma_start3A_90 = arith.constant 52 : i32
      %dma_start3A_91 = arith.constant 0 : i32
      %dma_start3A_92 = tpu.memref_slice %arg8[%dma_start3A_90, %dma_start3A_91] : memref<104x64xf32, #tpu.memory_space<vmem>> -> memref<26x64xf32, #tpu.memory_space<vmem>>
      %dma_start3A_93 = arith.constant 0 : i32
      %dma_start3A_94 = tpu.memref_slice %arg5[%add3A_89, %dma_start3A_93] : memref<110592x64xf32, #tpu.memory_space<hbm>> -> memref<26x64xf32, #tpu.memory_space<hbm>>
      %dma_start3A_95 = arith.constant 0 : i32
      %dma_start3A_96 = tpu.memref_slice %arg5[%add3A_89, %dma_start3A_95] : memref<110592x64xf32, #tpu.memory_space<hbm>> -> memref<26x64xf32, #tpu.memory_space<hbm>>
      %dma_start3A_97 = arith.constant 52 : i32
      %dma_start3A_98 = arith.constant 0 : i32
      %dma_start3A_99 = tpu.memref_slice %arg8[%dma_start3A_97, %dma_start3A_98] : memref<104x64xf32, #tpu.memory_space<vmem>> -> memref<26x64xf32, #tpu.memory_space<vmem>>
      tpu.enqueue_dma source(%dma_start3A_99 : memref<26x64xf32, #tpu.memory_space<vmem>>) target(%dma_start3A_96 : memref<26x64xf32, #tpu.memory_space<hbm>>) target_semaphore(%arg12 : memref<!tpu.dma_semaphore, #tpu.memory_space<semaphore_mem>>)
      %add3A_100 = arith.constant 2 : i32
      %add3A_101 = arith.addi %mul3A_25, %add3A_100 : i32
      %add3A_102 = arith.constant 54 : i32
      %add3A_103 = arith.addi %mul3A_30, %add3A_102 : i32
      %add3A_104 = arith.constant 26 : i32
      %add3A_105 = arith.addi %add3A_103, %add3A_104 : i32
      %dma_start3A_106 = arith.constant 0 : i32
      %dma_start3A_107 = tpu.memref_slice %arg7[%add3A_101, %dma_start3A_106] : memref<128x64xf32, #tpu.memory_space<vmem>> -> memref<1x64xf32, #tpu.memory_space<vmem>>
      %dma_start3A_108 = arith.constant 0 : i32
      %dma_start3A_109 = tpu.memref_slice %arg5[%add3A_105, %dma_start3A_108] : memref<110592x64xf32, #tpu.memory_space<hbm>> -> memref<1x64xf32, #tpu.memory_space<hbm>>
      %dma_start3A_110 = arith.constant 0 : i32
      %dma_start3A_111 = tpu.memref_slice %arg5[%add3A_105, %dma_start3A_110] : memref<110592x64xf32, #tpu.memory_space<hbm>> -> memref<1x64xf32, #tpu.memory_space<hbm>>
      %dma_start3A_112 = arith.constant 0 : i32
      %dma_start3A_113 = tpu.memref_slice %arg7[%add3A_101, %dma_start3A_112] : memref<128x64xf32, #tpu.memory_space<vmem>> -> memref<1x64xf32, #tpu.memory_space<vmem>>
      tpu.enqueue_dma source(%dma_start3A_113 : memref<1x64xf32, #tpu.memory_space<vmem>>) target(%dma_start3A_111 : memref<1x64xf32, #tpu.memory_space<hbm>>) target_semaphore(%arg12 : memref<!tpu.dma_semaphore, #tpu.memory_space<semaphore_mem>>)
      %add3A_114 = arith.constant 81 : i32
      %add3A_115 = arith.addi %mul3A_30, %add3A_114 : i32
      %dma_start3A_116 = arith.constant 78 : i32
      %dma_start3A_117 = arith.constant 0 : i32
      %dma_start3A_118 = tpu.memref_slice %arg8[%dma_start3A_116, %dma_start3A_117] : memref<104x64xf32, #tpu.memory_space<vmem>> -> memref<26x64xf32, #tpu.memory_space<vmem>>
      %dma_start3A_119 = arith.constant 0 : i32
      %dma_start3A_120 = tpu.memref_slice %arg5[%add3A_115, %dma_start3A_119] : memref<110592x64xf32, #tpu.memory_space<hbm>> -> memref<26x64xf32, #tpu.memory_space<hbm>>
      %dma_start3A_121 = arith.constant 0 : i32
      %dma_start3A_122 = tpu.memref_slice %arg5[%add3A_115, %dma_start3A_121] : memref<110592x64xf32, #tpu.memory_space<hbm>> -> memref<26x64xf32, #tpu.memory_space<hbm>>
      %dma_start3A_123 = arith.constant 78 : i32
      %dma_start3A_124 = arith.constant 0 : i32
      %dma_start3A_125 = tpu.memref_slice %arg8[%dma_start3A_123, %dma_start3A_124] : memref<104x64xf32, #tpu.memory_space<vmem>> -> memref<26x64xf32, #tpu.memory_space<vmem>>
      tpu.enqueue_dma source(%dma_start3A_125 : memref<26x64xf32, #tpu.memory_space<vmem>>) target(%dma_start3A_122 : memref<26x64xf32, #tpu.memory_space<hbm>>) target_semaphore(%arg12 : memref<!tpu.dma_semaphore, #tpu.memory_space<semaphore_mem>>)
      %add3A_126 = arith.constant 3 : i32
      %add3A_127 = arith.addi %mul3A_25, %add3A_126 : i32
      %add3A_128 = arith.constant 81 : i32
      %add3A_129 = arith.addi %mul3A_30, %add3A_128 : i32
      %add3A_130 = arith.constant 26 : i32
      %add3A_131 = arith.addi %add3A_129, %add3A_130 : i32
      %dma_start3A_132 = arith.constant 0 : i32
      %dma_start3A_133 = tpu.memref_slice %arg7[%add3A_127, %dma_start3A_132] : memref<128x64xf32, #tpu.memory_space<vmem>> -> memref<1x64xf32, #tpu.memory_space<vmem>>
      %dma_start3A_134 = arith.constant 0 : i32
      %dma_start3A_135 = tpu.memref_slice %arg5[%add3A_131, %dma_start3A_134] : memref<110592x64xf32, #tpu.memory_space<hbm>> -> memref<1x64xf32, #tpu.memory_space<hbm>>
      %dma_start3A_136 = arith.constant 0 : i32
      %dma_start3A_137 = tpu.memref_slice %arg5[%add3A_131, %dma_start3A_136] : memref<110592x64xf32, #tpu.memory_space<hbm>> -> memref<1x64xf32, #tpu.memory_space<hbm>>
      %dma_start3A_138 = arith.constant 0 : i32
      %dma_start3A_139 = tpu.memref_slice %arg7[%add3A_127, %dma_start3A_138] : memref<128x64xf32, #tpu.memory_space<vmem>> -> memref<1x64xf32, #tpu.memory_space<vmem>>
      tpu.enqueue_dma source(%dma_start3A_139 : memref<1x64xf32, #tpu.memory_space<vmem>>) target(%dma_start3A_137 : memref<1x64xf32, #tpu.memory_space<hbm>>) target_semaphore(%arg12 : memref<!tpu.dma_semaphore, #tpu.memory_space<semaphore_mem>>)
      %dma_wait3A_140 = arith.constant 0 : i32
      %dma_wait3A_141 = arith.constant 0 : i32
      %dma_wait3A_142 = tpu.memref_slice %arg8[%dma_wait3A_140, %dma_wait3A_141] : memref<104x64xf32, #tpu.memory_space<vmem>> -> memref<26x64xf32, #tpu.memory_space<vmem>>
      %dma_wait3A_143 = arith.constant 0 : i32
      %dma_wait3A_144 = tpu.memref_slice %arg5[%add3A_37, %dma_wait3A_143] : memref<110592x64xf32, #tpu.memory_space<hbm>> -> memref<26x64xf32, #tpu.memory_space<hbm>>
      %dma_wait3A_145 = arith.constant 0 : i32
      %dma_wait3A_146 = tpu.memref_slice %arg5[%add3A_37, %dma_wait3A_145] : memref<110592x64xf32, #tpu.memory_space<hbm>> -> memref<26x64xf32, #tpu.memory_space<hbm>>
      %dma_wait3A_147 = arith.constant 0 : i32
      %dma_wait3A_148 = arith.constant 0 : i32
      %dma_wait3A_149 = tpu.memref_slice %arg8[%dma_wait3A_147, %dma_wait3A_148] : memref<104x64xf32, #tpu.memory_space<vmem>> -> memref<26x64xf32, #tpu.memory_space<vmem>>
      tpu.wait_dma2 semaphore(%arg12 : memref<!tpu.dma_semaphore, #tpu.memory_space<semaphore_mem>>) src(%dma_wait3A_149 : memref<26x64xf32, #tpu.memory_space<vmem>>) dst(%dma_wait3A_146 : memref<26x64xf32, #tpu.memory_space<hbm>>)
      %dma_wait3A_150 = arith.constant 0 : i32
      %dma_wait3A_151 = tpu.memref_slice %arg7[%add3A_49, %dma_wait3A_150] : memref<128x64xf32, #tpu.memory_space<vmem>> -> memref<1x64xf32, #tpu.memory_space<vmem>>
      %dma_wait3A_152 = arith.constant 0 : i32
      %dma_wait3A_153 = tpu.memref_slice %arg5[%add3A_53, %dma_wait3A_152] : memref<110592x64xf32, #tpu.memory_space<hbm>> -> memref<1x64xf32, #tpu.memory_space<hbm>>
      %dma_wait3A_154 = arith.constant 0 : i32
      %dma_wait3A_155 = tpu.memref_slice %arg5[%add3A_53, %dma_wait3A_154] : memref<110592x64xf32, #tpu.memory_space<hbm>> -> memref<1x64xf32, #tpu.memory_space<hbm>>
      %dma_wait3A_156 = arith.constant 0 : i32
      %dma_wait3A_157 = tpu.memref_slice %arg7[%add3A_49, %dma_wait3A_156] : memref<128x64xf32, #tpu.memory_space<vmem>> -> memref<1x64xf32, #tpu.memory_space<vmem>>
      tpu.wait_dma2 semaphore(%arg12 : memref<!tpu.dma_semaphore, #tpu.memory_space<semaphore_mem>>) src(%dma_wait3A_157 : memref<1x64xf32, #tpu.memory_space<vmem>>) dst(%dma_wait3A_155 : memref<1x64xf32, #tpu.memory_space<hbm>>)
      %dma_wait3A_158 = arith.constant 26 : i32
      %dma_wait3A_159 = arith.constant 0 : i32
      %dma_wait3A_160 = tpu.memref_slice %arg8[%dma_wait3A_158, %dma_wait3A_159] : memref<104x64xf32, #tpu.memory_space<vmem>> -> memref<26x64xf32, #tpu.memory_space<vmem>>
      %dma_wait3A_161 = arith.constant 0 : i32
      %dma_wait3A_162 = tpu.memref_slice %arg5[%add3A_63, %dma_wait3A_161] : memref<110592x64xf32, #tpu.memory_space<hbm>> -> memref<26x64xf32, #tpu.memory_space<hbm>>
      %dma_wait3A_163 = arith.constant 0 : i32
      %dma_wait3A_164 = tpu.memref_slice %arg5[%add3A_63, %dma_wait3A_163] : memref<110592x64xf32, #tpu.memory_space<hbm>> -> memref<26x64xf32, #tpu.memory_space<hbm>>
      %dma_wait3A_165 = arith.constant 26 : i32
      %dma_wait3A_166 = arith.constant 0 : i32
      %dma_wait3A_167 = tpu.memref_slice %arg8[%dma_wait3A_165, %dma_wait3A_166] : memref<104x64xf32, #tpu.memory_space<vmem>> -> memref<26x64xf32, #tpu.memory_space<vmem>>
      tpu.wait_dma2 semaphore(%arg12 : memref<!tpu.dma_semaphore, #tpu.memory_space<semaphore_mem>>) src(%dma_wait3A_167 : memref<26x64xf32, #tpu.memory_space<vmem>>) dst(%dma_wait3A_164 : memref<26x64xf32, #tpu.memory_space<hbm>>)
      %dma_wait3A_168 = arith.constant 0 : i32
      %dma_wait3A_169 = tpu.memref_slice %arg7[%add3A_75, %dma_wait3A_168] : memref<128x64xf32, #tpu.memory_space<vmem>> -> memref<1x64xf32, #tpu.memory_space<vmem>>
      %dma_wait3A_170 = arith.constant 0 : i32
      %dma_wait3A_171 = tpu.memref_slice %arg5[%add3A_79, %dma_wait3A_170] : memref<110592x64xf32, #tpu.memory_space<hbm>> -> memref<1x64xf32, #tpu.memory_space<hbm>>
      %dma_wait3A_172 = arith.constant 0 : i32
      %dma_wait3A_173 = tpu.memref_slice %arg5[%add3A_79, %dma_wait3A_172] : memref<110592x64xf32, #tpu.memory_space<hbm>> -> memref<1x64xf32, #tpu.memory_space<hbm>>
      %dma_wait3A_174 = arith.constant 0 : i32
      %dma_wait3A_175 = tpu.memref_slice %arg7[%add3A_75, %dma_wait3A_174] : memref<128x64xf32, #tpu.memory_space<vmem>> -> memref<1x64xf32, #tpu.memory_space<vmem>>
      tpu.wait_dma2 semaphore(%arg12 : memref<!tpu.dma_semaphore, #tpu.memory_space<semaphore_mem>>) src(%dma_wait3A_175 : memref<1x64xf32, #tpu.memory_space<vmem>>) dst(%dma_wait3A_173 : memref<1x64xf32, #tpu.memory_space<hbm>>)
      %dma_wait3A_176 = arith.constant 52 : i32
      %dma_wait3A_177 = arith.constant 0 : i32
      %dma_wait3A_178 = tpu.memref_slice %arg8[%dma_wait3A_176, %dma_wait3A_177] : memref<104x64xf32, #tpu.memory_space<vmem>> -> memref<26x64xf32, #tpu.memory_space<vmem>>
      %dma_wait3A_179 = arith.constant 0 : i32
      %dma_wait3A_180 = tpu.memref_slice %arg5[%add3A_89, %dma_wait3A_179] : memref<110592x64xf32, #tpu.memory_space<hbm>> -> memref<26x64xf32, #tpu.memory_space<hbm>>
      %dma_wait3A_181 = arith.constant 0 : i32
      %dma_wait3A_182 = tpu.memref_slice %arg5[%add3A_89, %dma_wait3A_181] : memref<110592x64xf32, #tpu.memory_space<hbm>> -> memref<26x64xf32, #tpu.memory_space<hbm>>
      %dma_wait3A_183 = arith.constant 52 : i32
      %dma_wait3A_184 = arith.constant 0 : i32
      %dma_wait3A_185 = tpu.memref_slice %arg8[%dma_wait3A_183, %dma_wait3A_184] : memref<104x64xf32, #tpu.memory_space<vmem>> -> memref<26x64xf32, #tpu.memory_space<vmem>>
      tpu.wait_dma2 semaphore(%arg12 : memref<!tpu.dma_semaphore, #tpu.memory_space<semaphore_mem>>) src(%dma_wait3A_185 : memref<26x64xf32, #tpu.memory_space<vmem>>) dst(%dma_wait3A_182 : memref<26x64xf32, #tpu.memory_space<hbm>>)
      %dma_wait3A_186 = arith.constant 0 : i32
      %dma_wait3A_187 = tpu.memref_slice %arg7[%add3A_101, %dma_wait3A_186] : memref<128x64xf32, #tpu.memory_space<vmem>> -> memref<1x64xf32, #tpu.memory_space<vmem>>
      %dma_wait3A_188 = arith.constant 0 : i32
      %dma_wait3A_189 = tpu.memref_slice %arg5[%add3A_105, %dma_wait3A_188] : memref<110592x64xf32, #tpu.memory_space<hbm>> -> memref<1x64xf32, #tpu.memory_space<hbm>>
      %dma_wait3A_190 = arith.constant 0 : i32
      %dma_wait3A_191 = tpu.memref_slice %arg5[%add3A_105, %dma_wait3A_190] : memref<110592x64xf32, #tpu.memory_space<hbm>> -> memref<1x64xf32, #tpu.memory_space<hbm>>
      %dma_wait3A_192 = arith.constant 0 : i32
      %dma_wait3A_193 = tpu.memref_slice %arg7[%add3A_101, %dma_wait3A_192] : memref<128x64xf32, #tpu.memory_space<vmem>> -> memref<1x64xf32, #tpu.memory_space<vmem>>
      tpu.wait_dma2 semaphore(%arg12 : memref<!tpu.dma_semaphore, #tpu.memory_space<semaphore_mem>>) src(%dma_wait3A_193 : memref<1x64xf32, #tpu.memory_space<vmem>>) dst(%dma_wait3A_191 : memref<1x64xf32, #tpu.memory_space<hbm>>)
      %dma_wait3A_194 = arith.constant 78 : i32
      %dma_wait3A_195 = arith.constant 0 : i32
      %dma_wait3A_196 = tpu.memref_slice %arg8[%dma_wait3A_194, %dma_wait3A_195] : memref<104x64xf32, #tpu.memory_space<vmem>> -> memref<26x64xf32, #tpu.memory_space<vmem>>
      %dma_wait3A_197 = arith.constant 0 : i32
      %dma_wait3A_198 = tpu.memref_slice %arg5[%add3A_115, %dma_wait3A_197] : memref<110592x64xf32, #tpu.memory_space<hbm>> -> memref<26x64xf32, #tpu.memory_space<hbm>>
      %dma_wait3A_199 = arith.constant 0 : i32
      %dma_wait3A_200 = tpu.memref_slice %arg5[%add3A_115, %dma_wait3A_199] : memref<110592x64xf32, #tpu.memory_space<hbm>> -> memref<26x64xf32, #tpu.memory_space<hbm>>
      %dma_wait3A_201 = arith.constant 78 : i32
      %dma_wait3A_202 = arith.constant 0 : i32
      %dma_wait3A_203 = tpu.memref_slice %arg8[%dma_wait3A_201, %dma_wait3A_202] : memref<104x64xf32, #tpu.memory_space<vmem>> -> memref<26x64xf32, #tpu.memory_space<vmem>>
      tpu.wait_dma2 semaphore(%arg12 : memref<!tpu.dma_semaphore, #tpu.memory_space<semaphore_mem>>) src(%dma_wait3A_203 : memref<26x64xf32, #tpu.memory_space<vmem>>) dst(%dma_wait3A_200 : memref<26x64xf32, #tpu.memory_space<hbm>>)
      %dma_wait3A_204 = arith.constant 0 : i32
      %dma_wait3A_205 = tpu.memref_slice %arg7[%add3A_127, %dma_wait3A_204] : memref<128x64xf32, #tpu.memory_space<vmem>> -> memref<1x64xf32, #tpu.memory_space<vmem>>
      %dma_wait3A_206 = arith.constant 0 : i32
      %dma_wait3A_207 = tpu.memref_slice %arg5[%add3A_131, %dma_wait3A_206] : memref<110592x64xf32, #tpu.memory_space<hbm>> -> memref<1x64xf32, #tpu.memory_space<hbm>>
      %dma_wait3A_208 = arith.constant 0 : i32
      %dma_wait3A_209 = tpu.memref_slice %arg5[%add3A_131, %dma_wait3A_208] : memref<110592x64xf32, #tpu.memory_space<hbm>> -> memref<1x64xf32, #tpu.memory_space<hbm>>
      %dma_wait3A_210 = arith.constant 0 : i32
      %dma_wait3A_211 = tpu.memref_slice %arg7[%add3A_127, %dma_wait3A_210] : memref<128x64xf32, #tpu.memory_space<vmem>> -> memref<1x64xf32, #tpu.memory_space<vmem>>
      tpu.wait_dma2 semaphore(%arg12 : memref<!tpu.dma_semaphore, #tpu.memory_space<semaphore_mem>>) src(%dma_wait3A_211 : memref<1x64xf32, #tpu.memory_space<vmem>>) dst(%dma_wait3A_209 : memref<1x64xf32, #tpu.memory_space<hbm>>)
      %lt3A = arith.constant 15 : i32
      %lt3A_212 = arith.cmpi slt, %scan3A_20, %lt3A : i32
      %convert_element_type3A = arith.extui %lt3A_212 : i1 to i32
      %cond3A = arith.constant 0 : i32
      %cond3A_213 = arith.cmpi ne, %convert_element_type3A, %cond3A : i32
      scf.if %cond3A_213 {
        %add3A_413 = arith.constant 2 : i32
        %add3A_414 = arith.addi %mul3A_23, %add3A_413 : i32
        %mul3A_415 = arith.constant 4 : i32
        %mul3A_416 = arith.muli %add3A_414, %mul3A_415 : i32
        %mul3A_417 = arith.constant 26 : i32
        %mul3A_418 = arith.muli %mul3A_416, %mul3A_417 : i32
        %dma_start3A_419 = tpu.memref_slice %arg6[%mul3A_418] : memref<3328xi32, #tpu.memory_space<vmem>> -> memref<104xi32, #tpu.memory_space<vmem>>
        %dma_start3A_420 = arith.constant 0 : i32
        %dma_start3A_421 = arith.constant 0 : i32
        %dma_start3A_422 = tpu.memref_slice %arg4[%dma_start3A_420, %dma_start3A_421] : memref<262144x64xf32, #tpu.memory_space<hbm>> -> memref<262144x64xf32, #tpu.memory_space<hbm>>
        tpu.enqueue_indirect_dma source(%dma_start3A_422 : memref<262144x64xf32, #tpu.memory_space<hbm>>) target(%arg8 : memref<104x64xf32, #tpu.memory_space<vmem>>) offsets(%dma_start3A_419 : memref<104xi32, #tpu.memory_space<vmem>>) semaphore(%arg10 : memref<!tpu.dma_semaphore, #tpu.memory_space<semaphore_mem>>)
      } else {
      }
      %mul3A_214 = arith.constant 2 : i32
      %mul3A_215 = arith.muli %mul3A_214, %scan3A_20 : i32
      %add3A_216 = arith.constant 1 : i32
      %add3A_217 = arith.addi %mul3A_215, %add3A_216 : i32
      %mul3A_218 = arith.constant 4 : i32
      %mul3A_219 = arith.muli %add3A_217, %mul3A_218 : i32
      %mul3A_220 = arith.constant 128 : i32
      %mul3A_221 = arith.muli %add3A, %mul3A_220 : i32
      %add3A_222 = arith.addi %mul3A_221, %mul3A_219 : i32
      %mul3A_223 = arith.constant 27 : i32
      %mul3A_224 = arith.muli %add3A_222, %mul3A_223 : i32
      %dma_wait3A_225 = arith.constant 0 : i32
      %dma_wait3A_226 = arith.constant 0 : i32
      %dma_wait3A_227 = tpu.memref_slice %arg4[%dma_wait3A_225, %dma_wait3A_226] : memref<262144x64xf32, #tpu.memory_space<hbm>> -> memref<104x64xf32, #tpu.memory_space<hbm>>
      %dma_wait3A_228 = arith.constant 0 : i32
      %dma_wait3A_229 = arith.constant 0 : i32
      %dma_wait3A_230 = tpu.memref_slice %arg4[%dma_wait3A_228, %dma_wait3A_229] : memref<262144x64xf32, #tpu.memory_space<hbm>> -> memref<104x64xf32, #tpu.memory_space<hbm>>
      tpu.wait_dma2 semaphore(%arg11 : memref<!tpu.dma_semaphore, #tpu.memory_space<semaphore_mem>>) src(%dma_wait3A_230 : memref<104x64xf32, #tpu.memory_space<hbm>>) dst(%arg9 : memref<104x64xf32, #tpu.memory_space<vmem>>)
      %add3A_231 = arith.constant 0 : i32
      %add3A_232 = arith.addi %mul3A_224, %add3A_231 : i32
      %dma_start3A_233 = arith.constant 0 : i32
      %dma_start3A_234 = arith.constant 0 : i32
      %dma_start3A_235 = tpu.memref_slice %arg9[%dma_start3A_233, %dma_start3A_234] : memref<104x64xf32, #tpu.memory_space<vmem>> -> memref<26x64xf32, #tpu.memory_space<vmem>>
      %dma_start3A_236 = arith.constant 0 : i32
      %dma_start3A_237 = tpu.memref_slice %arg5[%add3A_232, %dma_start3A_236] : memref<110592x64xf32, #tpu.memory_space<hbm>> -> memref<26x64xf32, #tpu.memory_space<hbm>>
      %dma_start3A_238 = arith.constant 0 : i32
      %dma_start3A_239 = tpu.memref_slice %arg5[%add3A_232, %dma_start3A_238] : memref<110592x64xf32, #tpu.memory_space<hbm>> -> memref<26x64xf32, #tpu.memory_space<hbm>>
      %dma_start3A_240 = arith.constant 0 : i32
      %dma_start3A_241 = arith.constant 0 : i32
      %dma_start3A_242 = tpu.memref_slice %arg9[%dma_start3A_240, %dma_start3A_241] : memref<104x64xf32, #tpu.memory_space<vmem>> -> memref<26x64xf32, #tpu.memory_space<vmem>>
      tpu.enqueue_dma source(%dma_start3A_242 : memref<26x64xf32, #tpu.memory_space<vmem>>) target(%dma_start3A_239 : memref<26x64xf32, #tpu.memory_space<hbm>>) target_semaphore(%arg13 : memref<!tpu.dma_semaphore, #tpu.memory_space<semaphore_mem>>)
      %add3A_243 = arith.constant 0 : i32
      %add3A_244 = arith.addi %mul3A_219, %add3A_243 : i32
      %add3A_245 = arith.constant 0 : i32
      %add3A_246 = arith.addi %mul3A_224, %add3A_245 : i32
      %add3A_247 = arith.constant 26 : i32
      %add3A_248 = arith.addi %add3A_246, %add3A_247 : i32
      %dma_start3A_249 = arith.constant 0 : i32
      %dma_start3A_250 = tpu.memref_slice %arg7[%add3A_244, %dma_start3A_249] : memref<128x64xf32, #tpu.memory_space<vmem>> -> memref<1x64xf32, #tpu.memory_space<vmem>>
      %dma_start3A_251 = arith.constant 0 : i32
      %dma_start3A_252 = tpu.memref_slice %arg5[%add3A_248, %dma_start3A_251] : memref<110592x64xf32, #tpu.memory_space<hbm>> -> memref<1x64xf32, #tpu.memory_space<hbm>>
      %dma_start3A_253 = arith.constant 0 : i32
      %dma_start3A_254 = tpu.memref_slice %arg5[%add3A_248, %dma_start3A_253] : memref<110592x64xf32, #tpu.memory_space<hbm>> -> memref<1x64xf32, #tpu.memory_space<hbm>>
      %dma_start3A_255 = arith.constant 0 : i32
      %dma_start3A_256 = tpu.memref_slice %arg7[%add3A_244, %dma_start3A_255] : memref<128x64xf32, #tpu.memory_space<vmem>> -> memref<1x64xf32, #tpu.memory_space<vmem>>
      tpu.enqueue_dma source(%dma_start3A_256 : memref<1x64xf32, #tpu.memory_space<vmem>>) target(%dma_start3A_254 : memref<1x64xf32, #tpu.memory_space<hbm>>) target_semaphore(%arg13 : memref<!tpu.dma_semaphore, #tpu.memory_space<semaphore_mem>>)
      %add3A_257 = arith.constant 27 : i32
      %add3A_258 = arith.addi %mul3A_224, %add3A_257 : i32
      %dma_start3A_259 = arith.constant 26 : i32
      %dma_start3A_260 = arith.constant 0 : i32
      %dma_start3A_261 = tpu.memref_slice %arg9[%dma_start3A_259, %dma_start3A_260] : memref<104x64xf32, #tpu.memory_space<vmem>> -> memref<26x64xf32, #tpu.memory_space<vmem>>
      %dma_start3A_262 = arith.constant 0 : i32
      %dma_start3A_263 = tpu.memref_slice %arg5[%add3A_258, %dma_start3A_262] : memref<110592x64xf32, #tpu.memory_space<hbm>> -> memref<26x64xf32, #tpu.memory_space<hbm>>
      %dma_start3A_264 = arith.constant 0 : i32
      %dma_start3A_265 = tpu.memref_slice %arg5[%add3A_258, %dma_start3A_264] : memref<110592x64xf32, #tpu.memory_space<hbm>> -> memref<26x64xf32, #tpu.memory_space<hbm>>
      %dma_start3A_266 = arith.constant 26 : i32
      %dma_start3A_267 = arith.constant 0 : i32
      %dma_start3A_268 = tpu.memref_slice %arg9[%dma_start3A_266, %dma_start3A_267] : memref<104x64xf32, #tpu.memory_space<vmem>> -> memref<26x64xf32, #tpu.memory_space<vmem>>
      tpu.enqueue_dma source(%dma_start3A_268 : memref<26x64xf32, #tpu.memory_space<vmem>>) target(%dma_start3A_265 : memref<26x64xf32, #tpu.memory_space<hbm>>) target_semaphore(%arg13 : memref<!tpu.dma_semaphore, #tpu.memory_space<semaphore_mem>>)
      %add3A_269 = arith.constant 1 : i32
      %add3A_270 = arith.addi %mul3A_219, %add3A_269 : i32
      %add3A_271 = arith.constant 27 : i32
      %add3A_272 = arith.addi %mul3A_224, %add3A_271 : i32
      %add3A_273 = arith.constant 26 : i32
      %add3A_274 = arith.addi %add3A_272, %add3A_273 : i32
      %dma_start3A_275 = arith.constant 0 : i32
      %dma_start3A_276 = tpu.memref_slice %arg7[%add3A_270, %dma_start3A_275] : memref<128x64xf32, #tpu.memory_space<vmem>> -> memref<1x64xf32, #tpu.memory_space<vmem>>
      %dma_start3A_277 = arith.constant 0 : i32
      %dma_start3A_278 = tpu.memref_slice %arg5[%add3A_274, %dma_start3A_277] : memref<110592x64xf32, #tpu.memory_space<hbm>> -> memref<1x64xf32, #tpu.memory_space<hbm>>
      %dma_start3A_279 = arith.constant 0 : i32
      %dma_start3A_280 = tpu.memref_slice %arg5[%add3A_274, %dma_start3A_279] : memref<110592x64xf32, #tpu.memory_space<hbm>> -> memref<1x64xf32, #tpu.memory_space<hbm>>
      %dma_start3A_281 = arith.constant 0 : i32
      %dma_start3A_282 = tpu.memref_slice %arg7[%add3A_270, %dma_start3A_281] : memref<128x64xf32, #tpu.memory_space<vmem>> -> memref<1x64xf32, #tpu.memory_space<vmem>>
      tpu.enqueue_dma source(%dma_start3A_282 : memref<1x64xf32, #tpu.memory_space<vmem>>) target(%dma_start3A_280 : memref<1x64xf32, #tpu.memory_space<hbm>>) target_semaphore(%arg13 : memref<!tpu.dma_semaphore, #tpu.memory_space<semaphore_mem>>)
      %add3A_283 = arith.constant 54 : i32
      %add3A_284 = arith.addi %mul3A_224, %add3A_283 : i32
      %dma_start3A_285 = arith.constant 52 : i32
      %dma_start3A_286 = arith.constant 0 : i32
      %dma_start3A_287 = tpu.memref_slice %arg9[%dma_start3A_285, %dma_start3A_286] : memref<104x64xf32, #tpu.memory_space<vmem>> -> memref<26x64xf32, #tpu.memory_space<vmem>>
      %dma_start3A_288 = arith.constant 0 : i32
      %dma_start3A_289 = tpu.memref_slice %arg5[%add3A_284, %dma_start3A_288] : memref<110592x64xf32, #tpu.memory_space<hbm>> -> memref<26x64xf32, #tpu.memory_space<hbm>>
      %dma_start3A_290 = arith.constant 0 : i32
      %dma_start3A_291 = tpu.memref_slice %arg5[%add3A_284, %dma_start3A_290] : memref<110592x64xf32, #tpu.memory_space<hbm>> -> memref<26x64xf32, #tpu.memory_space<hbm>>
      %dma_start3A_292 = arith.constant 52 : i32
      %dma_start3A_293 = arith.constant 0 : i32
      %dma_start3A_294 = tpu.memref_slice %arg9[%dma_start3A_292, %dma_start3A_293] : memref<104x64xf32, #tpu.memory_space<vmem>> -> memref<26x64xf32, #tpu.memory_space<vmem>>
      tpu.enqueue_dma source(%dma_start3A_294 : memref<26x64xf32, #tpu.memory_space<vmem>>) target(%dma_start3A_291 : memref<26x64xf32, #tpu.memory_space<hbm>>) target_semaphore(%arg13 : memref<!tpu.dma_semaphore, #tpu.memory_space<semaphore_mem>>)
      %add3A_295 = arith.constant 2 : i32
      %add3A_296 = arith.addi %mul3A_219, %add3A_295 : i32
      %add3A_297 = arith.constant 54 : i32
      %add3A_298 = arith.addi %mul3A_224, %add3A_297 : i32
      %add3A_299 = arith.constant 26 : i32
      %add3A_300 = arith.addi %add3A_298, %add3A_299 : i32
      %dma_start3A_301 = arith.constant 0 : i32
      %dma_start3A_302 = tpu.memref_slice %arg7[%add3A_296, %dma_start3A_301] : memref<128x64xf32, #tpu.memory_space<vmem>> -> memref<1x64xf32, #tpu.memory_space<vmem>>
      %dma_start3A_303 = arith.constant 0 : i32
      %dma_start3A_304 = tpu.memref_slice %arg5[%add3A_300, %dma_start3A_303] : memref<110592x64xf32, #tpu.memory_space<hbm>> -> memref<1x64xf32, #tpu.memory_space<hbm>>
      %dma_start3A_305 = arith.constant 0 : i32
      %dma_start3A_306 = tpu.memref_slice %arg5[%add3A_300, %dma_start3A_305] : memref<110592x64xf32, #tpu.memory_space<hbm>> -> memref<1x64xf32, #tpu.memory_space<hbm>>
      %dma_start3A_307 = arith.constant 0 : i32
      %dma_start3A_308 = tpu.memref_slice %arg7[%add3A_296, %dma_start3A_307] : memref<128x64xf32, #tpu.memory_space<vmem>> -> memref<1x64xf32, #tpu.memory_space<vmem>>
      tpu.enqueue_dma source(%dma_start3A_308 : memref<1x64xf32, #tpu.memory_space<vmem>>) target(%dma_start3A_306 : memref<1x64xf32, #tpu.memory_space<hbm>>) target_semaphore(%arg13 : memref<!tpu.dma_semaphore, #tpu.memory_space<semaphore_mem>>)
      %add3A_309 = arith.constant 81 : i32
      %add3A_310 = arith.addi %mul3A_224, %add3A_309 : i32
      %dma_start3A_311 = arith.constant 78 : i32
      %dma_start3A_312 = arith.constant 0 : i32
      %dma_start3A_313 = tpu.memref_slice %arg9[%dma_start3A_311, %dma_start3A_312] : memref<104x64xf32, #tpu.memory_space<vmem>> -> memref<26x64xf32, #tpu.memory_space<vmem>>
      %dma_start3A_314 = arith.constant 0 : i32
      %dma_start3A_315 = tpu.memref_slice %arg5[%add3A_310, %dma_start3A_314] : memref<110592x64xf32, #tpu.memory_space<hbm>> -> memref<26x64xf32, #tpu.memory_space<hbm>>
      %dma_start3A_316 = arith.constant 0 : i32
      %dma_start3A_317 = tpu.memref_slice %arg5[%add3A_310, %dma_start3A_316] : memref<110592x64xf32, #tpu.memory_space<hbm>> -> memref<26x64xf32, #tpu.memory_space<hbm>>
      %dma_start3A_318 = arith.constant 78 : i32
      %dma_start3A_319 = arith.constant 0 : i32
      %dma_start3A_320 = tpu.memref_slice %arg9[%dma_start3A_318, %dma_start3A_319] : memref<104x64xf32, #tpu.memory_space<vmem>> -> memref<26x64xf32, #tpu.memory_space<vmem>>
      tpu.enqueue_dma source(%dma_start3A_320 : memref<26x64xf32, #tpu.memory_space<vmem>>) target(%dma_start3A_317 : memref<26x64xf32, #tpu.memory_space<hbm>>) target_semaphore(%arg13 : memref<!tpu.dma_semaphore, #tpu.memory_space<semaphore_mem>>)
      %add3A_321 = arith.constant 3 : i32
      %add3A_322 = arith.addi %mul3A_219, %add3A_321 : i32
      %add3A_323 = arith.constant 81 : i32
      %add3A_324 = arith.addi %mul3A_224, %add3A_323 : i32
      %add3A_325 = arith.constant 26 : i32
      %add3A_326 = arith.addi %add3A_324, %add3A_325 : i32
      %dma_start3A_327 = arith.constant 0 : i32
      %dma_start3A_328 = tpu.memref_slice %arg7[%add3A_322, %dma_start3A_327] : memref<128x64xf32, #tpu.memory_space<vmem>> -> memref<1x64xf32, #tpu.memory_space<vmem>>
      %dma_start3A_329 = arith.constant 0 : i32
      %dma_start3A_330 = tpu.memref_slice %arg5[%add3A_326, %dma_start3A_329] : memref<110592x64xf32, #tpu.memory_space<hbm>> -> memref<1x64xf32, #tpu.memory_space<hbm>>
      %dma_start3A_331 = arith.constant 0 : i32
      %dma_start3A_332 = tpu.memref_slice %arg5[%add3A_326, %dma_start3A_331] : memref<110592x64xf32, #tpu.memory_space<hbm>> -> memref<1x64xf32, #tpu.memory_space<hbm>>
      %dma_start3A_333 = arith.constant 0 : i32
      %dma_start3A_334 = tpu.memref_slice %arg7[%add3A_322, %dma_start3A_333] : memref<128x64xf32, #tpu.memory_space<vmem>> -> memref<1x64xf32, #tpu.memory_space<vmem>>
      tpu.enqueue_dma source(%dma_start3A_334 : memref<1x64xf32, #tpu.memory_space<vmem>>) target(%dma_start3A_332 : memref<1x64xf32, #tpu.memory_space<hbm>>) target_semaphore(%arg13 : memref<!tpu.dma_semaphore, #tpu.memory_space<semaphore_mem>>)
      %dma_wait3A_335 = arith.constant 0 : i32
      %dma_wait3A_336 = arith.constant 0 : i32
      %dma_wait3A_337 = tpu.memref_slice %arg9[%dma_wait3A_335, %dma_wait3A_336] : memref<104x64xf32, #tpu.memory_space<vmem>> -> memref<26x64xf32, #tpu.memory_space<vmem>>
      %dma_wait3A_338 = arith.constant 0 : i32
      %dma_wait3A_339 = tpu.memref_slice %arg5[%add3A_232, %dma_wait3A_338] : memref<110592x64xf32, #tpu.memory_space<hbm>> -> memref<26x64xf32, #tpu.memory_space<hbm>>
      %dma_wait3A_340 = arith.constant 0 : i32
      %dma_wait3A_341 = tpu.memref_slice %arg5[%add3A_232, %dma_wait3A_340] : memref<110592x64xf32, #tpu.memory_space<hbm>> -> memref<26x64xf32, #tpu.memory_space<hbm>>
      %dma_wait3A_342 = arith.constant 0 : i32
      %dma_wait3A_343 = arith.constant 0 : i32
      %dma_wait3A_344 = tpu.memref_slice %arg9[%dma_wait3A_342, %dma_wait3A_343] : memref<104x64xf32, #tpu.memory_space<vmem>> -> memref<26x64xf32, #tpu.memory_space<vmem>>
      tpu.wait_dma2 semaphore(%arg13 : memref<!tpu.dma_semaphore, #tpu.memory_space<semaphore_mem>>) src(%dma_wait3A_344 : memref<26x64xf32, #tpu.memory_space<vmem>>) dst(%dma_wait3A_341 : memref<26x64xf32, #tpu.memory_space<hbm>>)
      %dma_wait3A_345 = arith.constant 0 : i32
      %dma_wait3A_346 = tpu.memref_slice %arg7[%add3A_244, %dma_wait3A_345] : memref<128x64xf32, #tpu.memory_space<vmem>> -> memref<1x64xf32, #tpu.memory_space<vmem>>
      %dma_wait3A_347 = arith.constant 0 : i32
      %dma_wait3A_348 = tpu.memref_slice %arg5[%add3A_248, %dma_wait3A_347] : memref<110592x64xf32, #tpu.memory_space<hbm>> -> memref<1x64xf32, #tpu.memory_space<hbm>>
      %dma_wait3A_349 = arith.constant 0 : i32
      %dma_wait3A_350 = tpu.memref_slice %arg5[%add3A_248, %dma_wait3A_349] : memref<110592x64xf32, #tpu.memory_space<hbm>> -> memref<1x64xf32, #tpu.memory_space<hbm>>
      %dma_wait3A_351 = arith.constant 0 : i32
      %dma_wait3A_352 = tpu.memref_slice %arg7[%add3A_244, %dma_wait3A_351] : memref<128x64xf32, #tpu.memory_space<vmem>> -> memref<1x64xf32, #tpu.memory_space<vmem>>
      tpu.wait_dma2 semaphore(%arg13 : memref<!tpu.dma_semaphore, #tpu.memory_space<semaphore_mem>>) src(%dma_wait3A_352 : memref<1x64xf32, #tpu.memory_space<vmem>>) dst(%dma_wait3A_350 : memref<1x64xf32, #tpu.memory_space<hbm>>)
      %dma_wait3A_353 = arith.constant 26 : i32
      %dma_wait3A_354 = arith.constant 0 : i32
      %dma_wait3A_355 = tpu.memref_slice %arg9[%dma_wait3A_353, %dma_wait3A_354] : memref<104x64xf32, #tpu.memory_space<vmem>> -> memref<26x64xf32, #tpu.memory_space<vmem>>
      %dma_wait3A_356 = arith.constant 0 : i32
      %dma_wait3A_357 = tpu.memref_slice %arg5[%add3A_258, %dma_wait3A_356] : memref<110592x64xf32, #tpu.memory_space<hbm>> -> memref<26x64xf32, #tpu.memory_space<hbm>>
      %dma_wait3A_358 = arith.constant 0 : i32
      %dma_wait3A_359 = tpu.memref_slice %arg5[%add3A_258, %dma_wait3A_358] : memref<110592x64xf32, #tpu.memory_space<hbm>> -> memref<26x64xf32, #tpu.memory_space<hbm>>
      %dma_wait3A_360 = arith.constant 26 : i32
      %dma_wait3A_361 = arith.constant 0 : i32
      %dma_wait3A_362 = tpu.memref_slice %arg9[%dma_wait3A_360, %dma_wait3A_361] : memref<104x64xf32, #tpu.memory_space<vmem>> -> memref<26x64xf32, #tpu.memory_space<vmem>>
      tpu.wait_dma2 semaphore(%arg13 : memref<!tpu.dma_semaphore, #tpu.memory_space<semaphore_mem>>) src(%dma_wait3A_362 : memref<26x64xf32, #tpu.memory_space<vmem>>) dst(%dma_wait3A_359 : memref<26x64xf32, #tpu.memory_space<hbm>>)
      %dma_wait3A_363 = arith.constant 0 : i32
      %dma_wait3A_364 = tpu.memref_slice %arg7[%add3A_270, %dma_wait3A_363] : memref<128x64xf32, #tpu.memory_space<vmem>> -> memref<1x64xf32, #tpu.memory_space<vmem>>
      %dma_wait3A_365 = arith.constant 0 : i32
      %dma_wait3A_366 = tpu.memref_slice %arg5[%add3A_274, %dma_wait3A_365] : memref<110592x64xf32, #tpu.memory_space<hbm>> -> memref<1x64xf32, #tpu.memory_space<hbm>>
      %dma_wait3A_367 = arith.constant 0 : i32
      %dma_wait3A_368 = tpu.memref_slice %arg5[%add3A_274, %dma_wait3A_367] : memref<110592x64xf32, #tpu.memory_space<hbm>> -> memref<1x64xf32, #tpu.memory_space<hbm>>
      %dma_wait3A_369 = arith.constant 0 : i32
      %dma_wait3A_370 = tpu.memref_slice %arg7[%add3A_270, %dma_wait3A_369] : memref<128x64xf32, #tpu.memory_space<vmem>> -> memref<1x64xf32, #tpu.memory_space<vmem>>
      tpu.wait_dma2 semaphore(%arg13 : memref<!tpu.dma_semaphore, #tpu.memory_space<semaphore_mem>>) src(%dma_wait3A_370 : memref<1x64xf32, #tpu.memory_space<vmem>>) dst(%dma_wait3A_368 : memref<1x64xf32, #tpu.memory_space<hbm>>)
      %dma_wait3A_371 = arith.constant 52 : i32
      %dma_wait3A_372 = arith.constant 0 : i32
      %dma_wait3A_373 = tpu.memref_slice %arg9[%dma_wait3A_371, %dma_wait3A_372] : memref<104x64xf32, #tpu.memory_space<vmem>> -> memref<26x64xf32, #tpu.memory_space<vmem>>
      %dma_wait3A_374 = arith.constant 0 : i32
      %dma_wait3A_375 = tpu.memref_slice %arg5[%add3A_284, %dma_wait3A_374] : memref<110592x64xf32, #tpu.memory_space<hbm>> -> memref<26x64xf32, #tpu.memory_space<hbm>>
      %dma_wait3A_376 = arith.constant 0 : i32
      %dma_wait3A_377 = tpu.memref_slice %arg5[%add3A_284, %dma_wait3A_376] : memref<110592x64xf32, #tpu.memory_space<hbm>> -> memref<26x64xf32, #tpu.memory_space<hbm>>
      %dma_wait3A_378 = arith.constant 52 : i32
      %dma_wait3A_379 = arith.constant 0 : i32
      %dma_wait3A_380 = tpu.memref_slice %arg9[%dma_wait3A_378, %dma_wait3A_379] : memref<104x64xf32, #tpu.memory_space<vmem>> -> memref<26x64xf32, #tpu.memory_space<vmem>>
      tpu.wait_dma2 semaphore(%arg13 : memref<!tpu.dma_semaphore, #tpu.memory_space<semaphore_mem>>) src(%dma_wait3A_380 : memref<26x64xf32, #tpu.memory_space<vmem>>) dst(%dma_wait3A_377 : memref<26x64xf32, #tpu.memory_space<hbm>>)
      %dma_wait3A_381 = arith.constant 0 : i32
      %dma_wait3A_382 = tpu.memref_slice %arg7[%add3A_296, %dma_wait3A_381] : memref<128x64xf32, #tpu.memory_space<vmem>> -> memref<1x64xf32, #tpu.memory_space<vmem>>
      %dma_wait3A_383 = arith.constant 0 : i32
      %dma_wait3A_384 = tpu.memref_slice %arg5[%add3A_300, %dma_wait3A_383] : memref<110592x64xf32, #tpu.memory_space<hbm>> -> memref<1x64xf32, #tpu.memory_space<hbm>>
      %dma_wait3A_385 = arith.constant 0 : i32
      %dma_wait3A_386 = tpu.memref_slice %arg5[%add3A_300, %dma_wait3A_385] : memref<110592x64xf32, #tpu.memory_space<hbm>> -> memref<1x64xf32, #tpu.memory_space<hbm>>
      %dma_wait3A_387 = arith.constant 0 : i32
      %dma_wait3A_388 = tpu.memref_slice %arg7[%add3A_296, %dma_wait3A_387] : memref<128x64xf32, #tpu.memory_space<vmem>> -> memref<1x64xf32, #tpu.memory_space<vmem>>
      tpu.wait_dma2 semaphore(%arg13 : memref<!tpu.dma_semaphore, #tpu.memory_space<semaphore_mem>>) src(%dma_wait3A_388 : memref<1x64xf32, #tpu.memory_space<vmem>>) dst(%dma_wait3A_386 : memref<1x64xf32, #tpu.memory_space<hbm>>)
      %dma_wait3A_389 = arith.constant 78 : i32
      %dma_wait3A_390 = arith.constant 0 : i32
      %dma_wait3A_391 = tpu.memref_slice %arg9[%dma_wait3A_389, %dma_wait3A_390] : memref<104x64xf32, #tpu.memory_space<vmem>> -> memref<26x64xf32, #tpu.memory_space<vmem>>
      %dma_wait3A_392 = arith.constant 0 : i32
      %dma_wait3A_393 = tpu.memref_slice %arg5[%add3A_310, %dma_wait3A_392] : memref<110592x64xf32, #tpu.memory_space<hbm>> -> memref<26x64xf32, #tpu.memory_space<hbm>>
      %dma_wait3A_394 = arith.constant 0 : i32
      %dma_wait3A_395 = tpu.memref_slice %arg5[%add3A_310, %dma_wait3A_394] : memref<110592x64xf32, #tpu.memory_space<hbm>> -> memref<26x64xf32, #tpu.memory_space<hbm>>
      %dma_wait3A_396 = arith.constant 78 : i32
      %dma_wait3A_397 = arith.constant 0 : i32
      %dma_wait3A_398 = tpu.memref_slice %arg9[%dma_wait3A_396, %dma_wait3A_397] : memref<104x64xf32, #tpu.memory_space<vmem>> -> memref<26x64xf32, #tpu.memory_space<vmem>>
      tpu.wait_dma2 semaphore(%arg13 : memref<!tpu.dma_semaphore, #tpu.memory_space<semaphore_mem>>) src(%dma_wait3A_398 : memref<26x64xf32, #tpu.memory_space<vmem>>) dst(%dma_wait3A_395 : memref<26x64xf32, #tpu.memory_space<hbm>>)
      %dma_wait3A_399 = arith.constant 0 : i32
      %dma_wait3A_400 = tpu.memref_slice %arg7[%add3A_322, %dma_wait3A_399] : memref<128x64xf32, #tpu.memory_space<vmem>> -> memref<1x64xf32, #tpu.memory_space<vmem>>
      %dma_wait3A_401 = arith.constant 0 : i32
      %dma_wait3A_402 = tpu.memref_slice %arg5[%add3A_326, %dma_wait3A_401] : memref<110592x64xf32, #tpu.memory_space<hbm>> -> memref<1x64xf32, #tpu.memory_space<hbm>>
      %dma_wait3A_403 = arith.constant 0 : i32
      %dma_wait3A_404 = tpu.memref_slice %arg5[%add3A_326, %dma_wait3A_403] : memref<110592x64xf32, #tpu.memory_space<hbm>> -> memref<1x64xf32, #tpu.memory_space<hbm>>
      %dma_wait3A_405 = arith.constant 0 : i32
      %dma_wait3A_406 = tpu.memref_slice %arg7[%add3A_322, %dma_wait3A_405] : memref<128x64xf32, #tpu.memory_space<vmem>> -> memref<1x64xf32, #tpu.memory_space<vmem>>
      tpu.wait_dma2 semaphore(%arg13 : memref<!tpu.dma_semaphore, #tpu.memory_space<semaphore_mem>>) src(%dma_wait3A_406 : memref<1x64xf32, #tpu.memory_space<vmem>>) dst(%dma_wait3A_404 : memref<1x64xf32, #tpu.memory_space<hbm>>)
      %lt3A_407 = arith.constant 15 : i32
      %lt3A_408 = arith.cmpi slt, %scan3A_20, %lt3A_407 : i32
      %convert_element_type3A_409 = arith.extui %lt3A_408 : i1 to i32
      %cond3A_410 = arith.constant 0 : i32
      %cond3A_411 = arith.cmpi ne, %convert_element_type3A_409, %cond3A_410 : i32
      scf.if %cond3A_411 {
        %add3A_413 = arith.constant 2 : i32
        %add3A_414 = arith.addi %add3A_217, %add3A_413 : i32
        %mul3A_415 = arith.constant 4 : i32
        %mul3A_416 = arith.muli %add3A_414, %mul3A_415 : i32
        %mul3A_417 = arith.constant 26 : i32
        %mul3A_418 = arith.muli %mul3A_416, %mul3A_417 : i32
        %dma_start3A_419 = tpu.memref_slice %arg6[%mul3A_418] : memref<3328xi32, #tpu.memory_space<vmem>> -> memref<104xi32, #tpu.memory_space<vmem>>
        %dma_start3A_420 = arith.constant 0 : i32
        %dma_start3A_421 = arith.constant 0 : i32
        %dma_start3A_422 = tpu.memref_slice %arg4[%dma_start3A_420, %dma_start3A_421] : memref<262144x64xf32, #tpu.memory_space<hbm>> -> memref<262144x64xf32, #tpu.memory_space<hbm>>
        tpu.enqueue_indirect_dma source(%dma_start3A_422 : memref<262144x64xf32, #tpu.memory_space<hbm>>) target(%arg9 : memref<104x64xf32, #tpu.memory_space<vmem>>) offsets(%dma_start3A_419 : memref<104xi32, #tpu.memory_space<vmem>>) semaphore(%arg11 : memref<!tpu.dma_semaphore, #tpu.memory_space<semaphore_mem>>)
      } else {
      }
      %scan3A_412 = arith.constant 0 : i32
      scf.yield %scan3A_412 : i32
    }
    %scan3A_19 = arith.constant 16 : i32
    return
  }
}

#map = affine_map<(d0, d1) -> (0)>
#map1 = affine_map<(d0, d1) -> (0, 0)>
module attributes {stable_mosaic.version = 14 : i64} {
  func.func @_sc_pool(%arg0: i32, %arg1: i32, %arg2: memref<262144xi32, #tpu.memory_space<hbm>>, %arg3: memref<114688x64xf32, #tpu.memory_space<hbm>>, %arg4: memref<4096x64xf32, #tpu.memory_space<hbm>>, %arg5: memref<8192xi32, #tpu.memory_space<vmem>>, %arg6: memref<1x64xf32, #tpu.memory_space<vmem>>, %arg7: memref<200x64xf32, #tpu.memory_space<vmem>>, %arg8: memref<200x64xf32, #tpu.memory_space<vmem>>, %arg9: memref<4x64xf32, #tpu.memory_space<vmem>>, %arg10: memref<4x64xf32, #tpu.memory_space<vmem>>, %arg11: memref<!tpu.dma_semaphore, #tpu.memory_space<semaphore_mem>>, %arg12: memref<!tpu.dma_semaphore, #tpu.memory_space<semaphore_mem>>, %arg13: memref<!tpu.dma_semaphore, #tpu.memory_space<semaphore_mem>>, %arg14: memref<!tpu.dma_semaphore, #tpu.memory_space<semaphore_mem>>) attributes {dimension_semantics = [#tpu.dimension_semantics<core_parallel>, #tpu.dimension_semantics<subcore_parallel>], iteration_bounds = array<i64: 2, 16>, scalar_prefetch = 0 : i64, scratch_operands = 10 : i64, tpu.core_type = #tpu.core_type<sc_vector_subcore>, window_params = [{transform_indices = #map}, {transform_indices = #map1}, {transform_indices = #map1}]} {
    %mul3A = arith.constant 2 : i32
    %mul3A_0 = arith.muli %arg1, %mul3A : i32
    %add3A = arith.addi %mul3A_0, %arg0 : i32
    %mul3A_1 = arith.constant 8192 : i32
    %mul3A_2 = arith.muli %add3A, %mul3A_1 : i32
    "tpu.region"() ({
      %run_scoped3A = tpu.sem_alloc : memref<!tpu.dma_semaphore, #tpu.memory_space<semaphore_mem>>
      %dma_start3A_85 = tpu.memref_slice %arg2[%mul3A_2] : memref<262144xi32, #tpu.memory_space<hbm>> -> memref<8192xi32, #tpu.memory_space<hbm>>
      %dma_start3A_86 = tpu.memref_slice %arg2[%mul3A_2] : memref<262144xi32, #tpu.memory_space<hbm>> -> memref<8192xi32, #tpu.memory_space<hbm>>
      tpu.enqueue_dma source(%dma_start3A_86 : memref<8192xi32, #tpu.memory_space<hbm>>) target(%arg5 : memref<8192xi32, #tpu.memory_space<vmem>>) target_semaphore(%run_scoped3A : memref<!tpu.dma_semaphore, #tpu.memory_space<semaphore_mem>>)
      %dma_wait3A_87 = tpu.memref_slice %arg2[%mul3A_2] : memref<262144xi32, #tpu.memory_space<hbm>> -> memref<8192xi32, #tpu.memory_space<hbm>>
      %dma_wait3A_88 = tpu.memref_slice %arg2[%mul3A_2] : memref<262144xi32, #tpu.memory_space<hbm>> -> memref<8192xi32, #tpu.memory_space<hbm>>
      tpu.wait_dma2 semaphore(%run_scoped3A : memref<!tpu.dma_semaphore, #tpu.memory_space<semaphore_mem>>) src(%dma_wait3A_88 : memref<8192xi32, #tpu.memory_space<hbm>>) dst(%arg5 : memref<8192xi32, #tpu.memory_space<vmem>>)
      tpu.yield
    }) : () -> ()
    "tpu.region"() ({
      %run_scoped3A = tpu.sem_alloc : memref<!tpu.dma_semaphore, #tpu.memory_space<semaphore_mem>>
      %dma_start3A_85 = arith.constant 0 : i32
      %dma_start3A_86 = arith.constant 0 : i32
      %dma_start3A_87 = tpu.memref_slice %arg3[%dma_start3A_85, %dma_start3A_86] : memref<114688x64xf32, #tpu.memory_space<hbm>> -> memref<1x64xf32, #tpu.memory_space<hbm>>
      %dma_start3A_88 = arith.constant 0 : i32
      %dma_start3A_89 = arith.constant 0 : i32
      %dma_start3A_90 = tpu.memref_slice %arg3[%dma_start3A_88, %dma_start3A_89] : memref<114688x64xf32, #tpu.memory_space<hbm>> -> memref<1x64xf32, #tpu.memory_space<hbm>>
      tpu.enqueue_dma source(%dma_start3A_90 : memref<1x64xf32, #tpu.memory_space<hbm>>) target(%arg6 : memref<1x64xf32, #tpu.memory_space<vmem>>) target_semaphore(%run_scoped3A : memref<!tpu.dma_semaphore, #tpu.memory_space<semaphore_mem>>)
      %dma_wait3A_91 = arith.constant 0 : i32
      %dma_wait3A_92 = arith.constant 0 : i32
      %dma_wait3A_93 = tpu.memref_slice %arg3[%dma_wait3A_91, %dma_wait3A_92] : memref<114688x64xf32, #tpu.memory_space<hbm>> -> memref<1x64xf32, #tpu.memory_space<hbm>>
      %dma_wait3A_94 = arith.constant 0 : i32
      %dma_wait3A_95 = arith.constant 0 : i32
      %dma_wait3A_96 = tpu.memref_slice %arg3[%dma_wait3A_94, %dma_wait3A_95] : memref<114688x64xf32, #tpu.memory_space<hbm>> -> memref<1x64xf32, #tpu.memory_space<hbm>>
      tpu.wait_dma2 semaphore(%run_scoped3A : memref<!tpu.dma_semaphore, #tpu.memory_space<semaphore_mem>>) src(%dma_wait3A_96 : memref<1x64xf32, #tpu.memory_space<hbm>>) dst(%arg6 : memref<1x64xf32, #tpu.memory_space<vmem>>)
      tpu.yield
    }) : () -> ()
    %iota3A = tpu.iota {dimensions = array<i32: 0>} : vector<16xi32>
    %lt3A = arith.constant 2 : i32
    %lt3A_3 = vector.broadcast %lt3A : i32 to vector<16xi32>
    %lt3A_4 = arith.cmpi slt, %iota3A, %lt3A_3 : vector<16xi32>
    %dma_start3A = arith.constant 0 : i32
    %dma_start3A_5 = arith.constant 0 : i32
    %dma_start3A_6 = tpu.memref_slice %arg7[%dma_start3A, %dma_start3A_5] : memref<200x64xf32, #tpu.memory_space<vmem>> -> memref<50x64xf32, #tpu.memory_space<vmem>>
    %dma_start3A_7 = arith.constant 0 : i32
    %dma_start3A_8 = tpu.memref_slice %arg5[%dma_start3A_7] : memref<8192xi32, #tpu.memory_space<vmem>> -> memref<50xi32, #tpu.memory_space<vmem>>
    %dma_start3A_9 = arith.constant 0 : i32
    %dma_start3A_10 = arith.constant 0 : i32
    %dma_start3A_11 = tpu.memref_slice %arg3[%dma_start3A_9, %dma_start3A_10] : memref<114688x64xf32, #tpu.memory_space<hbm>> -> memref<114688x64xf32, #tpu.memory_space<hbm>>
    tpu.enqueue_indirect_dma source(%dma_start3A_11 : memref<114688x64xf32, #tpu.memory_space<hbm>>) target(%dma_start3A_6 : memref<50x64xf32, #tpu.memory_space<vmem>>) offsets(%dma_start3A_8 : memref<50xi32, #tpu.memory_space<vmem>>) semaphore(%arg11 : memref<!tpu.dma_semaphore, #tpu.memory_space<semaphore_mem>>)
    %dma_start3A_12 = arith.constant 50 : i32
    %dma_start3A_13 = arith.constant 0 : i32
    %dma_start3A_14 = tpu.memref_slice %arg7[%dma_start3A_12, %dma_start3A_13] : memref<200x64xf32, #tpu.memory_space<vmem>> -> memref<50x64xf32, #tpu.memory_space<vmem>>
    %dma_start3A_15 = arith.constant 64 : i32
    %dma_start3A_16 = tpu.memref_slice %arg5[%dma_start3A_15] : memref<8192xi32, #tpu.memory_space<vmem>> -> memref<50xi32, #tpu.memory_space<vmem>>
    %dma_start3A_17 = arith.constant 0 : i32
    %dma_start3A_18 = arith.constant 0 : i32
    %dma_start3A_19 = tpu.memref_slice %arg3[%dma_start3A_17, %dma_start3A_18] : memref<114688x64xf32, #tpu.memory_space<hbm>> -> memref<114688x64xf32, #tpu.memory_space<hbm>>
    tpu.enqueue_indirect_dma source(%dma_start3A_19 : memref<114688x64xf32, #tpu.memory_space<hbm>>) target(%dma_start3A_14 : memref<50x64xf32, #tpu.memory_space<vmem>>) offsets(%dma_start3A_16 : memref<50xi32, #tpu.memory_space<vmem>>) semaphore(%arg11 : memref<!tpu.dma_semaphore, #tpu.memory_space<semaphore_mem>>)
    %dma_start3A_20 = arith.constant 100 : i32
    %dma_start3A_21 = arith.constant 0 : i32
    %dma_start3A_22 = tpu.memref_slice %arg7[%dma_start3A_20, %dma_start3A_21] : memref<200x64xf32, #tpu.memory_space<vmem>> -> memref<50x64xf32, #tpu.memory_space<vmem>>
    %dma_start3A_23 = arith.constant 128 : i32
    %dma_start3A_24 = tpu.memref_slice %arg5[%dma_start3A_23] : memref<8192xi32, #tpu.memory_space<vmem>> -> memref<50xi32, #tpu.memory_space<vmem>>
    %dma_start3A_25 = arith.constant 0 : i32
    %dma_start3A_26 = arith.constant 0 : i32
    %dma_start3A_27 = tpu.memref_slice %arg3[%dma_start3A_25, %dma_start3A_26] : memref<114688x64xf32, #tpu.memory_space<hbm>> -> memref<114688x64xf32, #tpu.memory_space<hbm>>
    tpu.enqueue_indirect_dma source(%dma_start3A_27 : memref<114688x64xf32, #tpu.memory_space<hbm>>) target(%dma_start3A_22 : memref<50x64xf32, #tpu.memory_space<vmem>>) offsets(%dma_start3A_24 : memref<50xi32, #tpu.memory_space<vmem>>) semaphore(%arg11 : memref<!tpu.dma_semaphore, #tpu.memory_space<semaphore_mem>>)
    %dma_start3A_28 = arith.constant 150 : i32
    %dma_start3A_29 = arith.constant 0 : i32
    %dma_start3A_30 = tpu.memref_slice %arg7[%dma_start3A_28, %dma_start3A_29] : memref<200x64xf32, #tpu.memory_space<vmem>> -> memref<50x64xf32, #tpu.memory_space<vmem>>
    %dma_start3A_31 = arith.constant 192 : i32
    %dma_start3A_32 = tpu.memref_slice %arg5[%dma_start3A_31] : memref<8192xi32, #tpu.memory_space<vmem>> -> memref<50xi32, #tpu.memory_space<vmem>>
    %dma_start3A_33 = arith.constant 0 : i32
    %dma_start3A_34 = arith.constant 0 : i32
    %dma_start3A_35 = tpu.memref_slice %arg3[%dma_start3A_33, %dma_start3A_34] : memref<114688x64xf32, #tpu.memory_space<hbm>> -> memref<114688x64xf32, #tpu.memory_space<hbm>>
    tpu.enqueue_indirect_dma source(%dma_start3A_35 : memref<114688x64xf32, #tpu.memory_space<hbm>>) target(%dma_start3A_30 : memref<50x64xf32, #tpu.memory_space<vmem>>) offsets(%dma_start3A_32 : memref<50xi32, #tpu.memory_space<vmem>>) semaphore(%arg11 : memref<!tpu.dma_semaphore, #tpu.memory_space<semaphore_mem>>)
    %dma_start3A_36 = arith.constant 0 : i32
    %dma_start3A_37 = arith.constant 0 : i32
    %dma_start3A_38 = tpu.memref_slice %arg8[%dma_start3A_36, %dma_start3A_37] : memref<200x64xf32, #tpu.memory_space<vmem>> -> memref<50x64xf32, #tpu.memory_space<vmem>>
    %dma_start3A_39 = arith.constant 256 : i32
    %dma_start3A_40 = tpu.memref_slice %arg5[%dma_start3A_39] : memref<8192xi32, #tpu.memory_space<vmem>> -> memref<50xi32, #tpu.memory_space<vmem>>
    %dma_start3A_41 = arith.constant 0 : i32
    %dma_start3A_42 = arith.constant 0 : i32
    %dma_start3A_43 = tpu.memref_slice %arg3[%dma_start3A_41, %dma_start3A_42] : memref<114688x64xf32, #tpu.memory_space<hbm>> -> memref<114688x64xf32, #tpu.memory_space<hbm>>
    tpu.enqueue_indirect_dma source(%dma_start3A_43 : memref<114688x64xf32, #tpu.memory_space<hbm>>) target(%dma_start3A_38 : memref<50x64xf32, #tpu.memory_space<vmem>>) offsets(%dma_start3A_40 : memref<50xi32, #tpu.memory_space<vmem>>) semaphore(%arg12 : memref<!tpu.dma_semaphore, #tpu.memory_space<semaphore_mem>>)
    %dma_start3A_44 = arith.constant 50 : i32
    %dma_start3A_45 = arith.constant 0 : i32
    %dma_start3A_46 = tpu.memref_slice %arg8[%dma_start3A_44, %dma_start3A_45] : memref<200x64xf32, #tpu.memory_space<vmem>> -> memref<50x64xf32, #tpu.memory_space<vmem>>
    %dma_start3A_47 = arith.constant 320 : i32
    %dma_start3A_48 = tpu.memref_slice %arg5[%dma_start3A_47] : memref<8192xi32, #tpu.memory_space<vmem>> -> memref<50xi32, #tpu.memory_space<vmem>>
    %dma_start3A_49 = arith.constant 0 : i32
    %dma_start3A_50 = arith.constant 0 : i32
    %dma_start3A_51 = tpu.memref_slice %arg3[%dma_start3A_49, %dma_start3A_50] : memref<114688x64xf32, #tpu.memory_space<hbm>> -> memref<114688x64xf32, #tpu.memory_space<hbm>>
    tpu.enqueue_indirect_dma source(%dma_start3A_51 : memref<114688x64xf32, #tpu.memory_space<hbm>>) target(%dma_start3A_46 : memref<50x64xf32, #tpu.memory_space<vmem>>) offsets(%dma_start3A_48 : memref<50xi32, #tpu.memory_space<vmem>>) semaphore(%arg12 : memref<!tpu.dma_semaphore, #tpu.memory_space<semaphore_mem>>)
    %dma_start3A_52 = arith.constant 100 : i32
    %dma_start3A_53 = arith.constant 0 : i32
    %dma_start3A_54 = tpu.memref_slice %arg8[%dma_start3A_52, %dma_start3A_53] : memref<200x64xf32, #tpu.memory_space<vmem>> -> memref<50x64xf32, #tpu.memory_space<vmem>>
    %dma_start3A_55 = arith.constant 384 : i32
    %dma_start3A_56 = tpu.memref_slice %arg5[%dma_start3A_55] : memref<8192xi32, #tpu.memory_space<vmem>> -> memref<50xi32, #tpu.memory_space<vmem>>
    %dma_start3A_57 = arith.constant 0 : i32
    %dma_start3A_58 = arith.constant 0 : i32
    %dma_start3A_59 = tpu.memref_slice %arg3[%dma_start3A_57, %dma_start3A_58] : memref<114688x64xf32, #tpu.memory_space<hbm>> -> memref<114688x64xf32, #tpu.memory_space<hbm>>
    tpu.enqueue_indirect_dma source(%dma_start3A_59 : memref<114688x64xf32, #tpu.memory_space<hbm>>) target(%dma_start3A_54 : memref<50x64xf32, #tpu.memory_space<vmem>>) offsets(%dma_start3A_56 : memref<50xi32, #tpu.memory_space<vmem>>) semaphore(%arg12 : memref<!tpu.dma_semaphore, #tpu.memory_space<semaphore_mem>>)
    %dma_start3A_60 = arith.constant 150 : i32
    %dma_start3A_61 = arith.constant 0 : i32
    %dma_start3A_62 = tpu.memref_slice %arg8[%dma_start3A_60, %dma_start3A_61] : memref<200x64xf32, #tpu.memory_space<vmem>> -> memref<50x64xf32, #tpu.memory_space<vmem>>
    %dma_start3A_63 = arith.constant 448 : i32
    %dma_start3A_64 = tpu.memref_slice %arg5[%dma_start3A_63] : memref<8192xi32, #tpu.memory_space<vmem>> -> memref<50xi32, #tpu.memory_space<vmem>>
    %dma_start3A_65 = arith.constant 0 : i32
    %dma_start3A_66 = arith.constant 0 : i32
    %dma_start3A_67 = tpu.memref_slice %arg3[%dma_start3A_65, %dma_start3A_66] : memref<114688x64xf32, #tpu.memory_space<hbm>> -> memref<114688x64xf32, #tpu.memory_space<hbm>>
    tpu.enqueue_indirect_dma source(%dma_start3A_67 : memref<114688x64xf32, #tpu.memory_space<hbm>>) target(%dma_start3A_62 : memref<50x64xf32, #tpu.memory_space<vmem>>) offsets(%dma_start3A_64 : memref<50xi32, #tpu.memory_space<vmem>>) semaphore(%arg12 : memref<!tpu.dma_semaphore, #tpu.memory_space<semaphore_mem>>)
    %scan3A = arith.constant 0 : i32
    %scan3A_68 = arith.constant 0 : i32
    %scan3A_69 = arith.constant 16 : i32
    %scan3A_70 = arith.addi %scan3A_68, %scan3A_69 : i32
    %scan3A_71 = arith.constant 1 : i32
    %scan3A_72 = scf.for %scan3A_85 = %scan3A_68 to %scan3A_70 step %scan3A_71 iter_args(%scan3A_86 = %scan3A) -> (i32)  : i32 {
      %mul3A_87 = arith.constant 2 : i32
      %mul3A_88 = arith.muli %mul3A_87, %scan3A_85 : i32
      %mul3A_89 = arith.constant 4 : i32
      %mul3A_90 = arith.muli %mul3A_88, %mul3A_89 : i32
      %mul3A_91 = arith.constant 128 : i32
      %mul3A_92 = arith.muli %add3A, %mul3A_91 : i32
      %add3A_93 = arith.addi %mul3A_92, %mul3A_90 : i32
      %dma_wait3A_94 = arith.constant 0 : i32
      %dma_wait3A_95 = arith.constant 0 : i32
      %dma_wait3A_96 = tpu.memref_slice %arg3[%dma_wait3A_94, %dma_wait3A_95] : memref<114688x64xf32, #tpu.memory_space<hbm>> -> memref<200x64xf32, #tpu.memory_space<hbm>>
      %dma_wait3A_97 = arith.constant 0 : i32
      %dma_wait3A_98 = arith.constant 0 : i32
      %dma_wait3A_99 = tpu.memref_slice %arg3[%dma_wait3A_97, %dma_wait3A_98] : memref<114688x64xf32, #tpu.memory_space<hbm>> -> memref<200x64xf32, #tpu.memory_space<hbm>>
      tpu.wait_dma2 semaphore(%arg11 : memref<!tpu.dma_semaphore, #tpu.memory_space<semaphore_mem>>) src(%dma_wait3A_99 : memref<200x64xf32, #tpu.memory_space<hbm>>) dst(%arg7 : memref<200x64xf32, #tpu.memory_space<vmem>>)
      %gt3A = arith.constant 0 : i32
      %gt3A_100 = arith.cmpi sgt, %scan3A_85, %gt3A : i32
      %convert_element_type3A = arith.extui %gt3A_100 : i1 to i32
      %cond3A = arith.constant 0 : i32
      %cond3A_101 = arith.cmpi ne, %convert_element_type3A, %cond3A : i32
      scf.if %cond3A_101 {
        %dma_wait3A_1171 = arith.constant 0 : i32
        %dma_wait3A_1172 = arith.constant 0 : i32
        %dma_wait3A_1173 = tpu.memref_slice %arg3[%dma_wait3A_1171, %dma_wait3A_1172] : memref<114688x64xf32, #tpu.memory_space<hbm>> -> memref<4x64xf32, #tpu.memory_space<hbm>>
        %dma_wait3A_1174 = arith.constant 0 : i32
        %dma_wait3A_1175 = arith.constant 0 : i32
        %dma_wait3A_1176 = tpu.memref_slice %arg3[%dma_wait3A_1174, %dma_wait3A_1175] : memref<114688x64xf32, #tpu.memory_space<hbm>> -> memref<4x64xf32, #tpu.memory_space<hbm>>
        tpu.wait_dma2 semaphore(%arg13 : memref<!tpu.dma_semaphore, #tpu.memory_space<semaphore_mem>>) src(%dma_wait3A_1176 : memref<4x64xf32, #tpu.memory_space<hbm>>) dst(%arg9 : memref<4x64xf32, #tpu.memory_space<vmem>>)
      } else {
      }
      %add3A_102 = arith.constant 0 : i32
      %add3A_103 = arith.addi %mul3A_90, %add3A_102 : i32
      %mul3A_104 = arith.constant 64 : i32
      %mul3A_105 = arith.muli %add3A_103, %mul3A_104 : i32
      %get3A = arith.index_cast %mul3A_105 : i32 to index
      %get3A_106 = tpu.vector_load %arg5[%get3A] {strides = array<i32>} : memref<8192xi32, #tpu.memory_space<vmem>>, vector<16xi32>,
      %add3A_107 = arith.constant 16 : i32
      %add3A_108 = arith.addi %mul3A_105, %add3A_107 : i32
      %get3A_109 = arith.index_cast %add3A_108 : i32 to index
      %get3A_110 = tpu.vector_load %arg5[%get3A_109] {strides = array<i32>} : memref<8192xi32, #tpu.memory_space<vmem>>, vector<16xi32>,
      %add3A_111 = arith.constant 32 : i32
      %add3A_112 = arith.addi %mul3A_105, %add3A_111 : i32
      %get3A_113 = arith.index_cast %add3A_112 : i32 to index
      %get3A_114 = tpu.vector_load %arg5[%get3A_113] {strides = array<i32>} : memref<8192xi32, #tpu.memory_space<vmem>>, vector<16xi32>,
      %add3A_115 = arith.constant 48 : i32
      %add3A_116 = arith.addi %mul3A_105, %add3A_115 : i32
      %get3A_117 = arith.index_cast %add3A_116 : i32 to index
      %get3A_118 = tpu.vector_load %arg5[%get3A_117] {strides = array<i32>} : memref<8192xi32, #tpu.memory_space<vmem>>, vector<16xi32>,
      %eq3A = arith.constant 0 : i32
      %eq3A_119 = vector.broadcast %eq3A : i32 to vector<16xi32>
      %eq3A_120 = arith.cmpi eq, %get3A_106, %eq3A_119 : vector<16xi32>
      %all_reduce_population_count3A = tpu.all_reduce %eq3A_120 {dim = 0 : i64, kind = #tpu.reduction_kind<sum>} : vector<16xi1> -> vector<16xi32>
      %eq3A_121 = arith.constant 0 : i32
      %eq3A_122 = vector.broadcast %eq3A_121 : i32 to vector<16xi32>
      %eq3A_123 = arith.cmpi eq, %get3A_110, %eq3A_122 : vector<16xi32>
      %all_reduce_population_count3A_124 = tpu.all_reduce %eq3A_123 {dim = 0 : i64, kind = #tpu.reduction_kind<sum>} : vector<16xi1> -> vector<16xi32>
      %add3A_125 = arith.addi %all_reduce_population_count3A, %all_reduce_population_count3A_124 : vector<16xi32>
      %eq3A_126 = arith.constant 0 : i32
      %eq3A_127 = vector.broadcast %eq3A_126 : i32 to vector<16xi32>
      %eq3A_128 = arith.cmpi eq, %get3A_114, %eq3A_127 : vector<16xi32>
      %all_reduce_population_count3A_129 = tpu.all_reduce %eq3A_128 {dim = 0 : i64, kind = #tpu.reduction_kind<sum>} : vector<16xi1> -> vector<16xi32>
      %add3A_130 = arith.addi %add3A_125, %all_reduce_population_count3A_129 : vector<16xi32>
      %eq3A_131 = arith.constant 0 : i32
      %eq3A_132 = vector.broadcast %eq3A_131 : i32 to vector<16xi32>
      %eq3A_133 = arith.cmpi eq, %get3A_118, %eq3A_132 : vector<16xi32>
      %and3A = arith.andi %eq3A_133, %lt3A_4 : vector<16xi1>
      %all_reduce_population_count3A_134 = tpu.all_reduce %and3A {dim = 0 : i64, kind = #tpu.reduction_kind<sum>} : vector<16xi1> -> vector<16xi32>
      %add3A_135 = arith.addi %add3A_130, %all_reduce_population_count3A_134 : vector<16xi32>
      %convert_element_type3A_136 = arith.sitofp %add3A_135 : vector<16xi32> to vector<16xf32>
      %sub3A = arith.constant 5.000000e+01 : f32
      %sub3A_137 = vector.broadcast %sub3A : f32 to vector<16xf32>
      %sub3A_138 = arith.subf %sub3A_137, %convert_element_type3A_136 : vector<16xf32>
      %broadcast_in_dim3A = arith.constant 0.000000e+00 : f32
      %broadcast_in_dim3A_139 = vector.broadcast %broadcast_in_dim3A : f32 to vector<16xf32>
      %scan3A_140 = arith.constant 0 : i32
      %scan3A_141 = arith.constant 50 : i32
      %scan3A_142 = arith.addi %scan3A_140, %scan3A_141 : i32
      %scan3A_143 = arith.constant 1 : i32
      %scan3A_144:4 = scf.for %scan3A_1171 = %scan3A_140 to %scan3A_142 step %scan3A_143 iter_args(%scan3A_1172 = %broadcast_in_dim3A_139, %scan3A_1173 = %broadcast_in_dim3A_139, %scan3A_1174 = %broadcast_in_dim3A_139, %scan3A_1175 = %broadcast_in_dim3A_139) -> (vector<16xf32>, vector<16xf32>, vector<16xf32>, vector<16xf32>)  : i32 {
        %add3A_1176 = arith.constant 0 : i32
        %add3A_1177 = arith.addi %add3A_1176, %scan3A_1171 : i32
        %get3A_1178 = arith.index_cast %add3A_1177 : i32 to index
        %get3A_1179 = arith.constant 0 : index
        %get3A_1180 = tpu.vector_load %arg7[%get3A_1178, %get3A_1179] {strides = array<i32>} : memref<200x64xf32, #tpu.memory_space<vmem>>, vector<16xf32>,
        %add3A_1181 = arith.addf %scan3A_1172, %get3A_1180 : vector<16xf32>
        %get3A_1182 = arith.index_cast %add3A_1177 : i32 to index
        %get3A_1183 = arith.constant 16 : index
        %get3A_1184 = tpu.vector_load %arg7[%get3A_1182, %get3A_1183] {strides = array<i32>} : memref<200x64xf32, #tpu.memory_space<vmem>>, vector<16xf32>,
        %add3A_1185 = arith.addf %scan3A_1173, %get3A_1184 : vector<16xf32>
        %get3A_1186 = arith.index_cast %add3A_1177 : i32 to index
        %get3A_1187 = arith.constant 32 : index
        %get3A_1188 = tpu.vector_load %arg7[%get3A_1186, %get3A_1187] {strides = array<i32>} : memref<200x64xf32, #tpu.memory_space<vmem>>, vector<16xf32>,
        %add3A_1189 = arith.addf %scan3A_1174, %get3A_1188 : vector<16xf32>
        %get3A_1190 = arith.index_cast %add3A_1177 : i32 to index
        %get3A_1191 = arith.constant 48 : index
        %get3A_1192 = tpu.vector_load %arg7[%get3A_1190, %get3A_1191] {strides = array<i32>} : memref<200x64xf32, #tpu.memory_space<vmem>>, vector<16xf32>,
        %add3A_1193 = arith.addf %scan3A_1175, %get3A_1192 : vector<16xf32>
        scf.yield %add3A_1181, %add3A_1185, %add3A_1189, %add3A_1193 : vector<16xf32>, vector<16xf32>, vector<16xf32>, vector<16xf32>
      }
      %scan3A_145 = arith.constant 50 : i32
      %get3A_146 = arith.constant 0 : i32
      %get3A_147 = arith.index_cast %get3A_146 : i32 to index
      %get3A_148 = arith.constant 0 : index
      %get3A_149 = tpu.vector_load %arg6[%get3A_147, %get3A_148] {strides = array<i32>} : memref<1x64xf32, #tpu.memory_space<vmem>>, vector<16xf32>,
      %mul3A_150 = arith.mulf %convert_element_type3A_136, %get3A_149 : vector<16xf32>
      %sub3A_151 = arith.subf %scan3A_144#0, %mul3A_150 : vector<16xf32>
      %add3A_152 = arith.constant 9.99999993E-9 : f32
      %add3A_153 = vector.broadcast %add3A_152 : f32 to vector<16xf32>
      %add3A_154 = arith.addf %sub3A_138, %add3A_153 : vector<16xf32>
      %div3A = arith.divf %sub3A_151, %add3A_154 : vector<16xf32>
      %gt3A_155 = arith.constant 0.000000e+00 : f32
      %gt3A_156 = vector.broadcast %gt3A_155 : f32 to vector<16xf32>
      %gt3A_157 = arith.cmpf ogt, %sub3A_138, %gt3A_156 : vector<16xf32>
      %jit3A = arith.constant 0.000000e+00 : f32
      %broadcast_in_dim3A_158 = vector.broadcast %jit3A : f32 to vector<16xf32>
      %select_n3A = arith.select %gt3A_157, %div3A, %broadcast_in_dim3A_158 : vector<16xi1>, vector<16xf32>
      %swap3A = arith.constant 0 : i32
      %swap3A_159 = arith.index_cast %swap3A : i32 to index
      %swap3A_160 = arith.constant 0 : index
      %swap3A_161 = tpu.vector_load %arg9[%swap3A_159, %swap3A_160] {strides = array<i32>} : memref<4x64xf32, #tpu.memory_space<vmem>>, vector<16xf32>,
      tpu.vector_store %arg9[%swap3A_159, %swap3A_160], %select_n3A {strides = array<i32>} : memref<4x64xf32, #tpu.memory_space<vmem>>, vector<16xf32>,
      %get3A_162 = arith.constant 0 : i32
      %get3A_163 = arith.index_cast %get3A_162 : i32 to index
      %get3A_164 = arith.constant 16 : index
      %get3A_165 = tpu.vector_load %arg6[%get3A_163, %get3A_164] {strides = array<i32>} : memref<1x64xf32, #tpu.memory_space<vmem>>, vector<16xf32>,
      %mul3A_166 = arith.mulf %convert_element_type3A_136, %get3A_165 : vector<16xf32>
      %sub3A_167 = arith.subf %scan3A_144#1, %mul3A_166 : vector<16xf32>
      %add3A_168 = arith.constant 9.99999993E-9 : f32
      %add3A_169 = vector.broadcast %add3A_168 : f32 to vector<16xf32>
      %add3A_170 = arith.addf %sub3A_138, %add3A_169 : vector<16xf32>
      %div3A_171 = arith.divf %sub3A_167, %add3A_170 : vector<16xf32>
      %gt3A_172 = arith.constant 0.000000e+00 : f32
      %gt3A_173 = vector.broadcast %gt3A_172 : f32 to vector<16xf32>
      %gt3A_174 = arith.cmpf ogt, %sub3A_138, %gt3A_173 : vector<16xf32>
      %jit3A_175 = arith.constant 0.000000e+00 : f32
      %broadcast_in_dim3A_176 = vector.broadcast %jit3A_175 : f32 to vector<16xf32>
      %select_n3A_177 = arith.select %gt3A_174, %div3A_171, %broadcast_in_dim3A_176 : vector<16xi1>, vector<16xf32>
      %swap3A_178 = arith.constant 0 : i32
      %swap3A_179 = arith.index_cast %swap3A_178 : i32 to index
      %swap3A_180 = arith.constant 16 : index
      %swap3A_181 = tpu.vector_load %arg9[%swap3A_179, %swap3A_180] {strides = array<i32>} : memref<4x64xf32, #tpu.memory_space<vmem>>, vector<16xf32>,
      tpu.vector_store %arg9[%swap3A_179, %swap3A_180], %select_n3A_177 {strides = array<i32>} : memref<4x64xf32, #tpu.memory_space<vmem>>, vector<16xf32>,
      %get3A_182 = arith.constant 0 : i32
      %get3A_183 = arith.index_cast %get3A_182 : i32 to index
      %get3A_184 = arith.constant 32 : index
      %get3A_185 = tpu.vector_load %arg6[%get3A_183, %get3A_184] {strides = array<i32>} : memref<1x64xf32, #tpu.memory_space<vmem>>, vector<16xf32>,
      %mul3A_186 = arith.mulf %convert_element_type3A_136, %get3A_185 : vector<16xf32>
      %sub3A_187 = arith.subf %scan3A_144#2, %mul3A_186 : vector<16xf32>
      %add3A_188 = arith.constant 9.99999993E-9 : f32
      %add3A_189 = vector.broadcast %add3A_188 : f32 to vector<16xf32>
      %add3A_190 = arith.addf %sub3A_138, %add3A_189 : vector<16xf32>
      %div3A_191 = arith.divf %sub3A_187, %add3A_190 : vector<16xf32>
      %gt3A_192 = arith.constant 0.000000e+00 : f32
      %gt3A_193 = vector.broadcast %gt3A_192 : f32 to vector<16xf32>
      %gt3A_194 = arith.cmpf ogt, %sub3A_138, %gt3A_193 : vector<16xf32>
      %jit3A_195 = arith.constant 0.000000e+00 : f32
      %broadcast_in_dim3A_196 = vector.broadcast %jit3A_195 : f32 to vector<16xf32>
      %select_n3A_197 = arith.select %gt3A_194, %div3A_191, %broadcast_in_dim3A_196 : vector<16xi1>, vector<16xf32>
      %swap3A_198 = arith.constant 0 : i32
      %swap3A_199 = arith.index_cast %swap3A_198 : i32 to index
      %swap3A_200 = arith.constant 32 : index
      %swap3A_201 = tpu.vector_load %arg9[%swap3A_199, %swap3A_200] {strides = array<i32>} : memref<4x64xf32, #tpu.memory_space<vmem>>, vector<16xf32>,
      tpu.vector_store %arg9[%swap3A_199, %swap3A_200], %select_n3A_197 {strides = array<i32>} : memref<4x64xf32, #tpu.memory_space<vmem>>, vector<16xf32>,
      %get3A_202 = arith.constant 0 : i32
      %get3A_203 = arith.index_cast %get3A_202 : i32 to index
      %get3A_204 = arith.constant 48 : index
      %get3A_205 = tpu.vector_load %arg6[%get3A_203, %get3A_204] {strides = array<i32>} : memref<1x64xf32, #tpu.memory_space<vmem>>, vector<16xf32>,
      %mul3A_206 = arith.mulf %convert_element_type3A_136, %get3A_205 : vector<16xf32>
      %sub3A_207 = arith.subf %scan3A_144#3, %mul3A_206 : vector<16xf32>
      %add3A_208 = arith.constant 9.99999993E-9 : f32
      %add3A_209 = vector.broadcast %add3A_208 : f32 to vector<16xf32>
      %add3A_210 = arith.addf %sub3A_138, %add3A_209 : vector<16xf32>
      %div3A_211 = arith.divf %sub3A_207, %add3A_210 : vector<16xf32>
      %gt3A_212 = arith.constant 0.000000e+00 : f32
      %gt3A_213 = vector.broadcast %gt3A_212 : f32 to vector<16xf32>
      %gt3A_214 = arith.cmpf ogt, %sub3A_138, %gt3A_213 : vector<16xf32>
      %jit3A_215 = arith.constant 0.000000e+00 : f32
      %broadcast_in_dim3A_216 = vector.broadcast %jit3A_215 : f32 to vector<16xf32>
      %select_n3A_217 = arith.select %gt3A_214, %div3A_211, %broadcast_in_dim3A_216 : vector<16xi1>, vector<16xf32>
      %swap3A_218 = arith.constant 0 : i32
      %swap3A_219 = arith.index_cast %swap3A_218 : i32 to index
      %swap3A_220 = arith.constant 48 : index
      %swap3A_221 = tpu.vector_load %arg9[%swap3A_219, %swap3A_220] {strides = array<i32>} : memref<4x64xf32, #tpu.memory_space<vmem>>, vector<16xf32>,
      tpu.vector_store %arg9[%swap3A_219, %swap3A_220], %select_n3A_217 {strides = array<i32>} : memref<4x64xf32, #tpu.memory_space<vmem>>, vector<16xf32>,
      %add3A_222 = arith.constant 1 : i32
      %add3A_223 = arith.addi %mul3A_90, %add3A_222 : i32
      %mul3A_224 = arith.constant 64 : i32
      %mul3A_225 = arith.muli %add3A_223, %mul3A_224 : i32
      %get3A_226 = arith.index_cast %mul3A_225 : i32 to index
      %get3A_227 = tpu.vector_load %arg5[%get3A_226] {strides = array<i32>} : memref<8192xi32, #tpu.memory_space<vmem>>, vector<16xi32>,
      %add3A_228 = arith.constant 16 : i32
      %add3A_229 = arith.addi %mul3A_225, %add3A_228 : i32
      %get3A_230 = arith.index_cast %add3A_229 : i32 to index
      %get3A_231 = tpu.vector_load %arg5[%get3A_230] {strides = array<i32>} : memref<8192xi32, #tpu.memory_space<vmem>>, vector<16xi32>,
      %add3A_232 = arith.constant 32 : i32
      %add3A_233 = arith.addi %mul3A_225, %add3A_232 : i32
      %get3A_234 = arith.index_cast %add3A_233 : i32 to index
      %get3A_235 = tpu.vector_load %arg5[%get3A_234] {strides = array<i32>} : memref<8192xi32, #tpu.memory_space<vmem>>, vector<16xi32>,
      %add3A_236 = arith.constant 48 : i32
      %add3A_237 = arith.addi %mul3A_225, %add3A_236 : i32
      %get3A_238 = arith.index_cast %add3A_237 : i32 to index
      %get3A_239 = tpu.vector_load %arg5[%get3A_238] {strides = array<i32>} : memref<8192xi32, #tpu.memory_space<vmem>>, vector<16xi32>,
      %eq3A_240 = arith.constant 0 : i32
      %eq3A_241 = vector.broadcast %eq3A_240 : i32 to vector<16xi32>
      %eq3A_242 = arith.cmpi eq, %get3A_227, %eq3A_241 : vector<16xi32>
      %all_reduce_population_count3A_243 = tpu.all_reduce %eq3A_242 {dim = 0 : i64, kind = #tpu.reduction_kind<sum>} : vector<16xi1> -> vector<16xi32>
      %eq3A_244 = arith.constant 0 : i32
      %eq3A_245 = vector.broadcast %eq3A_244 : i32 to vector<16xi32>
      %eq3A_246 = arith.cmpi eq, %get3A_231, %eq3A_245 : vector<16xi32>
      %all_reduce_population_count3A_247 = tpu.all_reduce %eq3A_246 {dim = 0 : i64, kind = #tpu.reduction_kind<sum>} : vector<16xi1> -> vector<16xi32>
      %add3A_248 = arith.addi %all_reduce_population_count3A_243, %all_reduce_population_count3A_247 : vector<16xi32>
      %eq3A_249 = arith.constant 0 : i32
      %eq3A_250 = vector.broadcast %eq3A_249 : i32 to vector<16xi32>
      %eq3A_251 = arith.cmpi eq, %get3A_235, %eq3A_250 : vector<16xi32>
      %all_reduce_population_count3A_252 = tpu.all_reduce %eq3A_251 {dim = 0 : i64, kind = #tpu.reduction_kind<sum>} : vector<16xi1> -> vector<16xi32>
      %add3A_253 = arith.addi %add3A_248, %all_reduce_population_count3A_252 : vector<16xi32>
      %eq3A_254 = arith.constant 0 : i32
      %eq3A_255 = vector.broadcast %eq3A_254 : i32 to vector<16xi32>
      %eq3A_256 = arith.cmpi eq, %get3A_239, %eq3A_255 : vector<16xi32>
      %and3A_257 = arith.andi %eq3A_256, %lt3A_4 : vector<16xi1>
      %all_reduce_population_count3A_258 = tpu.all_reduce %and3A_257 {dim = 0 : i64, kind = #tpu.reduction_kind<sum>} : vector<16xi1> -> vector<16xi32>
      %add3A_259 = arith.addi %add3A_253, %all_reduce_population_count3A_258 : vector<16xi32>
      %convert_element_type3A_260 = arith.sitofp %add3A_259 : vector<16xi32> to vector<16xf32>
      %sub3A_261 = arith.constant 5.000000e+01 : f32
      %sub3A_262 = vector.broadcast %sub3A_261 : f32 to vector<16xf32>
      %sub3A_263 = arith.subf %sub3A_262, %convert_element_type3A_260 : vector<16xf32>
      %broadcast_in_dim3A_264 = arith.constant 0.000000e+00 : f32
      %broadcast_in_dim3A_265 = vector.broadcast %broadcast_in_dim3A_264 : f32 to vector<16xf32>
      %scan3A_266 = arith.constant 0 : i32
      %scan3A_267 = arith.constant 50 : i32
      %scan3A_268 = arith.addi %scan3A_266, %scan3A_267 : i32
      %scan3A_269 = arith.constant 1 : i32
      %scan3A_270:4 = scf.for %scan3A_1171 = %scan3A_266 to %scan3A_268 step %scan3A_269 iter_args(%scan3A_1172 = %broadcast_in_dim3A_265, %scan3A_1173 = %broadcast_in_dim3A_265, %scan3A_1174 = %broadcast_in_dim3A_265, %scan3A_1175 = %broadcast_in_dim3A_265) -> (vector<16xf32>, vector<16xf32>, vector<16xf32>, vector<16xf32>)  : i32 {
        %add3A_1176 = arith.constant 50 : i32
        %add3A_1177 = arith.addi %add3A_1176, %scan3A_1171 : i32
        %get3A_1178 = arith.index_cast %add3A_1177 : i32 to index
        %get3A_1179 = arith.constant 0 : index
        %get3A_1180 = tpu.vector_load %arg7[%get3A_1178, %get3A_1179] {strides = array<i32>} : memref<200x64xf32, #tpu.memory_space<vmem>>, vector<16xf32>,
        %add3A_1181 = arith.addf %scan3A_1172, %get3A_1180 : vector<16xf32>
        %get3A_1182 = arith.index_cast %add3A_1177 : i32 to index
        %get3A_1183 = arith.constant 16 : index
        %get3A_1184 = tpu.vector_load %arg7[%get3A_1182, %get3A_1183] {strides = array<i32>} : memref<200x64xf32, #tpu.memory_space<vmem>>, vector<16xf32>,
        %add3A_1185 = arith.addf %scan3A_1173, %get3A_1184 : vector<16xf32>
        %get3A_1186 = arith.index_cast %add3A_1177 : i32 to index
        %get3A_1187 = arith.constant 32 : index
        %get3A_1188 = tpu.vector_load %arg7[%get3A_1186, %get3A_1187] {strides = array<i32>} : memref<200x64xf32, #tpu.memory_space<vmem>>, vector<16xf32>,
        %add3A_1189 = arith.addf %scan3A_1174, %get3A_1188 : vector<16xf32>
        %get3A_1190 = arith.index_cast %add3A_1177 : i32 to index
        %get3A_1191 = arith.constant 48 : index
        %get3A_1192 = tpu.vector_load %arg7[%get3A_1190, %get3A_1191] {strides = array<i32>} : memref<200x64xf32, #tpu.memory_space<vmem>>, vector<16xf32>,
        %add3A_1193 = arith.addf %scan3A_1175, %get3A_1192 : vector<16xf32>
        scf.yield %add3A_1181, %add3A_1185, %add3A_1189, %add3A_1193 : vector<16xf32>, vector<16xf32>, vector<16xf32>, vector<16xf32>
      }
      %scan3A_271 = arith.constant 50 : i32
      %get3A_272 = arith.constant 0 : i32
      %get3A_273 = arith.index_cast %get3A_272 : i32 to index
      %get3A_274 = arith.constant 0 : index
      %get3A_275 = tpu.vector_load %arg6[%get3A_273, %get3A_274] {strides = array<i32>} : memref<1x64xf32, #tpu.memory_space<vmem>>, vector<16xf32>,
      %mul3A_276 = arith.mulf %convert_element_type3A_260, %get3A_275 : vector<16xf32>
      %sub3A_277 = arith.subf %scan3A_270#0, %mul3A_276 : vector<16xf32>
      %add3A_278 = arith.constant 9.99999993E-9 : f32
      %add3A_279 = vector.broadcast %add3A_278 : f32 to vector<16xf32>
      %add3A_280 = arith.addf %sub3A_263, %add3A_279 : vector<16xf32>
      %div3A_281 = arith.divf %sub3A_277, %add3A_280 : vector<16xf32>
      %gt3A_282 = arith.constant 0.000000e+00 : f32
      %gt3A_283 = vector.broadcast %gt3A_282 : f32 to vector<16xf32>
      %gt3A_284 = arith.cmpf ogt, %sub3A_263, %gt3A_283 : vector<16xf32>
      %jit3A_285 = arith.constant 0.000000e+00 : f32
      %broadcast_in_dim3A_286 = vector.broadcast %jit3A_285 : f32 to vector<16xf32>
      %select_n3A_287 = arith.select %gt3A_284, %div3A_281, %broadcast_in_dim3A_286 : vector<16xi1>, vector<16xf32>
      %swap3A_288 = arith.constant 1 : i32
      %swap3A_289 = arith.index_cast %swap3A_288 : i32 to index
      %swap3A_290 = arith.constant 0 : index
      %swap3A_291 = tpu.vector_load %arg9[%swap3A_289, %swap3A_290] {strides = array<i32>} : memref<4x64xf32, #tpu.memory_space<vmem>>, vector<16xf32>,
      tpu.vector_store %arg9[%swap3A_289, %swap3A_290], %select_n3A_287 {strides = array<i32>} : memref<4x64xf32, #tpu.memory_space<vmem>>, vector<16xf32>,
      %get3A_292 = arith.constant 0 : i32
      %get3A_293 = arith.index_cast %get3A_292 : i32 to index
      %get3A_294 = arith.constant 16 : index
      %get3A_295 = tpu.vector_load %arg6[%get3A_293, %get3A_294] {strides = array<i32>} : memref<1x64xf32, #tpu.memory_space<vmem>>, vector<16xf32>,
      %mul3A_296 = arith.mulf %convert_element_type3A_260, %get3A_295 : vector<16xf32>
      %sub3A_297 = arith.subf %scan3A_270#1, %mul3A_296 : vector<16xf32>
      %add3A_298 = arith.constant 9.99999993E-9 : f32
      %add3A_299 = vector.broadcast %add3A_298 : f32 to vector<16xf32>
      %add3A_300 = arith.addf %sub3A_263, %add3A_299 : vector<16xf32>
      %div3A_301 = arith.divf %sub3A_297, %add3A_300 : vector<16xf32>
      %gt3A_302 = arith.constant 0.000000e+00 : f32
      %gt3A_303 = vector.broadcast %gt3A_302 : f32 to vector<16xf32>
      %gt3A_304 = arith.cmpf ogt, %sub3A_263, %gt3A_303 : vector<16xf32>
      %jit3A_305 = arith.constant 0.000000e+00 : f32
      %broadcast_in_dim3A_306 = vector.broadcast %jit3A_305 : f32 to vector<16xf32>
      %select_n3A_307 = arith.select %gt3A_304, %div3A_301, %broadcast_in_dim3A_306 : vector<16xi1>, vector<16xf32>
      %swap3A_308 = arith.constant 1 : i32
      %swap3A_309 = arith.index_cast %swap3A_308 : i32 to index
      %swap3A_310 = arith.constant 16 : index
      %swap3A_311 = tpu.vector_load %arg9[%swap3A_309, %swap3A_310] {strides = array<i32>} : memref<4x64xf32, #tpu.memory_space<vmem>>, vector<16xf32>,
      tpu.vector_store %arg9[%swap3A_309, %swap3A_310], %select_n3A_307 {strides = array<i32>} : memref<4x64xf32, #tpu.memory_space<vmem>>, vector<16xf32>,
      %get3A_312 = arith.constant 0 : i32
      %get3A_313 = arith.index_cast %get3A_312 : i32 to index
      %get3A_314 = arith.constant 32 : index
      %get3A_315 = tpu.vector_load %arg6[%get3A_313, %get3A_314] {strides = array<i32>} : memref<1x64xf32, #tpu.memory_space<vmem>>, vector<16xf32>,
      %mul3A_316 = arith.mulf %convert_element_type3A_260, %get3A_315 : vector<16xf32>
      %sub3A_317 = arith.subf %scan3A_270#2, %mul3A_316 : vector<16xf32>
      %add3A_318 = arith.constant 9.99999993E-9 : f32
      %add3A_319 = vector.broadcast %add3A_318 : f32 to vector<16xf32>
      %add3A_320 = arith.addf %sub3A_263, %add3A_319 : vector<16xf32>
      %div3A_321 = arith.divf %sub3A_317, %add3A_320 : vector<16xf32>
      %gt3A_322 = arith.constant 0.000000e+00 : f32
      %gt3A_323 = vector.broadcast %gt3A_322 : f32 to vector<16xf32>
      %gt3A_324 = arith.cmpf ogt, %sub3A_263, %gt3A_323 : vector<16xf32>
      %jit3A_325 = arith.constant 0.000000e+00 : f32
      %broadcast_in_dim3A_326 = vector.broadcast %jit3A_325 : f32 to vector<16xf32>
      %select_n3A_327 = arith.select %gt3A_324, %div3A_321, %broadcast_in_dim3A_326 : vector<16xi1>, vector<16xf32>
      %swap3A_328 = arith.constant 1 : i32
      %swap3A_329 = arith.index_cast %swap3A_328 : i32 to index
      %swap3A_330 = arith.constant 32 : index
      %swap3A_331 = tpu.vector_load %arg9[%swap3A_329, %swap3A_330] {strides = array<i32>} : memref<4x64xf32, #tpu.memory_space<vmem>>, vector<16xf32>,
      tpu.vector_store %arg9[%swap3A_329, %swap3A_330], %select_n3A_327 {strides = array<i32>} : memref<4x64xf32, #tpu.memory_space<vmem>>, vector<16xf32>,
      %get3A_332 = arith.constant 0 : i32
      %get3A_333 = arith.index_cast %get3A_332 : i32 to index
      %get3A_334 = arith.constant 48 : index
      %get3A_335 = tpu.vector_load %arg6[%get3A_333, %get3A_334] {strides = array<i32>} : memref<1x64xf32, #tpu.memory_space<vmem>>, vector<16xf32>,
      %mul3A_336 = arith.mulf %convert_element_type3A_260, %get3A_335 : vector<16xf32>
      %sub3A_337 = arith.subf %scan3A_270#3, %mul3A_336 : vector<16xf32>
      %add3A_338 = arith.constant 9.99999993E-9 : f32
      %add3A_339 = vector.broadcast %add3A_338 : f32 to vector<16xf32>
      %add3A_340 = arith.addf %sub3A_263, %add3A_339 : vector<16xf32>
      %div3A_341 = arith.divf %sub3A_337, %add3A_340 : vector<16xf32>
      %gt3A_342 = arith.constant 0.000000e+00 : f32
      %gt3A_343 = vector.broadcast %gt3A_342 : f32 to vector<16xf32>
      %gt3A_344 = arith.cmpf ogt, %sub3A_263, %gt3A_343 : vector<16xf32>
      %jit3A_345 = arith.constant 0.000000e+00 : f32
      %broadcast_in_dim3A_346 = vector.broadcast %jit3A_345 : f32 to vector<16xf32>
      %select_n3A_347 = arith.select %gt3A_344, %div3A_341, %broadcast_in_dim3A_346 : vector<16xi1>, vector<16xf32>
      %swap3A_348 = arith.constant 1 : i32
      %swap3A_349 = arith.index_cast %swap3A_348 : i32 to index
      %swap3A_350 = arith.constant 48 : index
      %swap3A_351 = tpu.vector_load %arg9[%swap3A_349, %swap3A_350] {strides = array<i32>} : memref<4x64xf32, #tpu.memory_space<vmem>>, vector<16xf32>,
      tpu.vector_store %arg9[%swap3A_349, %swap3A_350], %select_n3A_347 {strides = array<i32>} : memref<4x64xf32, #tpu.memory_space<vmem>>, vector<16xf32>,
      %add3A_352 = arith.constant 2 : i32
      %add3A_353 = arith.addi %mul3A_90, %add3A_352 : i32
      %mul3A_354 = arith.constant 64 : i32
      %mul3A_355 = arith.muli %add3A_353, %mul3A_354 : i32
      %get3A_356 = arith.index_cast %mul3A_355 : i32 to index
      %get3A_357 = tpu.vector_load %arg5[%get3A_356] {strides = array<i32>} : memref<8192xi32, #tpu.memory_space<vmem>>, vector<16xi32>,
      %add3A_358 = arith.constant 16 : i32
      %add3A_359 = arith.addi %mul3A_355, %add3A_358 : i32
      %get3A_360 = arith.index_cast %add3A_359 : i32 to index
      %get3A_361 = tpu.vector_load %arg5[%get3A_360] {strides = array<i32>} : memref<8192xi32, #tpu.memory_space<vmem>>, vector<16xi32>,
      %add3A_362 = arith.constant 32 : i32
      %add3A_363 = arith.addi %mul3A_355, %add3A_362 : i32
      %get3A_364 = arith.index_cast %add3A_363 : i32 to index
      %get3A_365 = tpu.vector_load %arg5[%get3A_364] {strides = array<i32>} : memref<8192xi32, #tpu.memory_space<vmem>>, vector<16xi32>,
      %add3A_366 = arith.constant 48 : i32
      %add3A_367 = arith.addi %mul3A_355, %add3A_366 : i32
      %get3A_368 = arith.index_cast %add3A_367 : i32 to index
      %get3A_369 = tpu.vector_load %arg5[%get3A_368] {strides = array<i32>} : memref<8192xi32, #tpu.memory_space<vmem>>, vector<16xi32>,
      %eq3A_370 = arith.constant 0 : i32
      %eq3A_371 = vector.broadcast %eq3A_370 : i32 to vector<16xi32>
      %eq3A_372 = arith.cmpi eq, %get3A_357, %eq3A_371 : vector<16xi32>
      %all_reduce_population_count3A_373 = tpu.all_reduce %eq3A_372 {dim = 0 : i64, kind = #tpu.reduction_kind<sum>} : vector<16xi1> -> vector<16xi32>
      %eq3A_374 = arith.constant 0 : i32
      %eq3A_375 = vector.broadcast %eq3A_374 : i32 to vector<16xi32>
      %eq3A_376 = arith.cmpi eq, %get3A_361, %eq3A_375 : vector<16xi32>
      %all_reduce_population_count3A_377 = tpu.all_reduce %eq3A_376 {dim = 0 : i64, kind = #tpu.reduction_kind<sum>} : vector<16xi1> -> vector<16xi32>
      %add3A_378 = arith.addi %all_reduce_population_count3A_373, %all_reduce_population_count3A_377 : vector<16xi32>
      %eq3A_379 = arith.constant 0 : i32
      %eq3A_380 = vector.broadcast %eq3A_379 : i32 to vector<16xi32>
      %eq3A_381 = arith.cmpi eq, %get3A_365, %eq3A_380 : vector<16xi32>
      %all_reduce_population_count3A_382 = tpu.all_reduce %eq3A_381 {dim = 0 : i64, kind = #tpu.reduction_kind<sum>} : vector<16xi1> -> vector<16xi32>
      %add3A_383 = arith.addi %add3A_378, %all_reduce_population_count3A_382 : vector<16xi32>
      %eq3A_384 = arith.constant 0 : i32
      %eq3A_385 = vector.broadcast %eq3A_384 : i32 to vector<16xi32>
      %eq3A_386 = arith.cmpi eq, %get3A_369, %eq3A_385 : vector<16xi32>
      %and3A_387 = arith.andi %eq3A_386, %lt3A_4 : vector<16xi1>
      %all_reduce_population_count3A_388 = tpu.all_reduce %and3A_387 {dim = 0 : i64, kind = #tpu.reduction_kind<sum>} : vector<16xi1> -> vector<16xi32>
      %add3A_389 = arith.addi %add3A_383, %all_reduce_population_count3A_388 : vector<16xi32>
      %convert_element_type3A_390 = arith.sitofp %add3A_389 : vector<16xi32> to vector<16xf32>
      %sub3A_391 = arith.constant 5.000000e+01 : f32
      %sub3A_392 = vector.broadcast %sub3A_391 : f32 to vector<16xf32>
      %sub3A_393 = arith.subf %sub3A_392, %convert_element_type3A_390 : vector<16xf32>
      %broadcast_in_dim3A_394 = arith.constant 0.000000e+00 : f32
      %broadcast_in_dim3A_395 = vector.broadcast %broadcast_in_dim3A_394 : f32 to vector<16xf32>
      %scan3A_396 = arith.constant 0 : i32
      %scan3A_397 = arith.constant 50 : i32
      %scan3A_398 = arith.addi %scan3A_396, %scan3A_397 : i32
      %scan3A_399 = arith.constant 1 : i32
      %scan3A_400:4 = scf.for %scan3A_1171 = %scan3A_396 to %scan3A_398 step %scan3A_399 iter_args(%scan3A_1172 = %broadcast_in_dim3A_395, %scan3A_1173 = %broadcast_in_dim3A_395, %scan3A_1174 = %broadcast_in_dim3A_395, %scan3A_1175 = %broadcast_in_dim3A_395) -> (vector<16xf32>, vector<16xf32>, vector<16xf32>, vector<16xf32>)  : i32 {
        %add3A_1176 = arith.constant 100 : i32
        %add3A_1177 = arith.addi %add3A_1176, %scan3A_1171 : i32
        %get3A_1178 = arith.index_cast %add3A_1177 : i32 to index
        %get3A_1179 = arith.constant 0 : index
        %get3A_1180 = tpu.vector_load %arg7[%get3A_1178, %get3A_1179] {strides = array<i32>} : memref<200x64xf32, #tpu.memory_space<vmem>>, vector<16xf32>,
        %add3A_1181 = arith.addf %scan3A_1172, %get3A_1180 : vector<16xf32>
        %get3A_1182 = arith.index_cast %add3A_1177 : i32 to index
        %get3A_1183 = arith.constant 16 : index
        %get3A_1184 = tpu.vector_load %arg7[%get3A_1182, %get3A_1183] {strides = array<i32>} : memref<200x64xf32, #tpu.memory_space<vmem>>, vector<16xf32>,
        %add3A_1185 = arith.addf %scan3A_1173, %get3A_1184 : vector<16xf32>
        %get3A_1186 = arith.index_cast %add3A_1177 : i32 to index
        %get3A_1187 = arith.constant 32 : index
        %get3A_1188 = tpu.vector_load %arg7[%get3A_1186, %get3A_1187] {strides = array<i32>} : memref<200x64xf32, #tpu.memory_space<vmem>>, vector<16xf32>,
        %add3A_1189 = arith.addf %scan3A_1174, %get3A_1188 : vector<16xf32>
        %get3A_1190 = arith.index_cast %add3A_1177 : i32 to index
        %get3A_1191 = arith.constant 48 : index
        %get3A_1192 = tpu.vector_load %arg7[%get3A_1190, %get3A_1191] {strides = array<i32>} : memref<200x64xf32, #tpu.memory_space<vmem>>, vector<16xf32>,
        %add3A_1193 = arith.addf %scan3A_1175, %get3A_1192 : vector<16xf32>
        scf.yield %add3A_1181, %add3A_1185, %add3A_1189, %add3A_1193 : vector<16xf32>, vector<16xf32>, vector<16xf32>, vector<16xf32>
      }
      %scan3A_401 = arith.constant 50 : i32
      %get3A_402 = arith.constant 0 : i32
      %get3A_403 = arith.index_cast %get3A_402 : i32 to index
      %get3A_404 = arith.constant 0 : index
      %get3A_405 = tpu.vector_load %arg6[%get3A_403, %get3A_404] {strides = array<i32>} : memref<1x64xf32, #tpu.memory_space<vmem>>, vector<16xf32>,
      %mul3A_406 = arith.mulf %convert_element_type3A_390, %get3A_405 : vector<16xf32>
      %sub3A_407 = arith.subf %scan3A_400#0, %mul3A_406 : vector<16xf32>
      %add3A_408 = arith.constant 9.99999993E-9 : f32
      %add3A_409 = vector.broadcast %add3A_408 : f32 to vector<16xf32>
      %add3A_410 = arith.addf %sub3A_393, %add3A_409 : vector<16xf32>
      %div3A_411 = arith.divf %sub3A_407, %add3A_410 : vector<16xf32>
      %gt3A_412 = arith.constant 0.000000e+00 : f32
      %gt3A_413 = vector.broadcast %gt3A_412 : f32 to vector<16xf32>
      %gt3A_414 = arith.cmpf ogt, %sub3A_393, %gt3A_413 : vector<16xf32>
      %jit3A_415 = arith.constant 0.000000e+00 : f32
      %broadcast_in_dim3A_416 = vector.broadcast %jit3A_415 : f32 to vector<16xf32>
      %select_n3A_417 = arith.select %gt3A_414, %div3A_411, %broadcast_in_dim3A_416 : vector<16xi1>, vector<16xf32>
      %swap3A_418 = arith.constant 2 : i32
      %swap3A_419 = arith.index_cast %swap3A_418 : i32 to index
      %swap3A_420 = arith.constant 0 : index
      %swap3A_421 = tpu.vector_load %arg9[%swap3A_419, %swap3A_420] {strides = array<i32>} : memref<4x64xf32, #tpu.memory_space<vmem>>, vector<16xf32>,
      tpu.vector_store %arg9[%swap3A_419, %swap3A_420], %select_n3A_417 {strides = array<i32>} : memref<4x64xf32, #tpu.memory_space<vmem>>, vector<16xf32>,
      %get3A_422 = arith.constant 0 : i32
      %get3A_423 = arith.index_cast %get3A_422 : i32 to index
      %get3A_424 = arith.constant 16 : index
      %get3A_425 = tpu.vector_load %arg6[%get3A_423, %get3A_424] {strides = array<i32>} : memref<1x64xf32, #tpu.memory_space<vmem>>, vector<16xf32>,
      %mul3A_426 = arith.mulf %convert_element_type3A_390, %get3A_425 : vector<16xf32>
      %sub3A_427 = arith.subf %scan3A_400#1, %mul3A_426 : vector<16xf32>
      %add3A_428 = arith.constant 9.99999993E-9 : f32
      %add3A_429 = vector.broadcast %add3A_428 : f32 to vector<16xf32>
      %add3A_430 = arith.addf %sub3A_393, %add3A_429 : vector<16xf32>
      %div3A_431 = arith.divf %sub3A_427, %add3A_430 : vector<16xf32>
      %gt3A_432 = arith.constant 0.000000e+00 : f32
      %gt3A_433 = vector.broadcast %gt3A_432 : f32 to vector<16xf32>
      %gt3A_434 = arith.cmpf ogt, %sub3A_393, %gt3A_433 : vector<16xf32>
      %jit3A_435 = arith.constant 0.000000e+00 : f32
      %broadcast_in_dim3A_436 = vector.broadcast %jit3A_435 : f32 to vector<16xf32>
      %select_n3A_437 = arith.select %gt3A_434, %div3A_431, %broadcast_in_dim3A_436 : vector<16xi1>, vector<16xf32>
      %swap3A_438 = arith.constant 2 : i32
      %swap3A_439 = arith.index_cast %swap3A_438 : i32 to index
      %swap3A_440 = arith.constant 16 : index
      %swap3A_441 = tpu.vector_load %arg9[%swap3A_439, %swap3A_440] {strides = array<i32>} : memref<4x64xf32, #tpu.memory_space<vmem>>, vector<16xf32>,
      tpu.vector_store %arg9[%swap3A_439, %swap3A_440], %select_n3A_437 {strides = array<i32>} : memref<4x64xf32, #tpu.memory_space<vmem>>, vector<16xf32>,
      %get3A_442 = arith.constant 0 : i32
      %get3A_443 = arith.index_cast %get3A_442 : i32 to index
      %get3A_444 = arith.constant 32 : index
      %get3A_445 = tpu.vector_load %arg6[%get3A_443, %get3A_444] {strides = array<i32>} : memref<1x64xf32, #tpu.memory_space<vmem>>, vector<16xf32>,
      %mul3A_446 = arith.mulf %convert_element_type3A_390, %get3A_445 : vector<16xf32>
      %sub3A_447 = arith.subf %scan3A_400#2, %mul3A_446 : vector<16xf32>
      %add3A_448 = arith.constant 9.99999993E-9 : f32
      %add3A_449 = vector.broadcast %add3A_448 : f32 to vector<16xf32>
      %add3A_450 = arith.addf %sub3A_393, %add3A_449 : vector<16xf32>
      %div3A_451 = arith.divf %sub3A_447, %add3A_450 : vector<16xf32>
      %gt3A_452 = arith.constant 0.000000e+00 : f32
      %gt3A_453 = vector.broadcast %gt3A_452 : f32 to vector<16xf32>
      %gt3A_454 = arith.cmpf ogt, %sub3A_393, %gt3A_453 : vector<16xf32>
      %jit3A_455 = arith.constant 0.000000e+00 : f32
      %broadcast_in_dim3A_456 = vector.broadcast %jit3A_455 : f32 to vector<16xf32>
      %select_n3A_457 = arith.select %gt3A_454, %div3A_451, %broadcast_in_dim3A_456 : vector<16xi1>, vector<16xf32>
      %swap3A_458 = arith.constant 2 : i32
      %swap3A_459 = arith.index_cast %swap3A_458 : i32 to index
      %swap3A_460 = arith.constant 32 : index
      %swap3A_461 = tpu.vector_load %arg9[%swap3A_459, %swap3A_460] {strides = array<i32>} : memref<4x64xf32, #tpu.memory_space<vmem>>, vector<16xf32>,
      tpu.vector_store %arg9[%swap3A_459, %swap3A_460], %select_n3A_457 {strides = array<i32>} : memref<4x64xf32, #tpu.memory_space<vmem>>, vector<16xf32>,
      %get3A_462 = arith.constant 0 : i32
      %get3A_463 = arith.index_cast %get3A_462 : i32 to index
      %get3A_464 = arith.constant 48 : index
      %get3A_465 = tpu.vector_load %arg6[%get3A_463, %get3A_464] {strides = array<i32>} : memref<1x64xf32, #tpu.memory_space<vmem>>, vector<16xf32>,
      %mul3A_466 = arith.mulf %convert_element_type3A_390, %get3A_465 : vector<16xf32>
      %sub3A_467 = arith.subf %scan3A_400#3, %mul3A_466 : vector<16xf32>
      %add3A_468 = arith.constant 9.99999993E-9 : f32
      %add3A_469 = vector.broadcast %add3A_468 : f32 to vector<16xf32>
      %add3A_470 = arith.addf %sub3A_393, %add3A_469 : vector<16xf32>
      %div3A_471 = arith.divf %sub3A_467, %add3A_470 : vector<16xf32>
      %gt3A_472 = arith.constant 0.000000e+00 : f32
      %gt3A_473 = vector.broadcast %gt3A_472 : f32 to vector<16xf32>
      %gt3A_474 = arith.cmpf ogt, %sub3A_393, %gt3A_473 : vector<16xf32>
      %jit3A_475 = arith.constant 0.000000e+00 : f32
      %broadcast_in_dim3A_476 = vector.broadcast %jit3A_475 : f32 to vector<16xf32>
      %select_n3A_477 = arith.select %gt3A_474, %div3A_471, %broadcast_in_dim3A_476 : vector<16xi1>, vector<16xf32>
      %swap3A_478 = arith.constant 2 : i32
      %swap3A_479 = arith.index_cast %swap3A_478 : i32 to index
      %swap3A_480 = arith.constant 48 : index
      %swap3A_481 = tpu.vector_load %arg9[%swap3A_479, %swap3A_480] {strides = array<i32>} : memref<4x64xf32, #tpu.memory_space<vmem>>, vector<16xf32>,
      tpu.vector_store %arg9[%swap3A_479, %swap3A_480], %select_n3A_477 {strides = array<i32>} : memref<4x64xf32, #tpu.memory_space<vmem>>, vector<16xf32>,
      %add3A_482 = arith.constant 3 : i32
      %add3A_483 = arith.addi %mul3A_90, %add3A_482 : i32
      %mul3A_484 = arith.constant 64 : i32
      %mul3A_485 = arith.muli %add3A_483, %mul3A_484 : i32
      %get3A_486 = arith.index_cast %mul3A_485 : i32 to index
      %get3A_487 = tpu.vector_load %arg5[%get3A_486] {strides = array<i32>} : memref<8192xi32, #tpu.memory_space<vmem>>, vector<16xi32>,
      %add3A_488 = arith.constant 16 : i32
      %add3A_489 = arith.addi %mul3A_485, %add3A_488 : i32
      %get3A_490 = arith.index_cast %add3A_489 : i32 to index
      %get3A_491 = tpu.vector_load %arg5[%get3A_490] {strides = array<i32>} : memref<8192xi32, #tpu.memory_space<vmem>>, vector<16xi32>,
      %add3A_492 = arith.constant 32 : i32
      %add3A_493 = arith.addi %mul3A_485, %add3A_492 : i32
      %get3A_494 = arith.index_cast %add3A_493 : i32 to index
      %get3A_495 = tpu.vector_load %arg5[%get3A_494] {strides = array<i32>} : memref<8192xi32, #tpu.memory_space<vmem>>, vector<16xi32>,
      %add3A_496 = arith.constant 48 : i32
      %add3A_497 = arith.addi %mul3A_485, %add3A_496 : i32
      %get3A_498 = arith.index_cast %add3A_497 : i32 to index
      %get3A_499 = tpu.vector_load %arg5[%get3A_498] {strides = array<i32>} : memref<8192xi32, #tpu.memory_space<vmem>>, vector<16xi32>,
      %eq3A_500 = arith.constant 0 : i32
      %eq3A_501 = vector.broadcast %eq3A_500 : i32 to vector<16xi32>
      %eq3A_502 = arith.cmpi eq, %get3A_487, %eq3A_501 : vector<16xi32>
      %all_reduce_population_count3A_503 = tpu.all_reduce %eq3A_502 {dim = 0 : i64, kind = #tpu.reduction_kind<sum>} : vector<16xi1> -> vector<16xi32>
      %eq3A_504 = arith.constant 0 : i32
      %eq3A_505 = vector.broadcast %eq3A_504 : i32 to vector<16xi32>
      %eq3A_506 = arith.cmpi eq, %get3A_491, %eq3A_505 : vector<16xi32>
      %all_reduce_population_count3A_507 = tpu.all_reduce %eq3A_506 {dim = 0 : i64, kind = #tpu.reduction_kind<sum>} : vector<16xi1> -> vector<16xi32>
      %add3A_508 = arith.addi %all_reduce_population_count3A_503, %all_reduce_population_count3A_507 : vector<16xi32>
      %eq3A_509 = arith.constant 0 : i32
      %eq3A_510 = vector.broadcast %eq3A_509 : i32 to vector<16xi32>
      %eq3A_511 = arith.cmpi eq, %get3A_495, %eq3A_510 : vector<16xi32>
      %all_reduce_population_count3A_512 = tpu.all_reduce %eq3A_511 {dim = 0 : i64, kind = #tpu.reduction_kind<sum>} : vector<16xi1> -> vector<16xi32>
      %add3A_513 = arith.addi %add3A_508, %all_reduce_population_count3A_512 : vector<16xi32>
      %eq3A_514 = arith.constant 0 : i32
      %eq3A_515 = vector.broadcast %eq3A_514 : i32 to vector<16xi32>
      %eq3A_516 = arith.cmpi eq, %get3A_499, %eq3A_515 : vector<16xi32>
      %and3A_517 = arith.andi %eq3A_516, %lt3A_4 : vector<16xi1>
      %all_reduce_population_count3A_518 = tpu.all_reduce %and3A_517 {dim = 0 : i64, kind = #tpu.reduction_kind<sum>} : vector<16xi1> -> vector<16xi32>
      %add3A_519 = arith.addi %add3A_513, %all_reduce_population_count3A_518 : vector<16xi32>
      %convert_element_type3A_520 = arith.sitofp %add3A_519 : vector<16xi32> to vector<16xf32>
      %sub3A_521 = arith.constant 5.000000e+01 : f32
      %sub3A_522 = vector.broadcast %sub3A_521 : f32 to vector<16xf32>
      %sub3A_523 = arith.subf %sub3A_522, %convert_element_type3A_520 : vector<16xf32>
      %broadcast_in_dim3A_524 = arith.constant 0.000000e+00 : f32
      %broadcast_in_dim3A_525 = vector.broadcast %broadcast_in_dim3A_524 : f32 to vector<16xf32>
      %scan3A_526 = arith.constant 0 : i32
      %scan3A_527 = arith.constant 50 : i32
      %scan3A_528 = arith.addi %scan3A_526, %scan3A_527 : i32
      %scan3A_529 = arith.constant 1 : i32
      %scan3A_530:4 = scf.for %scan3A_1171 = %scan3A_526 to %scan3A_528 step %scan3A_529 iter_args(%scan3A_1172 = %broadcast_in_dim3A_525, %scan3A_1173 = %broadcast_in_dim3A_525, %scan3A_1174 = %broadcast_in_dim3A_525, %scan3A_1175 = %broadcast_in_dim3A_525) -> (vector<16xf32>, vector<16xf32>, vector<16xf32>, vector<16xf32>)  : i32 {
        %add3A_1176 = arith.constant 150 : i32
        %add3A_1177 = arith.addi %add3A_1176, %scan3A_1171 : i32
        %get3A_1178 = arith.index_cast %add3A_1177 : i32 to index
        %get3A_1179 = arith.constant 0 : index
        %get3A_1180 = tpu.vector_load %arg7[%get3A_1178, %get3A_1179] {strides = array<i32>} : memref<200x64xf32, #tpu.memory_space<vmem>>, vector<16xf32>,
        %add3A_1181 = arith.addf %scan3A_1172, %get3A_1180 : vector<16xf32>
        %get3A_1182 = arith.index_cast %add3A_1177 : i32 to index
        %get3A_1183 = arith.constant 16 : index
        %get3A_1184 = tpu.vector_load %arg7[%get3A_1182, %get3A_1183] {strides = array<i32>} : memref<200x64xf32, #tpu.memory_space<vmem>>, vector<16xf32>,
        %add3A_1185 = arith.addf %scan3A_1173, %get3A_1184 : vector<16xf32>
        %get3A_1186 = arith.index_cast %add3A_1177 : i32 to index
        %get3A_1187 = arith.constant 32 : index
        %get3A_1188 = tpu.vector_load %arg7[%get3A_1186, %get3A_1187] {strides = array<i32>} : memref<200x64xf32, #tpu.memory_space<vmem>>, vector<16xf32>,
        %add3A_1189 = arith.addf %scan3A_1174, %get3A_1188 : vector<16xf32>
        %get3A_1190 = arith.index_cast %add3A_1177 : i32 to index
        %get3A_1191 = arith.constant 48 : index
        %get3A_1192 = tpu.vector_load %arg7[%get3A_1190, %get3A_1191] {strides = array<i32>} : memref<200x64xf32, #tpu.memory_space<vmem>>, vector<16xf32>,
        %add3A_1193 = arith.addf %scan3A_1175, %get3A_1192 : vector<16xf32>
        scf.yield %add3A_1181, %add3A_1185, %add3A_1189, %add3A_1193 : vector<16xf32>, vector<16xf32>, vector<16xf32>, vector<16xf32>
      }
      %scan3A_531 = arith.constant 50 : i32
      %get3A_532 = arith.constant 0 : i32
      %get3A_533 = arith.index_cast %get3A_532 : i32 to index
      %get3A_534 = arith.constant 0 : index
      %get3A_535 = tpu.vector_load %arg6[%get3A_533, %get3A_534] {strides = array<i32>} : memref<1x64xf32, #tpu.memory_space<vmem>>, vector<16xf32>,
      %mul3A_536 = arith.mulf %convert_element_type3A_520, %get3A_535 : vector<16xf32>
      %sub3A_537 = arith.subf %scan3A_530#0, %mul3A_536 : vector<16xf32>
      %add3A_538 = arith.constant 9.99999993E-9 : f32
      %add3A_539 = vector.broadcast %add3A_538 : f32 to vector<16xf32>
      %add3A_540 = arith.addf %sub3A_523, %add3A_539 : vector<16xf32>
      %div3A_541 = arith.divf %sub3A_537, %add3A_540 : vector<16xf32>
      %gt3A_542 = arith.constant 0.000000e+00 : f32
      %gt3A_543 = vector.broadcast %gt3A_542 : f32 to vector<16xf32>
      %gt3A_544 = arith.cmpf ogt, %sub3A_523, %gt3A_543 : vector<16xf32>
      %jit3A_545 = arith.constant 0.000000e+00 : f32
      %broadcast_in_dim3A_546 = vector.broadcast %jit3A_545 : f32 to vector<16xf32>
      %select_n3A_547 = arith.select %gt3A_544, %div3A_541, %broadcast_in_dim3A_546 : vector<16xi1>, vector<16xf32>
      %swap3A_548 = arith.constant 3 : i32
      %swap3A_549 = arith.index_cast %swap3A_548 : i32 to index
      %swap3A_550 = arith.constant 0 : index
      %swap3A_551 = tpu.vector_load %arg9[%swap3A_549, %swap3A_550] {strides = array<i32>} : memref<4x64xf32, #tpu.memory_space<vmem>>, vector<16xf32>,
      tpu.vector_store %arg9[%swap3A_549, %swap3A_550], %select_n3A_547 {strides = array<i32>} : memref<4x64xf32, #tpu.memory_space<vmem>>, vector<16xf32>,
      %get3A_552 = arith.constant 0 : i32
      %get3A_553 = arith.index_cast %get3A_552 : i32 to index
      %get3A_554 = arith.constant 16 : index
      %get3A_555 = tpu.vector_load %arg6[%get3A_553, %get3A_554] {strides = array<i32>} : memref<1x64xf32, #tpu.memory_space<vmem>>, vector<16xf32>,
      %mul3A_556 = arith.mulf %convert_element_type3A_520, %get3A_555 : vector<16xf32>
      %sub3A_557 = arith.subf %scan3A_530#1, %mul3A_556 : vector<16xf32>
      %add3A_558 = arith.constant 9.99999993E-9 : f32
      %add3A_559 = vector.broadcast %add3A_558 : f32 to vector<16xf32>
      %add3A_560 = arith.addf %sub3A_523, %add3A_559 : vector<16xf32>
      %div3A_561 = arith.divf %sub3A_557, %add3A_560 : vector<16xf32>
      %gt3A_562 = arith.constant 0.000000e+00 : f32
      %gt3A_563 = vector.broadcast %gt3A_562 : f32 to vector<16xf32>
      %gt3A_564 = arith.cmpf ogt, %sub3A_523, %gt3A_563 : vector<16xf32>
      %jit3A_565 = arith.constant 0.000000e+00 : f32
      %broadcast_in_dim3A_566 = vector.broadcast %jit3A_565 : f32 to vector<16xf32>
      %select_n3A_567 = arith.select %gt3A_564, %div3A_561, %broadcast_in_dim3A_566 : vector<16xi1>, vector<16xf32>
      %swap3A_568 = arith.constant 3 : i32
      %swap3A_569 = arith.index_cast %swap3A_568 : i32 to index
      %swap3A_570 = arith.constant 16 : index
      %swap3A_571 = tpu.vector_load %arg9[%swap3A_569, %swap3A_570] {strides = array<i32>} : memref<4x64xf32, #tpu.memory_space<vmem>>, vector<16xf32>,
      tpu.vector_store %arg9[%swap3A_569, %swap3A_570], %select_n3A_567 {strides = array<i32>} : memref<4x64xf32, #tpu.memory_space<vmem>>, vector<16xf32>,
      %get3A_572 = arith.constant 0 : i32
      %get3A_573 = arith.index_cast %get3A_572 : i32 to index
      %get3A_574 = arith.constant 32 : index
      %get3A_575 = tpu.vector_load %arg6[%get3A_573, %get3A_574] {strides = array<i32>} : memref<1x64xf32, #tpu.memory_space<vmem>>, vector<16xf32>,
      %mul3A_576 = arith.mulf %convert_element_type3A_520, %get3A_575 : vector<16xf32>
      %sub3A_577 = arith.subf %scan3A_530#2, %mul3A_576 : vector<16xf32>
      %add3A_578 = arith.constant 9.99999993E-9 : f32
      %add3A_579 = vector.broadcast %add3A_578 : f32 to vector<16xf32>
      %add3A_580 = arith.addf %sub3A_523, %add3A_579 : vector<16xf32>
      %div3A_581 = arith.divf %sub3A_577, %add3A_580 : vector<16xf32>
      %gt3A_582 = arith.constant 0.000000e+00 : f32
      %gt3A_583 = vector.broadcast %gt3A_582 : f32 to vector<16xf32>
      %gt3A_584 = arith.cmpf ogt, %sub3A_523, %gt3A_583 : vector<16xf32>
      %jit3A_585 = arith.constant 0.000000e+00 : f32
      %broadcast_in_dim3A_586 = vector.broadcast %jit3A_585 : f32 to vector<16xf32>
      %select_n3A_587 = arith.select %gt3A_584, %div3A_581, %broadcast_in_dim3A_586 : vector<16xi1>, vector<16xf32>
      %swap3A_588 = arith.constant 3 : i32
      %swap3A_589 = arith.index_cast %swap3A_588 : i32 to index
      %swap3A_590 = arith.constant 32 : index
      %swap3A_591 = tpu.vector_load %arg9[%swap3A_589, %swap3A_590] {strides = array<i32>} : memref<4x64xf32, #tpu.memory_space<vmem>>, vector<16xf32>,
      tpu.vector_store %arg9[%swap3A_589, %swap3A_590], %select_n3A_587 {strides = array<i32>} : memref<4x64xf32, #tpu.memory_space<vmem>>, vector<16xf32>,
      %get3A_592 = arith.constant 0 : i32
      %get3A_593 = arith.index_cast %get3A_592 : i32 to index
      %get3A_594 = arith.constant 48 : index
      %get3A_595 = tpu.vector_load %arg6[%get3A_593, %get3A_594] {strides = array<i32>} : memref<1x64xf32, #tpu.memory_space<vmem>>, vector<16xf32>,
      %mul3A_596 = arith.mulf %convert_element_type3A_520, %get3A_595 : vector<16xf32>
      %sub3A_597 = arith.subf %scan3A_530#3, %mul3A_596 : vector<16xf32>
      %add3A_598 = arith.constant 9.99999993E-9 : f32
      %add3A_599 = vector.broadcast %add3A_598 : f32 to vector<16xf32>
      %add3A_600 = arith.addf %sub3A_523, %add3A_599 : vector<16xf32>
      %div3A_601 = arith.divf %sub3A_597, %add3A_600 : vector<16xf32>
      %gt3A_602 = arith.constant 0.000000e+00 : f32
      %gt3A_603 = vector.broadcast %gt3A_602 : f32 to vector<16xf32>
      %gt3A_604 = arith.cmpf ogt, %sub3A_523, %gt3A_603 : vector<16xf32>
      %jit3A_605 = arith.constant 0.000000e+00 : f32
      %broadcast_in_dim3A_606 = vector.broadcast %jit3A_605 : f32 to vector<16xf32>
      %select_n3A_607 = arith.select %gt3A_604, %div3A_601, %broadcast_in_dim3A_606 : vector<16xi1>, vector<16xf32>
      %swap3A_608 = arith.constant 3 : i32
      %swap3A_609 = arith.index_cast %swap3A_608 : i32 to index
      %swap3A_610 = arith.constant 48 : index
      %swap3A_611 = tpu.vector_load %arg9[%swap3A_609, %swap3A_610] {strides = array<i32>} : memref<4x64xf32, #tpu.memory_space<vmem>>, vector<16xf32>,
      tpu.vector_store %arg9[%swap3A_609, %swap3A_610], %select_n3A_607 {strides = array<i32>} : memref<4x64xf32, #tpu.memory_space<vmem>>, vector<16xf32>,
      %dma_start3A_612 = arith.constant 0 : i32
      %dma_start3A_613 = tpu.memref_slice %arg4[%add3A_93, %dma_start3A_612] : memref<4096x64xf32, #tpu.memory_space<hbm>> -> memref<4x64xf32, #tpu.memory_space<hbm>>
      %dma_start3A_614 = arith.constant 0 : i32
      %dma_start3A_615 = tpu.memref_slice %arg4[%add3A_93, %dma_start3A_614] : memref<4096x64xf32, #tpu.memory_space<hbm>> -> memref<4x64xf32, #tpu.memory_space<hbm>>
      tpu.enqueue_dma source(%arg9 : memref<4x64xf32, #tpu.memory_space<vmem>>) target(%dma_start3A_615 : memref<4x64xf32, #tpu.memory_space<hbm>>) target_semaphore(%arg13 : memref<!tpu.dma_semaphore, #tpu.memory_space<semaphore_mem>>)
      %lt3A_616 = arith.constant 15 : i32
      %lt3A_617 = arith.cmpi slt, %scan3A_85, %lt3A_616 : i32
      %convert_element_type3A_618 = arith.extui %lt3A_617 : i1 to i32
      %cond3A_619 = arith.constant 0 : i32
      %cond3A_620 = arith.cmpi ne, %convert_element_type3A_618, %cond3A_619 : i32
      scf.if %cond3A_620 {
        %add3A_1171 = arith.constant 2 : i32
        %add3A_1172 = arith.addi %mul3A_88, %add3A_1171 : i32
        %mul3A_1173 = arith.constant 4 : i32
        %mul3A_1174 = arith.muli %add3A_1172, %mul3A_1173 : i32
        %add3A_1175 = arith.constant 0 : i32
        %add3A_1176 = arith.addi %mul3A_1174, %add3A_1175 : i32
        %mul3A_1177 = arith.constant 64 : i32
        %mul3A_1178 = arith.muli %add3A_1176, %mul3A_1177 : i32
        %dma_start3A_1179 = arith.constant 0 : i32
        %dma_start3A_1180 = arith.constant 0 : i32
        %dma_start3A_1181 = tpu.memref_slice %arg7[%dma_start3A_1179, %dma_start3A_1180] : memref<200x64xf32, #tpu.memory_space<vmem>> -> memref<50x64xf32, #tpu.memory_space<vmem>>
        %dma_start3A_1182 = tpu.memref_slice %arg5[%mul3A_1178] : memref<8192xi32, #tpu.memory_space<vmem>> -> memref<50xi32, #tpu.memory_space<vmem>>
        %dma_start3A_1183 = arith.constant 0 : i32
        %dma_start3A_1184 = arith.constant 0 : i32
        %dma_start3A_1185 = tpu.memref_slice %arg3[%dma_start3A_1183, %dma_start3A_1184] : memref<114688x64xf32, #tpu.memory_space<hbm>> -> memref<114688x64xf32, #tpu.memory_space<hbm>>
        tpu.enqueue_indirect_dma source(%dma_start3A_1185 : memref<114688x64xf32, #tpu.memory_space<hbm>>) target(%dma_start3A_1181 : memref<50x64xf32, #tpu.memory_space<vmem>>) offsets(%dma_start3A_1182 : memref<50xi32, #tpu.memory_space<vmem>>) semaphore(%arg11 : memref<!tpu.dma_semaphore, #tpu.memory_space<semaphore_mem>>)
        %add3A_1186 = arith.constant 1 : i32
        %add3A_1187 = arith.addi %mul3A_1174, %add3A_1186 : i32
        %mul3A_1188 = arith.constant 64 : i32
        %mul3A_1189 = arith.muli %add3A_1187, %mul3A_1188 : i32
        %dma_start3A_1190 = arith.constant 50 : i32
        %dma_start3A_1191 = arith.constant 0 : i32
        %dma_start3A_1192 = tpu.memref_slice %arg7[%dma_start3A_1190, %dma_start3A_1191] : memref<200x64xf32, #tpu.memory_space<vmem>> -> memref<50x64xf32, #tpu.memory_space<vmem>>
        %dma_start3A_1193 = tpu.memref_slice %arg5[%mul3A_1189] : memref<8192xi32, #tpu.memory_space<vmem>> -> memref<50xi32, #tpu.memory_space<vmem>>
        %dma_start3A_1194 = arith.constant 0 : i32
        %dma_start3A_1195 = arith.constant 0 : i32
        %dma_start3A_1196 = tpu.memref_slice %arg3[%dma_start3A_1194, %dma_start3A_1195] : memref<114688x64xf32, #tpu.memory_space<hbm>> -> memref<114688x64xf32, #tpu.memory_space<hbm>>
        tpu.enqueue_indirect_dma source(%dma_start3A_1196 : memref<114688x64xf32, #tpu.memory_space<hbm>>) target(%dma_start3A_1192 : memref<50x64xf32, #tpu.memory_space<vmem>>) offsets(%dma_start3A_1193 : memref<50xi32, #tpu.memory_space<vmem>>) semaphore(%arg11 : memref<!tpu.dma_semaphore, #tpu.memory_space<semaphore_mem>>)
        %add3A_1197 = arith.constant 2 : i32
        %add3A_1198 = arith.addi %mul3A_1174, %add3A_1197 : i32
        %mul3A_1199 = arith.constant 64 : i32
        %mul3A_1200 = arith.muli %add3A_1198, %mul3A_1199 : i32
        %dma_start3A_1201 = arith.constant 100 : i32
        %dma_start3A_1202 = arith.constant 0 : i32
        %dma_start3A_1203 = tpu.memref_slice %arg7[%dma_start3A_1201, %dma_start3A_1202] : memref<200x64xf32, #tpu.memory_space<vmem>> -> memref<50x64xf32, #tpu.memory_space<vmem>>
        %dma_start3A_1204 = tpu.memref_slice %arg5[%mul3A_1200] : memref<8192xi32, #tpu.memory_space<vmem>> -> memref<50xi32, #tpu.memory_space<vmem>>
        %dma_start3A_1205 = arith.constant 0 : i32
        %dma_start3A_1206 = arith.constant 0 : i32
        %dma_start3A_1207 = tpu.memref_slice %arg3[%dma_start3A_1205, %dma_start3A_1206] : memref<114688x64xf32, #tpu.memory_space<hbm>> -> memref<114688x64xf32, #tpu.memory_space<hbm>>
        tpu.enqueue_indirect_dma source(%dma_start3A_1207 : memref<114688x64xf32, #tpu.memory_space<hbm>>) target(%dma_start3A_1203 : memref<50x64xf32, #tpu.memory_space<vmem>>) offsets(%dma_start3A_1204 : memref<50xi32, #tpu.memory_space<vmem>>) semaphore(%arg11 : memref<!tpu.dma_semaphore, #tpu.memory_space<semaphore_mem>>)
        %add3A_1208 = arith.constant 3 : i32
        %add3A_1209 = arith.addi %mul3A_1174, %add3A_1208 : i32
        %mul3A_1210 = arith.constant 64 : i32
        %mul3A_1211 = arith.muli %add3A_1209, %mul3A_1210 : i32
        %dma_start3A_1212 = arith.constant 150 : i32
        %dma_start3A_1213 = arith.constant 0 : i32
        %dma_start3A_1214 = tpu.memref_slice %arg7[%dma_start3A_1212, %dma_start3A_1213] : memref<200x64xf32, #tpu.memory_space<vmem>> -> memref<50x64xf32, #tpu.memory_space<vmem>>
        %dma_start3A_1215 = tpu.memref_slice %arg5[%mul3A_1211] : memref<8192xi32, #tpu.memory_space<vmem>> -> memref<50xi32, #tpu.memory_space<vmem>>
        %dma_start3A_1216 = arith.constant 0 : i32
        %dma_start3A_1217 = arith.constant 0 : i32
        %dma_start3A_1218 = tpu.memref_slice %arg3[%dma_start3A_1216, %dma_start3A_1217] : memref<114688x64xf32, #tpu.memory_space<hbm>> -> memref<114688x64xf32, #tpu.memory_space<hbm>>
        tpu.enqueue_indirect_dma source(%dma_start3A_1218 : memref<114688x64xf32, #tpu.memory_space<hbm>>) target(%dma_start3A_1214 : memref<50x64xf32, #tpu.memory_space<vmem>>) offsets(%dma_start3A_1215 : memref<50xi32, #tpu.memory_space<vmem>>) semaphore(%arg11 : memref<!tpu.dma_semaphore, #tpu.memory_space<semaphore_mem>>)
      } else {
      }
      %mul3A_621 = arith.constant 2 : i32
      %mul3A_622 = arith.muli %mul3A_621, %scan3A_85 : i32
      %add3A_623 = arith.constant 1 : i32
      %add3A_624 = arith.addi %mul3A_622, %add3A_623 : i32
      %mul3A_625 = arith.constant 4 : i32
      %mul3A_626 = arith.muli %add3A_624, %mul3A_625 : i32
      %mul3A_627 = arith.constant 128 : i32
      %mul3A_628 = arith.muli %add3A, %mul3A_627 : i32
      %add3A_629 = arith.addi %mul3A_628, %mul3A_626 : i32
      %dma_wait3A_630 = arith.constant 0 : i32
      %dma_wait3A_631 = arith.constant 0 : i32
      %dma_wait3A_632 = tpu.memref_slice %arg3[%dma_wait3A_630, %dma_wait3A_631] : memref<114688x64xf32, #tpu.memory_space<hbm>> -> memref<200x64xf32, #tpu.memory_space<hbm>>
      %dma_wait3A_633 = arith.constant 0 : i32
      %dma_wait3A_634 = arith.constant 0 : i32
      %dma_wait3A_635 = tpu.memref_slice %arg3[%dma_wait3A_633, %dma_wait3A_634] : memref<114688x64xf32, #tpu.memory_space<hbm>> -> memref<200x64xf32, #tpu.memory_space<hbm>>
      tpu.wait_dma2 semaphore(%arg12 : memref<!tpu.dma_semaphore, #tpu.memory_space<semaphore_mem>>) src(%dma_wait3A_635 : memref<200x64xf32, #tpu.memory_space<hbm>>) dst(%arg8 : memref<200x64xf32, #tpu.memory_space<vmem>>)
      %gt3A_636 = arith.constant 0 : i32
      %gt3A_637 = arith.cmpi sgt, %scan3A_85, %gt3A_636 : i32
      %convert_element_type3A_638 = arith.extui %gt3A_637 : i1 to i32
      %cond3A_639 = arith.constant 0 : i32
      %cond3A_640 = arith.cmpi ne, %convert_element_type3A_638, %cond3A_639 : i32
      scf.if %cond3A_640 {
        %dma_wait3A_1171 = arith.constant 0 : i32
        %dma_wait3A_1172 = arith.constant 0 : i32
        %dma_wait3A_1173 = tpu.memref_slice %arg3[%dma_wait3A_1171, %dma_wait3A_1172] : memref<114688x64xf32, #tpu.memory_space<hbm>> -> memref<4x64xf32, #tpu.memory_space<hbm>>
        %dma_wait3A_1174 = arith.constant 0 : i32
        %dma_wait3A_1175 = arith.constant 0 : i32
        %dma_wait3A_1176 = tpu.memref_slice %arg3[%dma_wait3A_1174, %dma_wait3A_1175] : memref<114688x64xf32, #tpu.memory_space<hbm>> -> memref<4x64xf32, #tpu.memory_space<hbm>>
        tpu.wait_dma2 semaphore(%arg14 : memref<!tpu.dma_semaphore, #tpu.memory_space<semaphore_mem>>) src(%dma_wait3A_1176 : memref<4x64xf32, #tpu.memory_space<hbm>>) dst(%arg10 : memref<4x64xf32, #tpu.memory_space<vmem>>)
      } else {
      }
      %add3A_641 = arith.constant 0 : i32
      %add3A_642 = arith.addi %mul3A_626, %add3A_641 : i32
      %mul3A_643 = arith.constant 64 : i32
      %mul3A_644 = arith.muli %add3A_642, %mul3A_643 : i32
      %get3A_645 = arith.index_cast %mul3A_644 : i32 to index
      %get3A_646 = tpu.vector_load %arg5[%get3A_645] {strides = array<i32>} : memref<8192xi32, #tpu.memory_space<vmem>>, vector<16xi32>,
      %add3A_647 = arith.constant 16 : i32
      %add3A_648 = arith.addi %mul3A_644, %add3A_647 : i32
      %get3A_649 = arith.index_cast %add3A_648 : i32 to index
      %get3A_650 = tpu.vector_load %arg5[%get3A_649] {strides = array<i32>} : memref<8192xi32, #tpu.memory_space<vmem>>, vector<16xi32>,
      %add3A_651 = arith.constant 32 : i32
      %add3A_652 = arith.addi %mul3A_644, %add3A_651 : i32
      %get3A_653 = arith.index_cast %add3A_652 : i32 to index
      %get3A_654 = tpu.vector_load %arg5[%get3A_653] {strides = array<i32>} : memref<8192xi32, #tpu.memory_space<vmem>>, vector<16xi32>,
      %add3A_655 = arith.constant 48 : i32
      %add3A_656 = arith.addi %mul3A_644, %add3A_655 : i32
      %get3A_657 = arith.index_cast %add3A_656 : i32 to index
      %get3A_658 = tpu.vector_load %arg5[%get3A_657] {strides = array<i32>} : memref<8192xi32, #tpu.memory_space<vmem>>, vector<16xi32>,
      %eq3A_659 = arith.constant 0 : i32
      %eq3A_660 = vector.broadcast %eq3A_659 : i32 to vector<16xi32>
      %eq3A_661 = arith.cmpi eq, %get3A_646, %eq3A_660 : vector<16xi32>
      %all_reduce_population_count3A_662 = tpu.all_reduce %eq3A_661 {dim = 0 : i64, kind = #tpu.reduction_kind<sum>} : vector<16xi1> -> vector<16xi32>
      %eq3A_663 = arith.constant 0 : i32
      %eq3A_664 = vector.broadcast %eq3A_663 : i32 to vector<16xi32>
      %eq3A_665 = arith.cmpi eq, %get3A_650, %eq3A_664 : vector<16xi32>
      %all_reduce_population_count3A_666 = tpu.all_reduce %eq3A_665 {dim = 0 : i64, kind = #tpu.reduction_kind<sum>} : vector<16xi1> -> vector<16xi32>
      %add3A_667 = arith.addi %all_reduce_population_count3A_662, %all_reduce_population_count3A_666 : vector<16xi32>
      %eq3A_668 = arith.constant 0 : i32
      %eq3A_669 = vector.broadcast %eq3A_668 : i32 to vector<16xi32>
      %eq3A_670 = arith.cmpi eq, %get3A_654, %eq3A_669 : vector<16xi32>
      %all_reduce_population_count3A_671 = tpu.all_reduce %eq3A_670 {dim = 0 : i64, kind = #tpu.reduction_kind<sum>} : vector<16xi1> -> vector<16xi32>
      %add3A_672 = arith.addi %add3A_667, %all_reduce_population_count3A_671 : vector<16xi32>
      %eq3A_673 = arith.constant 0 : i32
      %eq3A_674 = vector.broadcast %eq3A_673 : i32 to vector<16xi32>
      %eq3A_675 = arith.cmpi eq, %get3A_658, %eq3A_674 : vector<16xi32>
      %and3A_676 = arith.andi %eq3A_675, %lt3A_4 : vector<16xi1>
      %all_reduce_population_count3A_677 = tpu.all_reduce %and3A_676 {dim = 0 : i64, kind = #tpu.reduction_kind<sum>} : vector<16xi1> -> vector<16xi32>
      %add3A_678 = arith.addi %add3A_672, %all_reduce_population_count3A_677 : vector<16xi32>
      %convert_element_type3A_679 = arith.sitofp %add3A_678 : vector<16xi32> to vector<16xf32>
      %sub3A_680 = arith.constant 5.000000e+01 : f32
      %sub3A_681 = vector.broadcast %sub3A_680 : f32 to vector<16xf32>
      %sub3A_682 = arith.subf %sub3A_681, %convert_element_type3A_679 : vector<16xf32>
      %broadcast_in_dim3A_683 = arith.constant 0.000000e+00 : f32
      %broadcast_in_dim3A_684 = vector.broadcast %broadcast_in_dim3A_683 : f32 to vector<16xf32>
      %scan3A_685 = arith.constant 0 : i32
      %scan3A_686 = arith.constant 50 : i32
      %scan3A_687 = arith.addi %scan3A_685, %scan3A_686 : i32
      %scan3A_688 = arith.constant 1 : i32
      %scan3A_689:4 = scf.for %scan3A_1171 = %scan3A_685 to %scan3A_687 step %scan3A_688 iter_args(%scan3A_1172 = %broadcast_in_dim3A_684, %scan3A_1173 = %broadcast_in_dim3A_684, %scan3A_1174 = %broadcast_in_dim3A_684, %scan3A_1175 = %broadcast_in_dim3A_684) -> (vector<16xf32>, vector<16xf32>, vector<16xf32>, vector<16xf32>)  : i32 {
        %add3A_1176 = arith.constant 0 : i32
        %add3A_1177 = arith.addi %add3A_1176, %scan3A_1171 : i32
        %get3A_1178 = arith.index_cast %add3A_1177 : i32 to index
        %get3A_1179 = arith.constant 0 : index
        %get3A_1180 = tpu.vector_load %arg8[%get3A_1178, %get3A_1179] {strides = array<i32>} : memref<200x64xf32, #tpu.memory_space<vmem>>, vector<16xf32>,
        %add3A_1181 = arith.addf %scan3A_1172, %get3A_1180 : vector<16xf32>
        %get3A_1182 = arith.index_cast %add3A_1177 : i32 to index
        %get3A_1183 = arith.constant 16 : index
        %get3A_1184 = tpu.vector_load %arg8[%get3A_1182, %get3A_1183] {strides = array<i32>} : memref<200x64xf32, #tpu.memory_space<vmem>>, vector<16xf32>,
        %add3A_1185 = arith.addf %scan3A_1173, %get3A_1184 : vector<16xf32>
        %get3A_1186 = arith.index_cast %add3A_1177 : i32 to index
        %get3A_1187 = arith.constant 32 : index
        %get3A_1188 = tpu.vector_load %arg8[%get3A_1186, %get3A_1187] {strides = array<i32>} : memref<200x64xf32, #tpu.memory_space<vmem>>, vector<16xf32>,
        %add3A_1189 = arith.addf %scan3A_1174, %get3A_1188 : vector<16xf32>
        %get3A_1190 = arith.index_cast %add3A_1177 : i32 to index
        %get3A_1191 = arith.constant 48 : index
        %get3A_1192 = tpu.vector_load %arg8[%get3A_1190, %get3A_1191] {strides = array<i32>} : memref<200x64xf32, #tpu.memory_space<vmem>>, vector<16xf32>,
        %add3A_1193 = arith.addf %scan3A_1175, %get3A_1192 : vector<16xf32>
        scf.yield %add3A_1181, %add3A_1185, %add3A_1189, %add3A_1193 : vector<16xf32>, vector<16xf32>, vector<16xf32>, vector<16xf32>
      }
      %scan3A_690 = arith.constant 50 : i32
      %get3A_691 = arith.constant 0 : i32
      %get3A_692 = arith.index_cast %get3A_691 : i32 to index
      %get3A_693 = arith.constant 0 : index
      %get3A_694 = tpu.vector_load %arg6[%get3A_692, %get3A_693] {strides = array<i32>} : memref<1x64xf32, #tpu.memory_space<vmem>>, vector<16xf32>,
      %mul3A_695 = arith.mulf %convert_element_type3A_679, %get3A_694 : vector<16xf32>
      %sub3A_696 = arith.subf %scan3A_689#0, %mul3A_695 : vector<16xf32>
      %add3A_697 = arith.constant 9.99999993E-9 : f32
      %add3A_698 = vector.broadcast %add3A_697 : f32 to vector<16xf32>
      %add3A_699 = arith.addf %sub3A_682, %add3A_698 : vector<16xf32>
      %div3A_700 = arith.divf %sub3A_696, %add3A_699 : vector<16xf32>
      %gt3A_701 = arith.constant 0.000000e+00 : f32
      %gt3A_702 = vector.broadcast %gt3A_701 : f32 to vector<16xf32>
      %gt3A_703 = arith.cmpf ogt, %sub3A_682, %gt3A_702 : vector<16xf32>
      %jit3A_704 = arith.constant 0.000000e+00 : f32
      %broadcast_in_dim3A_705 = vector.broadcast %jit3A_704 : f32 to vector<16xf32>
      %select_n3A_706 = arith.select %gt3A_703, %div3A_700, %broadcast_in_dim3A_705 : vector<16xi1>, vector<16xf32>
      %swap3A_707 = arith.constant 0 : i32
      %swap3A_708 = arith.index_cast %swap3A_707 : i32 to index
      %swap3A_709 = arith.constant 0 : index
      %swap3A_710 = tpu.vector_load %arg10[%swap3A_708, %swap3A_709] {strides = array<i32>} : memref<4x64xf32, #tpu.memory_space<vmem>>, vector<16xf32>,
      tpu.vector_store %arg10[%swap3A_708, %swap3A_709], %select_n3A_706 {strides = array<i32>} : memref<4x64xf32, #tpu.memory_space<vmem>>, vector<16xf32>,
      %get3A_711 = arith.constant 0 : i32
      %get3A_712 = arith.index_cast %get3A_711 : i32 to index
      %get3A_713 = arith.constant 16 : index
      %get3A_714 = tpu.vector_load %arg6[%get3A_712, %get3A_713] {strides = array<i32>} : memref<1x64xf32, #tpu.memory_space<vmem>>, vector<16xf32>,
      %mul3A_715 = arith.mulf %convert_element_type3A_679, %get3A_714 : vector<16xf32>
      %sub3A_716 = arith.subf %scan3A_689#1, %mul3A_715 : vector<16xf32>
      %add3A_717 = arith.constant 9.99999993E-9 : f32
      %add3A_718 = vector.broadcast %add3A_717 : f32 to vector<16xf32>
      %add3A_719 = arith.addf %sub3A_682, %add3A_718 : vector<16xf32>
      %div3A_720 = arith.divf %sub3A_716, %add3A_719 : vector<16xf32>
      %gt3A_721 = arith.constant 0.000000e+00 : f32
      %gt3A_722 = vector.broadcast %gt3A_721 : f32 to vector<16xf32>
      %gt3A_723 = arith.cmpf ogt, %sub3A_682, %gt3A_722 : vector<16xf32>
      %jit3A_724 = arith.constant 0.000000e+00 : f32
      %broadcast_in_dim3A_725 = vector.broadcast %jit3A_724 : f32 to vector<16xf32>
      %select_n3A_726 = arith.select %gt3A_723, %div3A_720, %broadcast_in_dim3A_725 : vector<16xi1>, vector<16xf32>
      %swap3A_727 = arith.constant 0 : i32
      %swap3A_728 = arith.index_cast %swap3A_727 : i32 to index
      %swap3A_729 = arith.constant 16 : index
      %swap3A_730 = tpu.vector_load %arg10[%swap3A_728, %swap3A_729] {strides = array<i32>} : memref<4x64xf32, #tpu.memory_space<vmem>>, vector<16xf32>,
      tpu.vector_store %arg10[%swap3A_728, %swap3A_729], %select_n3A_726 {strides = array<i32>} : memref<4x64xf32, #tpu.memory_space<vmem>>, vector<16xf32>,
      %get3A_731 = arith.constant 0 : i32
      %get3A_732 = arith.index_cast %get3A_731 : i32 to index
      %get3A_733 = arith.constant 32 : index
      %get3A_734 = tpu.vector_load %arg6[%get3A_732, %get3A_733] {strides = array<i32>} : memref<1x64xf32, #tpu.memory_space<vmem>>, vector<16xf32>,
      %mul3A_735 = arith.mulf %convert_element_type3A_679, %get3A_734 : vector<16xf32>
      %sub3A_736 = arith.subf %scan3A_689#2, %mul3A_735 : vector<16xf32>
      %add3A_737 = arith.constant 9.99999993E-9 : f32
      %add3A_738 = vector.broadcast %add3A_737 : f32 to vector<16xf32>
      %add3A_739 = arith.addf %sub3A_682, %add3A_738 : vector<16xf32>
      %div3A_740 = arith.divf %sub3A_736, %add3A_739 : vector<16xf32>
      %gt3A_741 = arith.constant 0.000000e+00 : f32
      %gt3A_742 = vector.broadcast %gt3A_741 : f32 to vector<16xf32>
      %gt3A_743 = arith.cmpf ogt, %sub3A_682, %gt3A_742 : vector<16xf32>
      %jit3A_744 = arith.constant 0.000000e+00 : f32
      %broadcast_in_dim3A_745 = vector.broadcast %jit3A_744 : f32 to vector<16xf32>
      %select_n3A_746 = arith.select %gt3A_743, %div3A_740, %broadcast_in_dim3A_745 : vector<16xi1>, vector<16xf32>
      %swap3A_747 = arith.constant 0 : i32
      %swap3A_748 = arith.index_cast %swap3A_747 : i32 to index
      %swap3A_749 = arith.constant 32 : index
      %swap3A_750 = tpu.vector_load %arg10[%swap3A_748, %swap3A_749] {strides = array<i32>} : memref<4x64xf32, #tpu.memory_space<vmem>>, vector<16xf32>,
      tpu.vector_store %arg10[%swap3A_748, %swap3A_749], %select_n3A_746 {strides = array<i32>} : memref<4x64xf32, #tpu.memory_space<vmem>>, vector<16xf32>,
      %get3A_751 = arith.constant 0 : i32
      %get3A_752 = arith.index_cast %get3A_751 : i32 to index
      %get3A_753 = arith.constant 48 : index
      %get3A_754 = tpu.vector_load %arg6[%get3A_752, %get3A_753] {strides = array<i32>} : memref<1x64xf32, #tpu.memory_space<vmem>>, vector<16xf32>,
      %mul3A_755 = arith.mulf %convert_element_type3A_679, %get3A_754 : vector<16xf32>
      %sub3A_756 = arith.subf %scan3A_689#3, %mul3A_755 : vector<16xf32>
      %add3A_757 = arith.constant 9.99999993E-9 : f32
      %add3A_758 = vector.broadcast %add3A_757 : f32 to vector<16xf32>
      %add3A_759 = arith.addf %sub3A_682, %add3A_758 : vector<16xf32>
      %div3A_760 = arith.divf %sub3A_756, %add3A_759 : vector<16xf32>
      %gt3A_761 = arith.constant 0.000000e+00 : f32
      %gt3A_762 = vector.broadcast %gt3A_761 : f32 to vector<16xf32>
      %gt3A_763 = arith.cmpf ogt, %sub3A_682, %gt3A_762 : vector<16xf32>
      %jit3A_764 = arith.constant 0.000000e+00 : f32
      %broadcast_in_dim3A_765 = vector.broadcast %jit3A_764 : f32 to vector<16xf32>
      %select_n3A_766 = arith.select %gt3A_763, %div3A_760, %broadcast_in_dim3A_765 : vector<16xi1>, vector<16xf32>
      %swap3A_767 = arith.constant 0 : i32
      %swap3A_768 = arith.index_cast %swap3A_767 : i32 to index
      %swap3A_769 = arith.constant 48 : index
      %swap3A_770 = tpu.vector_load %arg10[%swap3A_768, %swap3A_769] {strides = array<i32>} : memref<4x64xf32, #tpu.memory_space<vmem>>, vector<16xf32>,
      tpu.vector_store %arg10[%swap3A_768, %swap3A_769], %select_n3A_766 {strides = array<i32>} : memref<4x64xf32, #tpu.memory_space<vmem>>, vector<16xf32>,
      %add3A_771 = arith.constant 1 : i32
      %add3A_772 = arith.addi %mul3A_626, %add3A_771 : i32
      %mul3A_773 = arith.constant 64 : i32
      %mul3A_774 = arith.muli %add3A_772, %mul3A_773 : i32
      %get3A_775 = arith.index_cast %mul3A_774 : i32 to index
      %get3A_776 = tpu.vector_load %arg5[%get3A_775] {strides = array<i32>} : memref<8192xi32, #tpu.memory_space<vmem>>, vector<16xi32>,
      %add3A_777 = arith.constant 16 : i32
      %add3A_778 = arith.addi %mul3A_774, %add3A_777 : i32
      %get3A_779 = arith.index_cast %add3A_778 : i32 to index
      %get3A_780 = tpu.vector_load %arg5[%get3A_779] {strides = array<i32>} : memref<8192xi32, #tpu.memory_space<vmem>>, vector<16xi32>,
      %add3A_781 = arith.constant 32 : i32
      %add3A_782 = arith.addi %mul3A_774, %add3A_781 : i32
      %get3A_783 = arith.index_cast %add3A_782 : i32 to index
      %get3A_784 = tpu.vector_load %arg5[%get3A_783] {strides = array<i32>} : memref<8192xi32, #tpu.memory_space<vmem>>, vector<16xi32>,
      %add3A_785 = arith.constant 48 : i32
      %add3A_786 = arith.addi %mul3A_774, %add3A_785 : i32
      %get3A_787 = arith.index_cast %add3A_786 : i32 to index
      %get3A_788 = tpu.vector_load %arg5[%get3A_787] {strides = array<i32>} : memref<8192xi32, #tpu.memory_space<vmem>>, vector<16xi32>,
      %eq3A_789 = arith.constant 0 : i32
      %eq3A_790 = vector.broadcast %eq3A_789 : i32 to vector<16xi32>
      %eq3A_791 = arith.cmpi eq, %get3A_776, %eq3A_790 : vector<16xi32>
      %all_reduce_population_count3A_792 = tpu.all_reduce %eq3A_791 {dim = 0 : i64, kind = #tpu.reduction_kind<sum>} : vector<16xi1> -> vector<16xi32>
      %eq3A_793 = arith.constant 0 : i32
      %eq3A_794 = vector.broadcast %eq3A_793 : i32 to vector<16xi32>
      %eq3A_795 = arith.cmpi eq, %get3A_780, %eq3A_794 : vector<16xi32>
      %all_reduce_population_count3A_796 = tpu.all_reduce %eq3A_795 {dim = 0 : i64, kind = #tpu.reduction_kind<sum>} : vector<16xi1> -> vector<16xi32>
      %add3A_797 = arith.addi %all_reduce_population_count3A_792, %all_reduce_population_count3A_796 : vector<16xi32>
      %eq3A_798 = arith.constant 0 : i32
      %eq3A_799 = vector.broadcast %eq3A_798 : i32 to vector<16xi32>
      %eq3A_800 = arith.cmpi eq, %get3A_784, %eq3A_799 : vector<16xi32>
      %all_reduce_population_count3A_801 = tpu.all_reduce %eq3A_800 {dim = 0 : i64, kind = #tpu.reduction_kind<sum>} : vector<16xi1> -> vector<16xi32>
      %add3A_802 = arith.addi %add3A_797, %all_reduce_population_count3A_801 : vector<16xi32>
      %eq3A_803 = arith.constant 0 : i32
      %eq3A_804 = vector.broadcast %eq3A_803 : i32 to vector<16xi32>
      %eq3A_805 = arith.cmpi eq, %get3A_788, %eq3A_804 : vector<16xi32>
      %and3A_806 = arith.andi %eq3A_805, %lt3A_4 : vector<16xi1>
      %all_reduce_population_count3A_807 = tpu.all_reduce %and3A_806 {dim = 0 : i64, kind = #tpu.reduction_kind<sum>} : vector<16xi1> -> vector<16xi32>
      %add3A_808 = arith.addi %add3A_802, %all_reduce_population_count3A_807 : vector<16xi32>
      %convert_element_type3A_809 = arith.sitofp %add3A_808 : vector<16xi32> to vector<16xf32>
      %sub3A_810 = arith.constant 5.000000e+01 : f32
      %sub3A_811 = vector.broadcast %sub3A_810 : f32 to vector<16xf32>
      %sub3A_812 = arith.subf %sub3A_811, %convert_element_type3A_809 : vector<16xf32>
      %broadcast_in_dim3A_813 = arith.constant 0.000000e+00 : f32
      %broadcast_in_dim3A_814 = vector.broadcast %broadcast_in_dim3A_813 : f32 to vector<16xf32>
      %scan3A_815 = arith.constant 0 : i32
      %scan3A_816 = arith.constant 50 : i32
      %scan3A_817 = arith.addi %scan3A_815, %scan3A_816 : i32
      %scan3A_818 = arith.constant 1 : i32
      %scan3A_819:4 = scf.for %scan3A_1171 = %scan3A_815 to %scan3A_817 step %scan3A_818 iter_args(%scan3A_1172 = %broadcast_in_dim3A_814, %scan3A_1173 = %broadcast_in_dim3A_814, %scan3A_1174 = %broadcast_in_dim3A_814, %scan3A_1175 = %broadcast_in_dim3A_814) -> (vector<16xf32>, vector<16xf32>, vector<16xf32>, vector<16xf32>)  : i32 {
        %add3A_1176 = arith.constant 50 : i32
        %add3A_1177 = arith.addi %add3A_1176, %scan3A_1171 : i32
        %get3A_1178 = arith.index_cast %add3A_1177 : i32 to index
        %get3A_1179 = arith.constant 0 : index
        %get3A_1180 = tpu.vector_load %arg8[%get3A_1178, %get3A_1179] {strides = array<i32>} : memref<200x64xf32, #tpu.memory_space<vmem>>, vector<16xf32>,
        %add3A_1181 = arith.addf %scan3A_1172, %get3A_1180 : vector<16xf32>
        %get3A_1182 = arith.index_cast %add3A_1177 : i32 to index
        %get3A_1183 = arith.constant 16 : index
        %get3A_1184 = tpu.vector_load %arg8[%get3A_1182, %get3A_1183] {strides = array<i32>} : memref<200x64xf32, #tpu.memory_space<vmem>>, vector<16xf32>,
        %add3A_1185 = arith.addf %scan3A_1173, %get3A_1184 : vector<16xf32>
        %get3A_1186 = arith.index_cast %add3A_1177 : i32 to index
        %get3A_1187 = arith.constant 32 : index
        %get3A_1188 = tpu.vector_load %arg8[%get3A_1186, %get3A_1187] {strides = array<i32>} : memref<200x64xf32, #tpu.memory_space<vmem>>, vector<16xf32>,
        %add3A_1189 = arith.addf %scan3A_1174, %get3A_1188 : vector<16xf32>
        %get3A_1190 = arith.index_cast %add3A_1177 : i32 to index
        %get3A_1191 = arith.constant 48 : index
        %get3A_1192 = tpu.vector_load %arg8[%get3A_1190, %get3A_1191] {strides = array<i32>} : memref<200x64xf32, #tpu.memory_space<vmem>>, vector<16xf32>,
        %add3A_1193 = arith.addf %scan3A_1175, %get3A_1192 : vector<16xf32>
        scf.yield %add3A_1181, %add3A_1185, %add3A_1189, %add3A_1193 : vector<16xf32>, vector<16xf32>, vector<16xf32>, vector<16xf32>
      }
      %scan3A_820 = arith.constant 50 : i32
      %get3A_821 = arith.constant 0 : i32
      %get3A_822 = arith.index_cast %get3A_821 : i32 to index
      %get3A_823 = arith.constant 0 : index
      %get3A_824 = tpu.vector_load %arg6[%get3A_822, %get3A_823] {strides = array<i32>} : memref<1x64xf32, #tpu.memory_space<vmem>>, vector<16xf32>,
      %mul3A_825 = arith.mulf %convert_element_type3A_809, %get3A_824 : vector<16xf32>
      %sub3A_826 = arith.subf %scan3A_819#0, %mul3A_825 : vector<16xf32>
      %add3A_827 = arith.constant 9.99999993E-9 : f32
      %add3A_828 = vector.broadcast %add3A_827 : f32 to vector<16xf32>
      %add3A_829 = arith.addf %sub3A_812, %add3A_828 : vector<16xf32>
      %div3A_830 = arith.divf %sub3A_826, %add3A_829 : vector<16xf32>
      %gt3A_831 = arith.constant 0.000000e+00 : f32
      %gt3A_832 = vector.broadcast %gt3A_831 : f32 to vector<16xf32>
      %gt3A_833 = arith.cmpf ogt, %sub3A_812, %gt3A_832 : vector<16xf32>
      %jit3A_834 = arith.constant 0.000000e+00 : f32
      %broadcast_in_dim3A_835 = vector.broadcast %jit3A_834 : f32 to vector<16xf32>
      %select_n3A_836 = arith.select %gt3A_833, %div3A_830, %broadcast_in_dim3A_835 : vector<16xi1>, vector<16xf32>
      %swap3A_837 = arith.constant 1 : i32
      %swap3A_838 = arith.index_cast %swap3A_837 : i32 to index
      %swap3A_839 = arith.constant 0 : index
      %swap3A_840 = tpu.vector_load %arg10[%swap3A_838, %swap3A_839] {strides = array<i32>} : memref<4x64xf32, #tpu.memory_space<vmem>>, vector<16xf32>,
      tpu.vector_store %arg10[%swap3A_838, %swap3A_839], %select_n3A_836 {strides = array<i32>} : memref<4x64xf32, #tpu.memory_space<vmem>>, vector<16xf32>,
      %get3A_841 = arith.constant 0 : i32
      %get3A_842 = arith.index_cast %get3A_841 : i32 to index
      %get3A_843 = arith.constant 16 : index
      %get3A_844 = tpu.vector_load %arg6[%get3A_842, %get3A_843] {strides = array<i32>} : memref<1x64xf32, #tpu.memory_space<vmem>>, vector<16xf32>,
      %mul3A_845 = arith.mulf %convert_element_type3A_809, %get3A_844 : vector<16xf32>
      %sub3A_846 = arith.subf %scan3A_819#1, %mul3A_845 : vector<16xf32>
      %add3A_847 = arith.constant 9.99999993E-9 : f32
      %add3A_848 = vector.broadcast %add3A_847 : f32 to vector<16xf32>
      %add3A_849 = arith.addf %sub3A_812, %add3A_848 : vector<16xf32>
      %div3A_850 = arith.divf %sub3A_846, %add3A_849 : vector<16xf32>
      %gt3A_851 = arith.constant 0.000000e+00 : f32
      %gt3A_852 = vector.broadcast %gt3A_851 : f32 to vector<16xf32>
      %gt3A_853 = arith.cmpf ogt, %sub3A_812, %gt3A_852 : vector<16xf32>
      %jit3A_854 = arith.constant 0.000000e+00 : f32
      %broadcast_in_dim3A_855 = vector.broadcast %jit3A_854 : f32 to vector<16xf32>
      %select_n3A_856 = arith.select %gt3A_853, %div3A_850, %broadcast_in_dim3A_855 : vector<16xi1>, vector<16xf32>
      %swap3A_857 = arith.constant 1 : i32
      %swap3A_858 = arith.index_cast %swap3A_857 : i32 to index
      %swap3A_859 = arith.constant 16 : index
      %swap3A_860 = tpu.vector_load %arg10[%swap3A_858, %swap3A_859] {strides = array<i32>} : memref<4x64xf32, #tpu.memory_space<vmem>>, vector<16xf32>,
      tpu.vector_store %arg10[%swap3A_858, %swap3A_859], %select_n3A_856 {strides = array<i32>} : memref<4x64xf32, #tpu.memory_space<vmem>>, vector<16xf32>,
      %get3A_861 = arith.constant 0 : i32
      %get3A_862 = arith.index_cast %get3A_861 : i32 to index
      %get3A_863 = arith.constant 32 : index
      %get3A_864 = tpu.vector_load %arg6[%get3A_862, %get3A_863] {strides = array<i32>} : memref<1x64xf32, #tpu.memory_space<vmem>>, vector<16xf32>,
      %mul3A_865 = arith.mulf %convert_element_type3A_809, %get3A_864 : vector<16xf32>
      %sub3A_866 = arith.subf %scan3A_819#2, %mul3A_865 : vector<16xf32>
      %add3A_867 = arith.constant 9.99999993E-9 : f32
      %add3A_868 = vector.broadcast %add3A_867 : f32 to vector<16xf32>
      %add3A_869 = arith.addf %sub3A_812, %add3A_868 : vector<16xf32>
      %div3A_870 = arith.divf %sub3A_866, %add3A_869 : vector<16xf32>
      %gt3A_871 = arith.constant 0.000000e+00 : f32
      %gt3A_872 = vector.broadcast %gt3A_871 : f32 to vector<16xf32>
      %gt3A_873 = arith.cmpf ogt, %sub3A_812, %gt3A_872 : vector<16xf32>
      %jit3A_874 = arith.constant 0.000000e+00 : f32
      %broadcast_in_dim3A_875 = vector.broadcast %jit3A_874 : f32 to vector<16xf32>
      %select_n3A_876 = arith.select %gt3A_873, %div3A_870, %broadcast_in_dim3A_875 : vector<16xi1>, vector<16xf32>
      %swap3A_877 = arith.constant 1 : i32
      %swap3A_878 = arith.index_cast %swap3A_877 : i32 to index
      %swap3A_879 = arith.constant 32 : index
      %swap3A_880 = tpu.vector_load %arg10[%swap3A_878, %swap3A_879] {strides = array<i32>} : memref<4x64xf32, #tpu.memory_space<vmem>>, vector<16xf32>,
      tpu.vector_store %arg10[%swap3A_878, %swap3A_879], %select_n3A_876 {strides = array<i32>} : memref<4x64xf32, #tpu.memory_space<vmem>>, vector<16xf32>,
      %get3A_881 = arith.constant 0 : i32
      %get3A_882 = arith.index_cast %get3A_881 : i32 to index
      %get3A_883 = arith.constant 48 : index
      %get3A_884 = tpu.vector_load %arg6[%get3A_882, %get3A_883] {strides = array<i32>} : memref<1x64xf32, #tpu.memory_space<vmem>>, vector<16xf32>,
      %mul3A_885 = arith.mulf %convert_element_type3A_809, %get3A_884 : vector<16xf32>
      %sub3A_886 = arith.subf %scan3A_819#3, %mul3A_885 : vector<16xf32>
      %add3A_887 = arith.constant 9.99999993E-9 : f32
      %add3A_888 = vector.broadcast %add3A_887 : f32 to vector<16xf32>
      %add3A_889 = arith.addf %sub3A_812, %add3A_888 : vector<16xf32>
      %div3A_890 = arith.divf %sub3A_886, %add3A_889 : vector<16xf32>
      %gt3A_891 = arith.constant 0.000000e+00 : f32
      %gt3A_892 = vector.broadcast %gt3A_891 : f32 to vector<16xf32>
      %gt3A_893 = arith.cmpf ogt, %sub3A_812, %gt3A_892 : vector<16xf32>
      %jit3A_894 = arith.constant 0.000000e+00 : f32
      %broadcast_in_dim3A_895 = vector.broadcast %jit3A_894 : f32 to vector<16xf32>
      %select_n3A_896 = arith.select %gt3A_893, %div3A_890, %broadcast_in_dim3A_895 : vector<16xi1>, vector<16xf32>
      %swap3A_897 = arith.constant 1 : i32
      %swap3A_898 = arith.index_cast %swap3A_897 : i32 to index
      %swap3A_899 = arith.constant 48 : index
      %swap3A_900 = tpu.vector_load %arg10[%swap3A_898, %swap3A_899] {strides = array<i32>} : memref<4x64xf32, #tpu.memory_space<vmem>>, vector<16xf32>,
      tpu.vector_store %arg10[%swap3A_898, %swap3A_899], %select_n3A_896 {strides = array<i32>} : memref<4x64xf32, #tpu.memory_space<vmem>>, vector<16xf32>,
      %add3A_901 = arith.constant 2 : i32
      %add3A_902 = arith.addi %mul3A_626, %add3A_901 : i32
      %mul3A_903 = arith.constant 64 : i32
      %mul3A_904 = arith.muli %add3A_902, %mul3A_903 : i32
      %get3A_905 = arith.index_cast %mul3A_904 : i32 to index
      %get3A_906 = tpu.vector_load %arg5[%get3A_905] {strides = array<i32>} : memref<8192xi32, #tpu.memory_space<vmem>>, vector<16xi32>,
      %add3A_907 = arith.constant 16 : i32
      %add3A_908 = arith.addi %mul3A_904, %add3A_907 : i32
      %get3A_909 = arith.index_cast %add3A_908 : i32 to index
      %get3A_910 = tpu.vector_load %arg5[%get3A_909] {strides = array<i32>} : memref<8192xi32, #tpu.memory_space<vmem>>, vector<16xi32>,
      %add3A_911 = arith.constant 32 : i32
      %add3A_912 = arith.addi %mul3A_904, %add3A_911 : i32
      %get3A_913 = arith.index_cast %add3A_912 : i32 to index
      %get3A_914 = tpu.vector_load %arg5[%get3A_913] {strides = array<i32>} : memref<8192xi32, #tpu.memory_space<vmem>>, vector<16xi32>,
      %add3A_915 = arith.constant 48 : i32
      %add3A_916 = arith.addi %mul3A_904, %add3A_915 : i32
      %get3A_917 = arith.index_cast %add3A_916 : i32 to index
      %get3A_918 = tpu.vector_load %arg5[%get3A_917] {strides = array<i32>} : memref<8192xi32, #tpu.memory_space<vmem>>, vector<16xi32>,
      %eq3A_919 = arith.constant 0 : i32
      %eq3A_920 = vector.broadcast %eq3A_919 : i32 to vector<16xi32>
      %eq3A_921 = arith.cmpi eq, %get3A_906, %eq3A_920 : vector<16xi32>
      %all_reduce_population_count3A_922 = tpu.all_reduce %eq3A_921 {dim = 0 : i64, kind = #tpu.reduction_kind<sum>} : vector<16xi1> -> vector<16xi32>
      %eq3A_923 = arith.constant 0 : i32
      %eq3A_924 = vector.broadcast %eq3A_923 : i32 to vector<16xi32>
      %eq3A_925 = arith.cmpi eq, %get3A_910, %eq3A_924 : vector<16xi32>
      %all_reduce_population_count3A_926 = tpu.all_reduce %eq3A_925 {dim = 0 : i64, kind = #tpu.reduction_kind<sum>} : vector<16xi1> -> vector<16xi32>
      %add3A_927 = arith.addi %all_reduce_population_count3A_922, %all_reduce_population_count3A_926 : vector<16xi32>
      %eq3A_928 = arith.constant 0 : i32
      %eq3A_929 = vector.broadcast %eq3A_928 : i32 to vector<16xi32>
      %eq3A_930 = arith.cmpi eq, %get3A_914, %eq3A_929 : vector<16xi32>
      %all_reduce_population_count3A_931 = tpu.all_reduce %eq3A_930 {dim = 0 : i64, kind = #tpu.reduction_kind<sum>} : vector<16xi1> -> vector<16xi32>
      %add3A_932 = arith.addi %add3A_927, %all_reduce_population_count3A_931 : vector<16xi32>
      %eq3A_933 = arith.constant 0 : i32
      %eq3A_934 = vector.broadcast %eq3A_933 : i32 to vector<16xi32>
      %eq3A_935 = arith.cmpi eq, %get3A_918, %eq3A_934 : vector<16xi32>
      %and3A_936 = arith.andi %eq3A_935, %lt3A_4 : vector<16xi1>
      %all_reduce_population_count3A_937 = tpu.all_reduce %and3A_936 {dim = 0 : i64, kind = #tpu.reduction_kind<sum>} : vector<16xi1> -> vector<16xi32>
      %add3A_938 = arith.addi %add3A_932, %all_reduce_population_count3A_937 : vector<16xi32>
      %convert_element_type3A_939 = arith.sitofp %add3A_938 : vector<16xi32> to vector<16xf32>
      %sub3A_940 = arith.constant 5.000000e+01 : f32
      %sub3A_941 = vector.broadcast %sub3A_940 : f32 to vector<16xf32>
      %sub3A_942 = arith.subf %sub3A_941, %convert_element_type3A_939 : vector<16xf32>
      %broadcast_in_dim3A_943 = arith.constant 0.000000e+00 : f32
      %broadcast_in_dim3A_944 = vector.broadcast %broadcast_in_dim3A_943 : f32 to vector<16xf32>
      %scan3A_945 = arith.constant 0 : i32
      %scan3A_946 = arith.constant 50 : i32
      %scan3A_947 = arith.addi %scan3A_945, %scan3A_946 : i32
      %scan3A_948 = arith.constant 1 : i32
      %scan3A_949:4 = scf.for %scan3A_1171 = %scan3A_945 to %scan3A_947 step %scan3A_948 iter_args(%scan3A_1172 = %broadcast_in_dim3A_944, %scan3A_1173 = %broadcast_in_dim3A_944, %scan3A_1174 = %broadcast_in_dim3A_944, %scan3A_1175 = %broadcast_in_dim3A_944) -> (vector<16xf32>, vector<16xf32>, vector<16xf32>, vector<16xf32>)  : i32 {
        %add3A_1176 = arith.constant 100 : i32
        %add3A_1177 = arith.addi %add3A_1176, %scan3A_1171 : i32
        %get3A_1178 = arith.index_cast %add3A_1177 : i32 to index
        %get3A_1179 = arith.constant 0 : index
        %get3A_1180 = tpu.vector_load %arg8[%get3A_1178, %get3A_1179] {strides = array<i32>} : memref<200x64xf32, #tpu.memory_space<vmem>>, vector<16xf32>,
        %add3A_1181 = arith.addf %scan3A_1172, %get3A_1180 : vector<16xf32>
        %get3A_1182 = arith.index_cast %add3A_1177 : i32 to index
        %get3A_1183 = arith.constant 16 : index
        %get3A_1184 = tpu.vector_load %arg8[%get3A_1182, %get3A_1183] {strides = array<i32>} : memref<200x64xf32, #tpu.memory_space<vmem>>, vector<16xf32>,
        %add3A_1185 = arith.addf %scan3A_1173, %get3A_1184 : vector<16xf32>
        %get3A_1186 = arith.index_cast %add3A_1177 : i32 to index
        %get3A_1187 = arith.constant 32 : index
        %get3A_1188 = tpu.vector_load %arg8[%get3A_1186, %get3A_1187] {strides = array<i32>} : memref<200x64xf32, #tpu.memory_space<vmem>>, vector<16xf32>,
        %add3A_1189 = arith.addf %scan3A_1174, %get3A_1188 : vector<16xf32>
        %get3A_1190 = arith.index_cast %add3A_1177 : i32 to index
        %get3A_1191 = arith.constant 48 : index
        %get3A_1192 = tpu.vector_load %arg8[%get3A_1190, %get3A_1191] {strides = array<i32>} : memref<200x64xf32, #tpu.memory_space<vmem>>, vector<16xf32>,
        %add3A_1193 = arith.addf %scan3A_1175, %get3A_1192 : vector<16xf32>
        scf.yield %add3A_1181, %add3A_1185, %add3A_1189, %add3A_1193 : vector<16xf32>, vector<16xf32>, vector<16xf32>, vector<16xf32>
      }
      %scan3A_950 = arith.constant 50 : i32
      %get3A_951 = arith.constant 0 : i32
      %get3A_952 = arith.index_cast %get3A_951 : i32 to index
      %get3A_953 = arith.constant 0 : index
      %get3A_954 = tpu.vector_load %arg6[%get3A_952, %get3A_953] {strides = array<i32>} : memref<1x64xf32, #tpu.memory_space<vmem>>, vector<16xf32>,
      %mul3A_955 = arith.mulf %convert_element_type3A_939, %get3A_954 : vector<16xf32>
      %sub3A_956 = arith.subf %scan3A_949#0, %mul3A_955 : vector<16xf32>
      %add3A_957 = arith.constant 9.99999993E-9 : f32
      %add3A_958 = vector.broadcast %add3A_957 : f32 to vector<16xf32>
      %add3A_959 = arith.addf %sub3A_942, %add3A_958 : vector<16xf32>
      %div3A_960 = arith.divf %sub3A_956, %add3A_959 : vector<16xf32>
      %gt3A_961 = arith.constant 0.000000e+00 : f32
      %gt3A_962 = vector.broadcast %gt3A_961 : f32 to vector<16xf32>
      %gt3A_963 = arith.cmpf ogt, %sub3A_942, %gt3A_962 : vector<16xf32>
      %jit3A_964 = arith.constant 0.000000e+00 : f32
      %broadcast_in_dim3A_965 = vector.broadcast %jit3A_964 : f32 to vector<16xf32>
      %select_n3A_966 = arith.select %gt3A_963, %div3A_960, %broadcast_in_dim3A_965 : vector<16xi1>, vector<16xf32>
      %swap3A_967 = arith.constant 2 : i32
      %swap3A_968 = arith.index_cast %swap3A_967 : i32 to index
      %swap3A_969 = arith.constant 0 : index
      %swap3A_970 = tpu.vector_load %arg10[%swap3A_968, %swap3A_969] {strides = array<i32>} : memref<4x64xf32, #tpu.memory_space<vmem>>, vector<16xf32>,
      tpu.vector_store %arg10[%swap3A_968, %swap3A_969], %select_n3A_966 {strides = array<i32>} : memref<4x64xf32, #tpu.memory_space<vmem>>, vector<16xf32>,
      %get3A_971 = arith.constant 0 : i32
      %get3A_972 = arith.index_cast %get3A_971 : i32 to index
      %get3A_973 = arith.constant 16 : index
      %get3A_974 = tpu.vector_load %arg6[%get3A_972, %get3A_973] {strides = array<i32>} : memref<1x64xf32, #tpu.memory_space<vmem>>, vector<16xf32>,
      %mul3A_975 = arith.mulf %convert_element_type3A_939, %get3A_974 : vector<16xf32>
      %sub3A_976 = arith.subf %scan3A_949#1, %mul3A_975 : vector<16xf32>
      %add3A_977 = arith.constant 9.99999993E-9 : f32
      %add3A_978 = vector.broadcast %add3A_977 : f32 to vector<16xf32>
      %add3A_979 = arith.addf %sub3A_942, %add3A_978 : vector<16xf32>
      %div3A_980 = arith.divf %sub3A_976, %add3A_979 : vector<16xf32>
      %gt3A_981 = arith.constant 0.000000e+00 : f32
      %gt3A_982 = vector.broadcast %gt3A_981 : f32 to vector<16xf32>
      %gt3A_983 = arith.cmpf ogt, %sub3A_942, %gt3A_982 : vector<16xf32>
      %jit3A_984 = arith.constant 0.000000e+00 : f32
      %broadcast_in_dim3A_985 = vector.broadcast %jit3A_984 : f32 to vector<16xf32>
      %select_n3A_986 = arith.select %gt3A_983, %div3A_980, %broadcast_in_dim3A_985 : vector<16xi1>, vector<16xf32>
      %swap3A_987 = arith.constant 2 : i32
      %swap3A_988 = arith.index_cast %swap3A_987 : i32 to index
      %swap3A_989 = arith.constant 16 : index
      %swap3A_990 = tpu.vector_load %arg10[%swap3A_988, %swap3A_989] {strides = array<i32>} : memref<4x64xf32, #tpu.memory_space<vmem>>, vector<16xf32>,
      tpu.vector_store %arg10[%swap3A_988, %swap3A_989], %select_n3A_986 {strides = array<i32>} : memref<4x64xf32, #tpu.memory_space<vmem>>, vector<16xf32>,
      %get3A_991 = arith.constant 0 : i32
      %get3A_992 = arith.index_cast %get3A_991 : i32 to index
      %get3A_993 = arith.constant 32 : index
      %get3A_994 = tpu.vector_load %arg6[%get3A_992, %get3A_993] {strides = array<i32>} : memref<1x64xf32, #tpu.memory_space<vmem>>, vector<16xf32>,
      %mul3A_995 = arith.mulf %convert_element_type3A_939, %get3A_994 : vector<16xf32>
      %sub3A_996 = arith.subf %scan3A_949#2, %mul3A_995 : vector<16xf32>
      %add3A_997 = arith.constant 9.99999993E-9 : f32
      %add3A_998 = vector.broadcast %add3A_997 : f32 to vector<16xf32>
      %add3A_999 = arith.addf %sub3A_942, %add3A_998 : vector<16xf32>
      %div3A_1000 = arith.divf %sub3A_996, %add3A_999 : vector<16xf32>
      %gt3A_1001 = arith.constant 0.000000e+00 : f32
      %gt3A_1002 = vector.broadcast %gt3A_1001 : f32 to vector<16xf32>
      %gt3A_1003 = arith.cmpf ogt, %sub3A_942, %gt3A_1002 : vector<16xf32>
      %jit3A_1004 = arith.constant 0.000000e+00 : f32
      %broadcast_in_dim3A_1005 = vector.broadcast %jit3A_1004 : f32 to vector<16xf32>
      %select_n3A_1006 = arith.select %gt3A_1003, %div3A_1000, %broadcast_in_dim3A_1005 : vector<16xi1>, vector<16xf32>
      %swap3A_1007 = arith.constant 2 : i32
      %swap3A_1008 = arith.index_cast %swap3A_1007 : i32 to index
      %swap3A_1009 = arith.constant 32 : index
      %swap3A_1010 = tpu.vector_load %arg10[%swap3A_1008, %swap3A_1009] {strides = array<i32>} : memref<4x64xf32, #tpu.memory_space<vmem>>, vector<16xf32>,
      tpu.vector_store %arg10[%swap3A_1008, %swap3A_1009], %select_n3A_1006 {strides = array<i32>} : memref<4x64xf32, #tpu.memory_space<vmem>>, vector<16xf32>,
      %get3A_1011 = arith.constant 0 : i32
      %get3A_1012 = arith.index_cast %get3A_1011 : i32 to index
      %get3A_1013 = arith.constant 48 : index
      %get3A_1014 = tpu.vector_load %arg6[%get3A_1012, %get3A_1013] {strides = array<i32>} : memref<1x64xf32, #tpu.memory_space<vmem>>, vector<16xf32>,
      %mul3A_1015 = arith.mulf %convert_element_type3A_939, %get3A_1014 : vector<16xf32>
      %sub3A_1016 = arith.subf %scan3A_949#3, %mul3A_1015 : vector<16xf32>
      %add3A_1017 = arith.constant 9.99999993E-9 : f32
      %add3A_1018 = vector.broadcast %add3A_1017 : f32 to vector<16xf32>
      %add3A_1019 = arith.addf %sub3A_942, %add3A_1018 : vector<16xf32>
      %div3A_1020 = arith.divf %sub3A_1016, %add3A_1019 : vector<16xf32>
      %gt3A_1021 = arith.constant 0.000000e+00 : f32
      %gt3A_1022 = vector.broadcast %gt3A_1021 : f32 to vector<16xf32>
      %gt3A_1023 = arith.cmpf ogt, %sub3A_942, %gt3A_1022 : vector<16xf32>
      %jit3A_1024 = arith.constant 0.000000e+00 : f32
      %broadcast_in_dim3A_1025 = vector.broadcast %jit3A_1024 : f32 to vector<16xf32>
      %select_n3A_1026 = arith.select %gt3A_1023, %div3A_1020, %broadcast_in_dim3A_1025 : vector<16xi1>, vector<16xf32>
      %swap3A_1027 = arith.constant 2 : i32
      %swap3A_1028 = arith.index_cast %swap3A_1027 : i32 to index
      %swap3A_1029 = arith.constant 48 : index
      %swap3A_1030 = tpu.vector_load %arg10[%swap3A_1028, %swap3A_1029] {strides = array<i32>} : memref<4x64xf32, #tpu.memory_space<vmem>>, vector<16xf32>,
      tpu.vector_store %arg10[%swap3A_1028, %swap3A_1029], %select_n3A_1026 {strides = array<i32>} : memref<4x64xf32, #tpu.memory_space<vmem>>, vector<16xf32>,
      %add3A_1031 = arith.constant 3 : i32
      %add3A_1032 = arith.addi %mul3A_626, %add3A_1031 : i32
      %mul3A_1033 = arith.constant 64 : i32
      %mul3A_1034 = arith.muli %add3A_1032, %mul3A_1033 : i32
      %get3A_1035 = arith.index_cast %mul3A_1034 : i32 to index
      %get3A_1036 = tpu.vector_load %arg5[%get3A_1035] {strides = array<i32>} : memref<8192xi32, #tpu.memory_space<vmem>>, vector<16xi32>,
      %add3A_1037 = arith.constant 16 : i32
      %add3A_1038 = arith.addi %mul3A_1034, %add3A_1037 : i32
      %get3A_1039 = arith.index_cast %add3A_1038 : i32 to index
      %get3A_1040 = tpu.vector_load %arg5[%get3A_1039] {strides = array<i32>} : memref<8192xi32, #tpu.memory_space<vmem>>, vector<16xi32>,
      %add3A_1041 = arith.constant 32 : i32
      %add3A_1042 = arith.addi %mul3A_1034, %add3A_1041 : i32
      %get3A_1043 = arith.index_cast %add3A_1042 : i32 to index
      %get3A_1044 = tpu.vector_load %arg5[%get3A_1043] {strides = array<i32>} : memref<8192xi32, #tpu.memory_space<vmem>>, vector<16xi32>,
      %add3A_1045 = arith.constant 48 : i32
      %add3A_1046 = arith.addi %mul3A_1034, %add3A_1045 : i32
      %get3A_1047 = arith.index_cast %add3A_1046 : i32 to index
      %get3A_1048 = tpu.vector_load %arg5[%get3A_1047] {strides = array<i32>} : memref<8192xi32, #tpu.memory_space<vmem>>, vector<16xi32>,
      %eq3A_1049 = arith.constant 0 : i32
      %eq3A_1050 = vector.broadcast %eq3A_1049 : i32 to vector<16xi32>
      %eq3A_1051 = arith.cmpi eq, %get3A_1036, %eq3A_1050 : vector<16xi32>
      %all_reduce_population_count3A_1052 = tpu.all_reduce %eq3A_1051 {dim = 0 : i64, kind = #tpu.reduction_kind<sum>} : vector<16xi1> -> vector<16xi32>
      %eq3A_1053 = arith.constant 0 : i32
      %eq3A_1054 = vector.broadcast %eq3A_1053 : i32 to vector<16xi32>
      %eq3A_1055 = arith.cmpi eq, %get3A_1040, %eq3A_1054 : vector<16xi32>
      %all_reduce_population_count3A_1056 = tpu.all_reduce %eq3A_1055 {dim = 0 : i64, kind = #tpu.reduction_kind<sum>} : vector<16xi1> -> vector<16xi32>
      %add3A_1057 = arith.addi %all_reduce_population_count3A_1052, %all_reduce_population_count3A_1056 : vector<16xi32>
      %eq3A_1058 = arith.constant 0 : i32
      %eq3A_1059 = vector.broadcast %eq3A_1058 : i32 to vector<16xi32>
      %eq3A_1060 = arith.cmpi eq, %get3A_1044, %eq3A_1059 : vector<16xi32>
      %all_reduce_population_count3A_1061 = tpu.all_reduce %eq3A_1060 {dim = 0 : i64, kind = #tpu.reduction_kind<sum>} : vector<16xi1> -> vector<16xi32>
      %add3A_1062 = arith.addi %add3A_1057, %all_reduce_population_count3A_1061 : vector<16xi32>
      %eq3A_1063 = arith.constant 0 : i32
      %eq3A_1064 = vector.broadcast %eq3A_1063 : i32 to vector<16xi32>
      %eq3A_1065 = arith.cmpi eq, %get3A_1048, %eq3A_1064 : vector<16xi32>
      %and3A_1066 = arith.andi %eq3A_1065, %lt3A_4 : vector<16xi1>
      %all_reduce_population_count3A_1067 = tpu.all_reduce %and3A_1066 {dim = 0 : i64, kind = #tpu.reduction_kind<sum>} : vector<16xi1> -> vector<16xi32>
      %add3A_1068 = arith.addi %add3A_1062, %all_reduce_population_count3A_1067 : vector<16xi32>
      %convert_element_type3A_1069 = arith.sitofp %add3A_1068 : vector<16xi32> to vector<16xf32>
      %sub3A_1070 = arith.constant 5.000000e+01 : f32
      %sub3A_1071 = vector.broadcast %sub3A_1070 : f32 to vector<16xf32>
      %sub3A_1072 = arith.subf %sub3A_1071, %convert_element_type3A_1069 : vector<16xf32>
      %broadcast_in_dim3A_1073 = arith.constant 0.000000e+00 : f32
      %broadcast_in_dim3A_1074 = vector.broadcast %broadcast_in_dim3A_1073 : f32 to vector<16xf32>
      %scan3A_1075 = arith.constant 0 : i32
      %scan3A_1076 = arith.constant 50 : i32
      %scan3A_1077 = arith.addi %scan3A_1075, %scan3A_1076 : i32
      %scan3A_1078 = arith.constant 1 : i32
      %scan3A_1079:4 = scf.for %scan3A_1171 = %scan3A_1075 to %scan3A_1077 step %scan3A_1078 iter_args(%scan3A_1172 = %broadcast_in_dim3A_1074, %scan3A_1173 = %broadcast_in_dim3A_1074, %scan3A_1174 = %broadcast_in_dim3A_1074, %scan3A_1175 = %broadcast_in_dim3A_1074) -> (vector<16xf32>, vector<16xf32>, vector<16xf32>, vector<16xf32>)  : i32 {
        %add3A_1176 = arith.constant 150 : i32
        %add3A_1177 = arith.addi %add3A_1176, %scan3A_1171 : i32
        %get3A_1178 = arith.index_cast %add3A_1177 : i32 to index
        %get3A_1179 = arith.constant 0 : index
        %get3A_1180 = tpu.vector_load %arg8[%get3A_1178, %get3A_1179] {strides = array<i32>} : memref<200x64xf32, #tpu.memory_space<vmem>>, vector<16xf32>,
        %add3A_1181 = arith.addf %scan3A_1172, %get3A_1180 : vector<16xf32>
        %get3A_1182 = arith.index_cast %add3A_1177 : i32 to index
        %get3A_1183 = arith.constant 16 : index
        %get3A_1184 = tpu.vector_load %arg8[%get3A_1182, %get3A_1183] {strides = array<i32>} : memref<200x64xf32, #tpu.memory_space<vmem>>, vector<16xf32>,
        %add3A_1185 = arith.addf %scan3A_1173, %get3A_1184 : vector<16xf32>
        %get3A_1186 = arith.index_cast %add3A_1177 : i32 to index
        %get3A_1187 = arith.constant 32 : index
        %get3A_1188 = tpu.vector_load %arg8[%get3A_1186, %get3A_1187] {strides = array<i32>} : memref<200x64xf32, #tpu.memory_space<vmem>>, vector<16xf32>,
        %add3A_1189 = arith.addf %scan3A_1174, %get3A_1188 : vector<16xf32>
        %get3A_1190 = arith.index_cast %add3A_1177 : i32 to index
        %get3A_1191 = arith.constant 48 : index
        %get3A_1192 = tpu.vector_load %arg8[%get3A_1190, %get3A_1191] {strides = array<i32>} : memref<200x64xf32, #tpu.memory_space<vmem>>, vector<16xf32>,
        %add3A_1193 = arith.addf %scan3A_1175, %get3A_1192 : vector<16xf32>
        scf.yield %add3A_1181, %add3A_1185, %add3A_1189, %add3A_1193 : vector<16xf32>, vector<16xf32>, vector<16xf32>, vector<16xf32>
      }
      %scan3A_1080 = arith.constant 50 : i32
      %get3A_1081 = arith.constant 0 : i32
      %get3A_1082 = arith.index_cast %get3A_1081 : i32 to index
      %get3A_1083 = arith.constant 0 : index
      %get3A_1084 = tpu.vector_load %arg6[%get3A_1082, %get3A_1083] {strides = array<i32>} : memref<1x64xf32, #tpu.memory_space<vmem>>, vector<16xf32>,
      %mul3A_1085 = arith.mulf %convert_element_type3A_1069, %get3A_1084 : vector<16xf32>
      %sub3A_1086 = arith.subf %scan3A_1079#0, %mul3A_1085 : vector<16xf32>
      %add3A_1087 = arith.constant 9.99999993E-9 : f32
      %add3A_1088 = vector.broadcast %add3A_1087 : f32 to vector<16xf32>
      %add3A_1089 = arith.addf %sub3A_1072, %add3A_1088 : vector<16xf32>
      %div3A_1090 = arith.divf %sub3A_1086, %add3A_1089 : vector<16xf32>
      %gt3A_1091 = arith.constant 0.000000e+00 : f32
      %gt3A_1092 = vector.broadcast %gt3A_1091 : f32 to vector<16xf32>
      %gt3A_1093 = arith.cmpf ogt, %sub3A_1072, %gt3A_1092 : vector<16xf32>
      %jit3A_1094 = arith.constant 0.000000e+00 : f32
      %broadcast_in_dim3A_1095 = vector.broadcast %jit3A_1094 : f32 to vector<16xf32>
      %select_n3A_1096 = arith.select %gt3A_1093, %div3A_1090, %broadcast_in_dim3A_1095 : vector<16xi1>, vector<16xf32>
      %swap3A_1097 = arith.constant 3 : i32
      %swap3A_1098 = arith.index_cast %swap3A_1097 : i32 to index
      %swap3A_1099 = arith.constant 0 : index
      %swap3A_1100 = tpu.vector_load %arg10[%swap3A_1098, %swap3A_1099] {strides = array<i32>} : memref<4x64xf32, #tpu.memory_space<vmem>>, vector<16xf32>,
      tpu.vector_store %arg10[%swap3A_1098, %swap3A_1099], %select_n3A_1096 {strides = array<i32>} : memref<4x64xf32, #tpu.memory_space<vmem>>, vector<16xf32>,
      %get3A_1101 = arith.constant 0 : i32
      %get3A_1102 = arith.index_cast %get3A_1101 : i32 to index
      %get3A_1103 = arith.constant 16 : index
      %get3A_1104 = tpu.vector_load %arg6[%get3A_1102, %get3A_1103] {strides = array<i32>} : memref<1x64xf32, #tpu.memory_space<vmem>>, vector<16xf32>,
      %mul3A_1105 = arith.mulf %convert_element_type3A_1069, %get3A_1104 : vector<16xf32>
      %sub3A_1106 = arith.subf %scan3A_1079#1, %mul3A_1105 : vector<16xf32>
      %add3A_1107 = arith.constant 9.99999993E-9 : f32
      %add3A_1108 = vector.broadcast %add3A_1107 : f32 to vector<16xf32>
      %add3A_1109 = arith.addf %sub3A_1072, %add3A_1108 : vector<16xf32>
      %div3A_1110 = arith.divf %sub3A_1106, %add3A_1109 : vector<16xf32>
      %gt3A_1111 = arith.constant 0.000000e+00 : f32
      %gt3A_1112 = vector.broadcast %gt3A_1111 : f32 to vector<16xf32>
      %gt3A_1113 = arith.cmpf ogt, %sub3A_1072, %gt3A_1112 : vector<16xf32>
      %jit3A_1114 = arith.constant 0.000000e+00 : f32
      %broadcast_in_dim3A_1115 = vector.broadcast %jit3A_1114 : f32 to vector<16xf32>
      %select_n3A_1116 = arith.select %gt3A_1113, %div3A_1110, %broadcast_in_dim3A_1115 : vector<16xi1>, vector<16xf32>
      %swap3A_1117 = arith.constant 3 : i32
      %swap3A_1118 = arith.index_cast %swap3A_1117 : i32 to index
      %swap3A_1119 = arith.constant 16 : index
      %swap3A_1120 = tpu.vector_load %arg10[%swap3A_1118, %swap3A_1119] {strides = array<i32>} : memref<4x64xf32, #tpu.memory_space<vmem>>, vector<16xf32>,
      tpu.vector_store %arg10[%swap3A_1118, %swap3A_1119], %select_n3A_1116 {strides = array<i32>} : memref<4x64xf32, #tpu.memory_space<vmem>>, vector<16xf32>,
      %get3A_1121 = arith.constant 0 : i32
      %get3A_1122 = arith.index_cast %get3A_1121 : i32 to index
      %get3A_1123 = arith.constant 32 : index
      %get3A_1124 = tpu.vector_load %arg6[%get3A_1122, %get3A_1123] {strides = array<i32>} : memref<1x64xf32, #tpu.memory_space<vmem>>, vector<16xf32>,
      %mul3A_1125 = arith.mulf %convert_element_type3A_1069, %get3A_1124 : vector<16xf32>
      %sub3A_1126 = arith.subf %scan3A_1079#2, %mul3A_1125 : vector<16xf32>
      %add3A_1127 = arith.constant 9.99999993E-9 : f32
      %add3A_1128 = vector.broadcast %add3A_1127 : f32 to vector<16xf32>
      %add3A_1129 = arith.addf %sub3A_1072, %add3A_1128 : vector<16xf32>
      %div3A_1130 = arith.divf %sub3A_1126, %add3A_1129 : vector<16xf32>
      %gt3A_1131 = arith.constant 0.000000e+00 : f32
      %gt3A_1132 = vector.broadcast %gt3A_1131 : f32 to vector<16xf32>
      %gt3A_1133 = arith.cmpf ogt, %sub3A_1072, %gt3A_1132 : vector<16xf32>
      %jit3A_1134 = arith.constant 0.000000e+00 : f32
      %broadcast_in_dim3A_1135 = vector.broadcast %jit3A_1134 : f32 to vector<16xf32>
      %select_n3A_1136 = arith.select %gt3A_1133, %div3A_1130, %broadcast_in_dim3A_1135 : vector<16xi1>, vector<16xf32>
      %swap3A_1137 = arith.constant 3 : i32
      %swap3A_1138 = arith.index_cast %swap3A_1137 : i32 to index
      %swap3A_1139 = arith.constant 32 : index
      %swap3A_1140 = tpu.vector_load %arg10[%swap3A_1138, %swap3A_1139] {strides = array<i32>} : memref<4x64xf32, #tpu.memory_space<vmem>>, vector<16xf32>,
      tpu.vector_store %arg10[%swap3A_1138, %swap3A_1139], %select_n3A_1136 {strides = array<i32>} : memref<4x64xf32, #tpu.memory_space<vmem>>, vector<16xf32>,
      %get3A_1141 = arith.constant 0 : i32
      %get3A_1142 = arith.index_cast %get3A_1141 : i32 to index
      %get3A_1143 = arith.constant 48 : index
      %get3A_1144 = tpu.vector_load %arg6[%get3A_1142, %get3A_1143] {strides = array<i32>} : memref<1x64xf32, #tpu.memory_space<vmem>>, vector<16xf32>,
      %mul3A_1145 = arith.mulf %convert_element_type3A_1069, %get3A_1144 : vector<16xf32>
      %sub3A_1146 = arith.subf %scan3A_1079#3, %mul3A_1145 : vector<16xf32>
      %add3A_1147 = arith.constant 9.99999993E-9 : f32
      %add3A_1148 = vector.broadcast %add3A_1147 : f32 to vector<16xf32>
      %add3A_1149 = arith.addf %sub3A_1072, %add3A_1148 : vector<16xf32>
      %div3A_1150 = arith.divf %sub3A_1146, %add3A_1149 : vector<16xf32>
      %gt3A_1151 = arith.constant 0.000000e+00 : f32
      %gt3A_1152 = vector.broadcast %gt3A_1151 : f32 to vector<16xf32>
      %gt3A_1153 = arith.cmpf ogt, %sub3A_1072, %gt3A_1152 : vector<16xf32>
      %jit3A_1154 = arith.constant 0.000000e+00 : f32
      %broadcast_in_dim3A_1155 = vector.broadcast %jit3A_1154 : f32 to vector<16xf32>
      %select_n3A_1156 = arith.select %gt3A_1153, %div3A_1150, %broadcast_in_dim3A_1155 : vector<16xi1>, vector<16xf32>
      %swap3A_1157 = arith.constant 3 : i32
      %swap3A_1158 = arith.index_cast %swap3A_1157 : i32 to index
      %swap3A_1159 = arith.constant 48 : index
      %swap3A_1160 = tpu.vector_load %arg10[%swap3A_1158, %swap3A_1159] {strides = array<i32>} : memref<4x64xf32, #tpu.memory_space<vmem>>, vector<16xf32>,
      tpu.vector_store %arg10[%swap3A_1158, %swap3A_1159], %select_n3A_1156 {strides = array<i32>} : memref<4x64xf32, #tpu.memory_space<vmem>>, vector<16xf32>,
      %dma_start3A_1161 = arith.constant 0 : i32
      %dma_start3A_1162 = tpu.memref_slice %arg4[%add3A_629, %dma_start3A_1161] : memref<4096x64xf32, #tpu.memory_space<hbm>> -> memref<4x64xf32, #tpu.memory_space<hbm>>
      %dma_start3A_1163 = arith.constant 0 : i32
      %dma_start3A_1164 = tpu.memref_slice %arg4[%add3A_629, %dma_start3A_1163] : memref<4096x64xf32, #tpu.memory_space<hbm>> -> memref<4x64xf32, #tpu.memory_space<hbm>>
      tpu.enqueue_dma source(%arg10 : memref<4x64xf32, #tpu.memory_space<vmem>>) target(%dma_start3A_1164 : memref<4x64xf32, #tpu.memory_space<hbm>>) target_semaphore(%arg14 : memref<!tpu.dma_semaphore, #tpu.memory_space<semaphore_mem>>)
      %lt3A_1165 = arith.constant 15 : i32
      %lt3A_1166 = arith.cmpi slt, %scan3A_85, %lt3A_1165 : i32
      %convert_element_type3A_1167 = arith.extui %lt3A_1166 : i1 to i32
      %cond3A_1168 = arith.constant 0 : i32
      %cond3A_1169 = arith.cmpi ne, %convert_element_type3A_1167, %cond3A_1168 : i32
      scf.if %cond3A_1169 {
        %add3A_1171 = arith.constant 2 : i32
        %add3A_1172 = arith.addi %add3A_624, %add3A_1171 : i32
        %mul3A_1173 = arith.constant 4 : i32
        %mul3A_1174 = arith.muli %add3A_1172, %mul3A_1173 : i32
        %add3A_1175 = arith.constant 0 : i32
        %add3A_1176 = arith.addi %mul3A_1174, %add3A_1175 : i32
        %mul3A_1177 = arith.constant 64 : i32
        %mul3A_1178 = arith.muli %add3A_1176, %mul3A_1177 : i32
        %dma_start3A_1179 = arith.constant 0 : i32
        %dma_start3A_1180 = arith.constant 0 : i32
        %dma_start3A_1181 = tpu.memref_slice %arg8[%dma_start3A_1179, %dma_start3A_1180] : memref<200x64xf32, #tpu.memory_space<vmem>> -> memref<50x64xf32, #tpu.memory_space<vmem>>
        %dma_start3A_1182 = tpu.memref_slice %arg5[%mul3A_1178] : memref<8192xi32, #tpu.memory_space<vmem>> -> memref<50xi32, #tpu.memory_space<vmem>>
        %dma_start3A_1183 = arith.constant 0 : i32
        %dma_start3A_1184 = arith.constant 0 : i32
        %dma_start3A_1185 = tpu.memref_slice %arg3[%dma_start3A_1183, %dma_start3A_1184] : memref<114688x64xf32, #tpu.memory_space<hbm>> -> memref<114688x64xf32, #tpu.memory_space<hbm>>
        tpu.enqueue_indirect_dma source(%dma_start3A_1185 : memref<114688x64xf32, #tpu.memory_space<hbm>>) target(%dma_start3A_1181 : memref<50x64xf32, #tpu.memory_space<vmem>>) offsets(%dma_start3A_1182 : memref<50xi32, #tpu.memory_space<vmem>>) semaphore(%arg12 : memref<!tpu.dma_semaphore, #tpu.memory_space<semaphore_mem>>)
        %add3A_1186 = arith.constant 1 : i32
        %add3A_1187 = arith.addi %mul3A_1174, %add3A_1186 : i32
        %mul3A_1188 = arith.constant 64 : i32
        %mul3A_1189 = arith.muli %add3A_1187, %mul3A_1188 : i32
        %dma_start3A_1190 = arith.constant 50 : i32
        %dma_start3A_1191 = arith.constant 0 : i32
        %dma_start3A_1192 = tpu.memref_slice %arg8[%dma_start3A_1190, %dma_start3A_1191] : memref<200x64xf32, #tpu.memory_space<vmem>> -> memref<50x64xf32, #tpu.memory_space<vmem>>
        %dma_start3A_1193 = tpu.memref_slice %arg5[%mul3A_1189] : memref<8192xi32, #tpu.memory_space<vmem>> -> memref<50xi32, #tpu.memory_space<vmem>>
        %dma_start3A_1194 = arith.constant 0 : i32
        %dma_start3A_1195 = arith.constant 0 : i32
        %dma_start3A_1196 = tpu.memref_slice %arg3[%dma_start3A_1194, %dma_start3A_1195] : memref<114688x64xf32, #tpu.memory_space<hbm>> -> memref<114688x64xf32, #tpu.memory_space<hbm>>
        tpu.enqueue_indirect_dma source(%dma_start3A_1196 : memref<114688x64xf32, #tpu.memory_space<hbm>>) target(%dma_start3A_1192 : memref<50x64xf32, #tpu.memory_space<vmem>>) offsets(%dma_start3A_1193 : memref<50xi32, #tpu.memory_space<vmem>>) semaphore(%arg12 : memref<!tpu.dma_semaphore, #tpu.memory_space<semaphore_mem>>)
        %add3A_1197 = arith.constant 2 : i32
        %add3A_1198 = arith.addi %mul3A_1174, %add3A_1197 : i32
        %mul3A_1199 = arith.constant 64 : i32
        %mul3A_1200 = arith.muli %add3A_1198, %mul3A_1199 : i32
        %dma_start3A_1201 = arith.constant 100 : i32
        %dma_start3A_1202 = arith.constant 0 : i32
        %dma_start3A_1203 = tpu.memref_slice %arg8[%dma_start3A_1201, %dma_start3A_1202] : memref<200x64xf32, #tpu.memory_space<vmem>> -> memref<50x64xf32, #tpu.memory_space<vmem>>
        %dma_start3A_1204 = tpu.memref_slice %arg5[%mul3A_1200] : memref<8192xi32, #tpu.memory_space<vmem>> -> memref<50xi32, #tpu.memory_space<vmem>>
        %dma_start3A_1205 = arith.constant 0 : i32
        %dma_start3A_1206 = arith.constant 0 : i32
        %dma_start3A_1207 = tpu.memref_slice %arg3[%dma_start3A_1205, %dma_start3A_1206] : memref<114688x64xf32, #tpu.memory_space<hbm>> -> memref<114688x64xf32, #tpu.memory_space<hbm>>
        tpu.enqueue_indirect_dma source(%dma_start3A_1207 : memref<114688x64xf32, #tpu.memory_space<hbm>>) target(%dma_start3A_1203 : memref<50x64xf32, #tpu.memory_space<vmem>>) offsets(%dma_start3A_1204 : memref<50xi32, #tpu.memory_space<vmem>>) semaphore(%arg12 : memref<!tpu.dma_semaphore, #tpu.memory_space<semaphore_mem>>)
        %add3A_1208 = arith.constant 3 : i32
        %add3A_1209 = arith.addi %mul3A_1174, %add3A_1208 : i32
        %mul3A_1210 = arith.constant 64 : i32
        %mul3A_1211 = arith.muli %add3A_1209, %mul3A_1210 : i32
        %dma_start3A_1212 = arith.constant 150 : i32
        %dma_start3A_1213 = arith.constant 0 : i32
        %dma_start3A_1214 = tpu.memref_slice %arg8[%dma_start3A_1212, %dma_start3A_1213] : memref<200x64xf32, #tpu.memory_space<vmem>> -> memref<50x64xf32, #tpu.memory_space<vmem>>
        %dma_start3A_1215 = tpu.memref_slice %arg5[%mul3A_1211] : memref<8192xi32, #tpu.memory_space<vmem>> -> memref<50xi32, #tpu.memory_space<vmem>>
        %dma_start3A_1216 = arith.constant 0 : i32
        %dma_start3A_1217 = arith.constant 0 : i32
        %dma_start3A_1218 = tpu.memref_slice %arg3[%dma_start3A_1216, %dma_start3A_1217] : memref<114688x64xf32, #tpu.memory_space<hbm>> -> memref<114688x64xf32, #tpu.memory_space<hbm>>
        tpu.enqueue_indirect_dma source(%dma_start3A_1218 : memref<114688x64xf32, #tpu.memory_space<hbm>>) target(%dma_start3A_1214 : memref<50x64xf32, #tpu.memory_space<vmem>>) offsets(%dma_start3A_1215 : memref<50xi32, #tpu.memory_space<vmem>>) semaphore(%arg12 : memref<!tpu.dma_semaphore, #tpu.memory_space<semaphore_mem>>)
      } else {
      }
      %scan3A_1170 = arith.constant 0 : i32
      scf.yield %scan3A_1170 : i32
    }
    %scan3A_73 = arith.constant 16 : i32
    %dma_wait3A = arith.constant 0 : i32
    %dma_wait3A_74 = arith.constant 0 : i32
    %dma_wait3A_75 = tpu.memref_slice %arg3[%dma_wait3A, %dma_wait3A_74] : memref<114688x64xf32, #tpu.memory_space<hbm>> -> memref<4x64xf32, #tpu.memory_space<hbm>>
    %dma_wait3A_76 = arith.constant 0 : i32
    %dma_wait3A_77 = arith.constant 0 : i32
    %dma_wait3A_78 = tpu.memref_slice %arg3[%dma_wait3A_76, %dma_wait3A_77] : memref<114688x64xf32, #tpu.memory_space<hbm>> -> memref<4x64xf32, #tpu.memory_space<hbm>>
    tpu.wait_dma2 semaphore(%arg13 : memref<!tpu.dma_semaphore, #tpu.memory_space<semaphore_mem>>) src(%dma_wait3A_78 : memref<4x64xf32, #tpu.memory_space<hbm>>) dst(%arg9 : memref<4x64xf32, #tpu.memory_space<vmem>>)
    %dma_wait3A_79 = arith.constant 0 : i32
    %dma_wait3A_80 = arith.constant 0 : i32
    %dma_wait3A_81 = tpu.memref_slice %arg3[%dma_wait3A_79, %dma_wait3A_80] : memref<114688x64xf32, #tpu.memory_space<hbm>> -> memref<4x64xf32, #tpu.memory_space<hbm>>
    %dma_wait3A_82 = arith.constant 0 : i32
    %dma_wait3A_83 = arith.constant 0 : i32
    %dma_wait3A_84 = tpu.memref_slice %arg3[%dma_wait3A_82, %dma_wait3A_83] : memref<114688x64xf32, #tpu.memory_space<hbm>> -> memref<4x64xf32, #tpu.memory_space<hbm>>
    tpu.wait_dma2 semaphore(%arg14 : memref<!tpu.dma_semaphore, #tpu.memory_space<semaphore_mem>>) src(%dma_wait3A_84 : memref<4x64xf32, #tpu.memory_space<hbm>>) dst(%arg10 : memref<4x64xf32, #tpu.memory_space<vmem>>)
    return
  }
}

module attributes {stable_mosaic.version = 14 : i64} {
  func.func @_tr_body(%arg0: i32, %arg1: memref<64x16384xf32, #tpu.memory_space<vmem>>, %arg2: memref<8192x128xf32, #tpu.memory_space<vmem>>) attributes {dimension_semantics = [#tpu.dimension_semantics<arbitrary>], iteration_bounds = array<i64: 7>, scalar_prefetch = 0 : i64, scratch_operands = 0 : i64, tpu.core_type = #tpu.core_type<tc>, window_params = [{transform_indices = @transform_0, window_bounds = array<i64: 64, 16384>}, {transform_indices = @transform_1, window_bounds = array<i64: 8192, 128>}]} {
    %get3A = arith.constant 0 : index
    %get3A_0 = arith.constant 0 : index
    %get3A_1 = vector.load %arg1[%get3A, %get3A_0] : memref<64x16384xf32, #tpu.memory_space<vmem>>, vector<64x16384xf32>
    %transpose3A = tpu.transpose %get3A_1, [1, 0] : vector<64x16384xf32> -> vector<16384x64xf32>
    %slice3A = vector.extract_strided_slice %transpose3A {offsets = [0, 0], sizes = [256, 64], strides = [1, 1]} : vector<16384x64xf32> to vector<256x64xf32>
    %slice3A_2 = vector.extract_strided_slice %transpose3A {offsets = [256, 0], sizes = [256, 64], strides = [1, 1]} : vector<16384x64xf32> to vector<256x64xf32>
    %concatenate3A = tpu.concatenate %slice3A, %slice3A_2 in 1 : vector<256x64xf32>, vector<256x64xf32> -> vector<256x128xf32>
    %slice3A_3 = vector.extract_strided_slice %transpose3A {offsets = [512, 0], sizes = [256, 64], strides = [1, 1]} : vector<16384x64xf32> to vector<256x64xf32>
    %slice3A_4 = vector.extract_strided_slice %transpose3A {offsets = [768, 0], sizes = [256, 64], strides = [1, 1]} : vector<16384x64xf32> to vector<256x64xf32>
    %concatenate3A_5 = tpu.concatenate %slice3A_3, %slice3A_4 in 1 : vector<256x64xf32>, vector<256x64xf32> -> vector<256x128xf32>
    %slice3A_6 = vector.extract_strided_slice %transpose3A {offsets = [1024, 0], sizes = [256, 64], strides = [1, 1]} : vector<16384x64xf32> to vector<256x64xf32>
    %slice3A_7 = vector.extract_strided_slice %transpose3A {offsets = [1280, 0], sizes = [256, 64], strides = [1, 1]} : vector<16384x64xf32> to vector<256x64xf32>
    %concatenate3A_8 = tpu.concatenate %slice3A_6, %slice3A_7 in 1 : vector<256x64xf32>, vector<256x64xf32> -> vector<256x128xf32>
    %slice3A_9 = vector.extract_strided_slice %transpose3A {offsets = [1536, 0], sizes = [256, 64], strides = [1, 1]} : vector<16384x64xf32> to vector<256x64xf32>
    %slice3A_10 = vector.extract_strided_slice %transpose3A {offsets = [1792, 0], sizes = [256, 64], strides = [1, 1]} : vector<16384x64xf32> to vector<256x64xf32>
    %concatenate3A_11 = tpu.concatenate %slice3A_9, %slice3A_10 in 1 : vector<256x64xf32>, vector<256x64xf32> -> vector<256x128xf32>
    %slice3A_12 = vector.extract_strided_slice %transpose3A {offsets = [2048, 0], sizes = [256, 64], strides = [1, 1]} : vector<16384x64xf32> to vector<256x64xf32>
    %slice3A_13 = vector.extract_strided_slice %transpose3A {offsets = [2304, 0], sizes = [256, 64], strides = [1, 1]} : vector<16384x64xf32> to vector<256x64xf32>
    %concatenate3A_14 = tpu.concatenate %slice3A_12, %slice3A_13 in 1 : vector<256x64xf32>, vector<256x64xf32> -> vector<256x128xf32>
    %slice3A_15 = vector.extract_strided_slice %transpose3A {offsets = [2560, 0], sizes = [256, 64], strides = [1, 1]} : vector<16384x64xf32> to vector<256x64xf32>
    %slice3A_16 = vector.extract_strided_slice %transpose3A {offsets = [2816, 0], sizes = [256, 64], strides = [1, 1]} : vector<16384x64xf32> to vector<256x64xf32>
    %concatenate3A_17 = tpu.concatenate %slice3A_15, %slice3A_16 in 1 : vector<256x64xf32>, vector<256x64xf32> -> vector<256x128xf32>
    %slice3A_18 = vector.extract_strided_slice %transpose3A {offsets = [3072, 0], sizes = [256, 64], strides = [1, 1]} : vector<16384x64xf32> to vector<256x64xf32>
    %slice3A_19 = vector.extract_strided_slice %transpose3A {offsets = [3328, 0], sizes = [256, 64], strides = [1, 1]} : vector<16384x64xf32> to vector<256x64xf32>
    %concatenate3A_20 = tpu.concatenate %slice3A_18, %slice3A_19 in 1 : vector<256x64xf32>, vector<256x64xf32> -> vector<256x128xf32>
    %slice3A_21 = vector.extract_strided_slice %transpose3A {offsets = [3584, 0], sizes = [256, 64], strides = [1, 1]} : vector<16384x64xf32> to vector<256x64xf32>
    %slice3A_22 = vector.extract_strided_slice %transpose3A {offsets = [3840, 0], sizes = [256, 64], strides = [1, 1]} : vector<16384x64xf32> to vector<256x64xf32>
    %concatenate3A_23 = tpu.concatenate %slice3A_21, %slice3A_22 in 1 : vector<256x64xf32>, vector<256x64xf32> -> vector<256x128xf32>
    %slice3A_24 = vector.extract_strided_slice %transpose3A {offsets = [4096, 0], sizes = [256, 64], strides = [1, 1]} : vector<16384x64xf32> to vector<256x64xf32>
    %slice3A_25 = vector.extract_strided_slice %transpose3A {offsets = [4352, 0], sizes = [256, 64], strides = [1, 1]} : vector<16384x64xf32> to vector<256x64xf32>
    %concatenate3A_26 = tpu.concatenate %slice3A_24, %slice3A_25 in 1 : vector<256x64xf32>, vector<256x64xf32> -> vector<256x128xf32>
    %slice3A_27 = vector.extract_strided_slice %transpose3A {offsets = [4608, 0], sizes = [256, 64], strides = [1, 1]} : vector<16384x64xf32> to vector<256x64xf32>
    %slice3A_28 = vector.extract_strided_slice %transpose3A {offsets = [4864, 0], sizes = [256, 64], strides = [1, 1]} : vector<16384x64xf32> to vector<256x64xf32>
    %concatenate3A_29 = tpu.concatenate %slice3A_27, %slice3A_28 in 1 : vector<256x64xf32>, vector<256x64xf32> -> vector<256x128xf32>
    %slice3A_30 = vector.extract_strided_slice %transpose3A {offsets = [5120, 0], sizes = [256, 64], strides = [1, 1]} : vector<16384x64xf32> to vector<256x64xf32>
    %slice3A_31 = vector.extract_strided_slice %transpose3A {offsets = [5376, 0], sizes = [256, 64], strides = [1, 1]} : vector<16384x64xf32> to vector<256x64xf32>
    %concatenate3A_32 = tpu.concatenate %slice3A_30, %slice3A_31 in 1 : vector<256x64xf32>, vector<256x64xf32> -> vector<256x128xf32>
    %slice3A_33 = vector.extract_strided_slice %transpose3A {offsets = [5632, 0], sizes = [256, 64], strides = [1, 1]} : vector<16384x64xf32> to vector<256x64xf32>
    %slice3A_34 = vector.extract_strided_slice %transpose3A {offsets = [5888, 0], sizes = [256, 64], strides = [1, 1]} : vector<16384x64xf32> to vector<256x64xf32>
    %concatenate3A_35 = tpu.concatenate %slice3A_33, %slice3A_34 in 1 : vector<256x64xf32>, vector<256x64xf32> -> vector<256x128xf32>
    %slice3A_36 = vector.extract_strided_slice %transpose3A {offsets = [6144, 0], sizes = [256, 64], strides = [1, 1]} : vector<16384x64xf32> to vector<256x64xf32>
    %slice3A_37 = vector.extract_strided_slice %transpose3A {offsets = [6400, 0], sizes = [256, 64], strides = [1, 1]} : vector<16384x64xf32> to vector<256x64xf32>
    %concatenate3A_38 = tpu.concatenate %slice3A_36, %slice3A_37 in 1 : vector<256x64xf32>, vector<256x64xf32> -> vector<256x128xf32>
    %slice3A_39 = vector.extract_strided_slice %transpose3A {offsets = [6656, 0], sizes = [256, 64], strides = [1, 1]} : vector<16384x64xf32> to vector<256x64xf32>
    %slice3A_40 = vector.extract_strided_slice %transpose3A {offsets = [6912, 0], sizes = [256, 64], strides = [1, 1]} : vector<16384x64xf32> to vector<256x64xf32>
    %concatenate3A_41 = tpu.concatenate %slice3A_39, %slice3A_40 in 1 : vector<256x64xf32>, vector<256x64xf32> -> vector<256x128xf32>
    %slice3A_42 = vector.extract_strided_slice %transpose3A {offsets = [7168, 0], sizes = [256, 64], strides = [1, 1]} : vector<16384x64xf32> to vector<256x64xf32>
    %slice3A_43 = vector.extract_strided_slice %transpose3A {offsets = [7424, 0], sizes = [256, 64], strides = [1, 1]} : vector<16384x64xf32> to vector<256x64xf32>
    %concatenate3A_44 = tpu.concatenate %slice3A_42, %slice3A_43 in 1 : vector<256x64xf32>, vector<256x64xf32> -> vector<256x128xf32>
    %slice3A_45 = vector.extract_strided_slice %transpose3A {offsets = [7680, 0], sizes = [256, 64], strides = [1, 1]} : vector<16384x64xf32> to vector<256x64xf32>
    %slice3A_46 = vector.extract_strided_slice %transpose3A {offsets = [7936, 0], sizes = [256, 64], strides = [1, 1]} : vector<16384x64xf32> to vector<256x64xf32>
    %concatenate3A_47 = tpu.concatenate %slice3A_45, %slice3A_46 in 1 : vector<256x64xf32>, vector<256x64xf32> -> vector<256x128xf32>
    %slice3A_48 = vector.extract_strided_slice %transpose3A {offsets = [8192, 0], sizes = [256, 64], strides = [1, 1]} : vector<16384x64xf32> to vector<256x64xf32>
    %slice3A_49 = vector.extract_strided_slice %transpose3A {offsets = [8448, 0], sizes = [256, 64], strides = [1, 1]} : vector<16384x64xf32> to vector<256x64xf32>
    %concatenate3A_50 = tpu.concatenate %slice3A_48, %slice3A_49 in 1 : vector<256x64xf32>, vector<256x64xf32> -> vector<256x128xf32>
    %slice3A_51 = vector.extract_strided_slice %transpose3A {offsets = [8704, 0], sizes = [256, 64], strides = [1, 1]} : vector<16384x64xf32> to vector<256x64xf32>
    %slice3A_52 = vector.extract_strided_slice %transpose3A {offsets = [8960, 0], sizes = [256, 64], strides = [1, 1]} : vector<16384x64xf32> to vector<256x64xf32>
    %concatenate3A_53 = tpu.concatenate %slice3A_51, %slice3A_52 in 1 : vector<256x64xf32>, vector<256x64xf32> -> vector<256x128xf32>
    %slice3A_54 = vector.extract_strided_slice %transpose3A {offsets = [9216, 0], sizes = [256, 64], strides = [1, 1]} : vector<16384x64xf32> to vector<256x64xf32>
    %slice3A_55 = vector.extract_strided_slice %transpose3A {offsets = [9472, 0], sizes = [256, 64], strides = [1, 1]} : vector<16384x64xf32> to vector<256x64xf32>
    %concatenate3A_56 = tpu.concatenate %slice3A_54, %slice3A_55 in 1 : vector<256x64xf32>, vector<256x64xf32> -> vector<256x128xf32>
    %slice3A_57 = vector.extract_strided_slice %transpose3A {offsets = [9728, 0], sizes = [256, 64], strides = [1, 1]} : vector<16384x64xf32> to vector<256x64xf32>
    %slice3A_58 = vector.extract_strided_slice %transpose3A {offsets = [9984, 0], sizes = [256, 64], strides = [1, 1]} : vector<16384x64xf32> to vector<256x64xf32>
    %concatenate3A_59 = tpu.concatenate %slice3A_57, %slice3A_58 in 1 : vector<256x64xf32>, vector<256x64xf32> -> vector<256x128xf32>
    %slice3A_60 = vector.extract_strided_slice %transpose3A {offsets = [10240, 0], sizes = [256, 64], strides = [1, 1]} : vector<16384x64xf32> to vector<256x64xf32>
    %slice3A_61 = vector.extract_strided_slice %transpose3A {offsets = [10496, 0], sizes = [256, 64], strides = [1, 1]} : vector<16384x64xf32> to vector<256x64xf32>
    %concatenate3A_62 = tpu.concatenate %slice3A_60, %slice3A_61 in 1 : vector<256x64xf32>, vector<256x64xf32> -> vector<256x128xf32>
    %slice3A_63 = vector.extract_strided_slice %transpose3A {offsets = [10752, 0], sizes = [256, 64], strides = [1, 1]} : vector<16384x64xf32> to vector<256x64xf32>
    %slice3A_64 = vector.extract_strided_slice %transpose3A {offsets = [11008, 0], sizes = [256, 64], strides = [1, 1]} : vector<16384x64xf32> to vector<256x64xf32>
    %concatenate3A_65 = tpu.concatenate %slice3A_63, %slice3A_64 in 1 : vector<256x64xf32>, vector<256x64xf32> -> vector<256x128xf32>
    %slice3A_66 = vector.extract_strided_slice %transpose3A {offsets = [11264, 0], sizes = [256, 64], strides = [1, 1]} : vector<16384x64xf32> to vector<256x64xf32>
    %slice3A_67 = vector.extract_strided_slice %transpose3A {offsets = [11520, 0], sizes = [256, 64], strides = [1, 1]} : vector<16384x64xf32> to vector<256x64xf32>
    %concatenate3A_68 = tpu.concatenate %slice3A_66, %slice3A_67 in 1 : vector<256x64xf32>, vector<256x64xf32> -> vector<256x128xf32>
    %slice3A_69 = vector.extract_strided_slice %transpose3A {offsets = [11776, 0], sizes = [256, 64], strides = [1, 1]} : vector<16384x64xf32> to vector<256x64xf32>
    %slice3A_70 = vector.extract_strided_slice %transpose3A {offsets = [12032, 0], sizes = [256, 64], strides = [1, 1]} : vector<16384x64xf32> to vector<256x64xf32>
    %concatenate3A_71 = tpu.concatenate %slice3A_69, %slice3A_70 in 1 : vector<256x64xf32>, vector<256x64xf32> -> vector<256x128xf32>
    %slice3A_72 = vector.extract_strided_slice %transpose3A {offsets = [12288, 0], sizes = [256, 64], strides = [1, 1]} : vector<16384x64xf32> to vector<256x64xf32>
    %slice3A_73 = vector.extract_strided_slice %transpose3A {offsets = [12544, 0], sizes = [256, 64], strides = [1, 1]} : vector<16384x64xf32> to vector<256x64xf32>
    %concatenate3A_74 = tpu.concatenate %slice3A_72, %slice3A_73 in 1 : vector<256x64xf32>, vector<256x64xf32> -> vector<256x128xf32>
    %slice3A_75 = vector.extract_strided_slice %transpose3A {offsets = [12800, 0], sizes = [256, 64], strides = [1, 1]} : vector<16384x64xf32> to vector<256x64xf32>
    %slice3A_76 = vector.extract_strided_slice %transpose3A {offsets = [13056, 0], sizes = [256, 64], strides = [1, 1]} : vector<16384x64xf32> to vector<256x64xf32>
    %concatenate3A_77 = tpu.concatenate %slice3A_75, %slice3A_76 in 1 : vector<256x64xf32>, vector<256x64xf32> -> vector<256x128xf32>
    %slice3A_78 = vector.extract_strided_slice %transpose3A {offsets = [13312, 0], sizes = [256, 64], strides = [1, 1]} : vector<16384x64xf32> to vector<256x64xf32>
    %slice3A_79 = vector.extract_strided_slice %transpose3A {offsets = [13568, 0], sizes = [256, 64], strides = [1, 1]} : vector<16384x64xf32> to vector<256x64xf32>
    %concatenate3A_80 = tpu.concatenate %slice3A_78, %slice3A_79 in 1 : vector<256x64xf32>, vector<256x64xf32> -> vector<256x128xf32>
    %slice3A_81 = vector.extract_strided_slice %transpose3A {offsets = [13824, 0], sizes = [256, 64], strides = [1, 1]} : vector<16384x64xf32> to vector<256x64xf32>
    %slice3A_82 = vector.extract_strided_slice %transpose3A {offsets = [14080, 0], sizes = [256, 64], strides = [1, 1]} : vector<16384x64xf32> to vector<256x64xf32>
    %concatenate3A_83 = tpu.concatenate %slice3A_81, %slice3A_82 in 1 : vector<256x64xf32>, vector<256x64xf32> -> vector<256x128xf32>
    %slice3A_84 = vector.extract_strided_slice %transpose3A {offsets = [14336, 0], sizes = [256, 64], strides = [1, 1]} : vector<16384x64xf32> to vector<256x64xf32>
    %slice3A_85 = vector.extract_strided_slice %transpose3A {offsets = [14592, 0], sizes = [256, 64], strides = [1, 1]} : vector<16384x64xf32> to vector<256x64xf32>
    %concatenate3A_86 = tpu.concatenate %slice3A_84, %slice3A_85 in 1 : vector<256x64xf32>, vector<256x64xf32> -> vector<256x128xf32>
    %slice3A_87 = vector.extract_strided_slice %transpose3A {offsets = [14848, 0], sizes = [256, 64], strides = [1, 1]} : vector<16384x64xf32> to vector<256x64xf32>
    %slice3A_88 = vector.extract_strided_slice %transpose3A {offsets = [15104, 0], sizes = [256, 64], strides = [1, 1]} : vector<16384x64xf32> to vector<256x64xf32>
    %concatenate3A_89 = tpu.concatenate %slice3A_87, %slice3A_88 in 1 : vector<256x64xf32>, vector<256x64xf32> -> vector<256x128xf32>
    %slice3A_90 = vector.extract_strided_slice %transpose3A {offsets = [15360, 0], sizes = [256, 64], strides = [1, 1]} : vector<16384x64xf32> to vector<256x64xf32>
    %slice3A_91 = vector.extract_strided_slice %transpose3A {offsets = [15616, 0], sizes = [256, 64], strides = [1, 1]} : vector<16384x64xf32> to vector<256x64xf32>
    %concatenate3A_92 = tpu.concatenate %slice3A_90, %slice3A_91 in 1 : vector<256x64xf32>, vector<256x64xf32> -> vector<256x128xf32>
    %slice3A_93 = vector.extract_strided_slice %transpose3A {offsets = [15872, 0], sizes = [256, 64], strides = [1, 1]} : vector<16384x64xf32> to vector<256x64xf32>
    %slice3A_94 = vector.extract_strided_slice %transpose3A {offsets = [16128, 0], sizes = [256, 64], strides = [1, 1]} : vector<16384x64xf32> to vector<256x64xf32>
    %concatenate3A_95 = tpu.concatenate %slice3A_93, %slice3A_94 in 1 : vector<256x64xf32>, vector<256x64xf32> -> vector<256x128xf32>
    %concatenate3A_96 = tpu.concatenate %concatenate3A, %concatenate3A_5, %concatenate3A_8, %concatenate3A_11, %concatenate3A_14, %concatenate3A_17, %concatenate3A_20, %concatenate3A_23, %concatenate3A_26, %concatenate3A_29, %concatenate3A_32, %concatenate3A_35, %concatenate3A_38, %concatenate3A_41, %concatenate3A_44, %concatenate3A_47, %concatenate3A_50, %concatenate3A_53, %concatenate3A_56, %concatenate3A_59, %concatenate3A_62, %concatenate3A_65, %concatenate3A_68, %concatenate3A_71, %concatenate3A_74, %concatenate3A_77, %concatenate3A_80, %concatenate3A_83, %concatenate3A_86, %concatenate3A_89, %concatenate3A_92, %concatenate3A_95 in 0 : vector<256x128xf32>, vector<256x128xf32>, vector<256x128xf32>, vector<256x128xf32>, vector<256x128xf32>, vector<256x128xf32>, vector<256x128xf32>, vector<256x128xf32>, vector<256x128xf32>, vector<256x128xf32>, vector<256x128xf32>, vector<256x128xf32>, vector<256x128xf32>, vector<256x128xf32>, vector<256x128xf32>, vector<256x128xf32>, vector<256x128xf32>, vector<256x128xf32>, vector<256x128xf32>, vector<256x128xf32>, vector<256x128xf32>, vector<256x128xf32>, vector<256x128xf32>, vector<256x128xf32>, vector<256x128xf32>, vector<256x128xf32>, vector<256x128xf32>, vector<256x128xf32>, vector<256x128xf32>, vector<256x128xf32>, vector<256x128xf32>, vector<256x128xf32> -> vector<8192x128xf32>
    %swap3A = arith.constant 0 : index
    %swap3A_97 = arith.constant 0 : index
    %swap3A_98 = vector.load %arg2[%swap3A, %swap3A_97] : memref<8192x128xf32, #tpu.memory_space<vmem>>, vector<8192x128xf32>
    tpu.vector_store %arg2[%swap3A, %swap3A_97], %concatenate3A_96 {strides = array<i32>} : memref<8192x128xf32, #tpu.memory_space<vmem>>, vector<8192x128xf32>,
    return
  }
  func.func @transform_0(%arg0: i32) -> (i32, i32) {
    %c0_i32 = arith.constant 0 : i32
    %c0_i32_0 = arith.constant 0 : i32
    return %c0_i32, %arg0 : i32, i32
  }
  func.func @transform_1(%arg0: i32) -> (i32, i32) {
    %c0_i32 = arith.constant 0 : i32
    %c0_i32_0 = arith.constant 0 : i32
    return %arg0, %c0_i32 : i32, i32
  }
}

module attributes {stable_mosaic.version = 14 : i64} {
  func.func @_tr_body(%arg0: i32, %arg1: memref<64x16384xf32, #tpu.memory_space<vmem>>, %arg2: memref<8192x128xf32, #tpu.memory_space<vmem>>) attributes {dimension_semantics = [#tpu.dimension_semantics<arbitrary>], iteration_bounds = array<i64: 16>, scalar_prefetch = 0 : i64, scratch_operands = 0 : i64, tpu.core_type = #tpu.core_type<tc>, window_params = [{transform_indices = @transform_0, window_bounds = array<i64: 64, 16384>}, {transform_indices = @transform_1, window_bounds = array<i64: 8192, 128>}]} {
    %get3A = arith.constant 0 : index
    %get3A_0 = arith.constant 0 : index
    %get3A_1 = vector.load %arg1[%get3A, %get3A_0] : memref<64x16384xf32, #tpu.memory_space<vmem>>, vector<64x16384xf32>
    %transpose3A = tpu.transpose %get3A_1, [1, 0] : vector<64x16384xf32> -> vector<16384x64xf32>
    %slice3A = vector.extract_strided_slice %transpose3A {offsets = [0, 0], sizes = [256, 64], strides = [1, 1]} : vector<16384x64xf32> to vector<256x64xf32>
    %slice3A_2 = vector.extract_strided_slice %transpose3A {offsets = [256, 0], sizes = [256, 64], strides = [1, 1]} : vector<16384x64xf32> to vector<256x64xf32>
    %concatenate3A = tpu.concatenate %slice3A, %slice3A_2 in 1 : vector<256x64xf32>, vector<256x64xf32> -> vector<256x128xf32>
    %slice3A_3 = vector.extract_strided_slice %transpose3A {offsets = [512, 0], sizes = [256, 64], strides = [1, 1]} : vector<16384x64xf32> to vector<256x64xf32>
    %slice3A_4 = vector.extract_strided_slice %transpose3A {offsets = [768, 0], sizes = [256, 64], strides = [1, 1]} : vector<16384x64xf32> to vector<256x64xf32>
    %concatenate3A_5 = tpu.concatenate %slice3A_3, %slice3A_4 in 1 : vector<256x64xf32>, vector<256x64xf32> -> vector<256x128xf32>
    %slice3A_6 = vector.extract_strided_slice %transpose3A {offsets = [1024, 0], sizes = [256, 64], strides = [1, 1]} : vector<16384x64xf32> to vector<256x64xf32>
    %slice3A_7 = vector.extract_strided_slice %transpose3A {offsets = [1280, 0], sizes = [256, 64], strides = [1, 1]} : vector<16384x64xf32> to vector<256x64xf32>
    %concatenate3A_8 = tpu.concatenate %slice3A_6, %slice3A_7 in 1 : vector<256x64xf32>, vector<256x64xf32> -> vector<256x128xf32>
    %slice3A_9 = vector.extract_strided_slice %transpose3A {offsets = [1536, 0], sizes = [256, 64], strides = [1, 1]} : vector<16384x64xf32> to vector<256x64xf32>
    %slice3A_10 = vector.extract_strided_slice %transpose3A {offsets = [1792, 0], sizes = [256, 64], strides = [1, 1]} : vector<16384x64xf32> to vector<256x64xf32>
    %concatenate3A_11 = tpu.concatenate %slice3A_9, %slice3A_10 in 1 : vector<256x64xf32>, vector<256x64xf32> -> vector<256x128xf32>
    %slice3A_12 = vector.extract_strided_slice %transpose3A {offsets = [2048, 0], sizes = [256, 64], strides = [1, 1]} : vector<16384x64xf32> to vector<256x64xf32>
    %slice3A_13 = vector.extract_strided_slice %transpose3A {offsets = [2304, 0], sizes = [256, 64], strides = [1, 1]} : vector<16384x64xf32> to vector<256x64xf32>
    %concatenate3A_14 = tpu.concatenate %slice3A_12, %slice3A_13 in 1 : vector<256x64xf32>, vector<256x64xf32> -> vector<256x128xf32>
    %slice3A_15 = vector.extract_strided_slice %transpose3A {offsets = [2560, 0], sizes = [256, 64], strides = [1, 1]} : vector<16384x64xf32> to vector<256x64xf32>
    %slice3A_16 = vector.extract_strided_slice %transpose3A {offsets = [2816, 0], sizes = [256, 64], strides = [1, 1]} : vector<16384x64xf32> to vector<256x64xf32>
    %concatenate3A_17 = tpu.concatenate %slice3A_15, %slice3A_16 in 1 : vector<256x64xf32>, vector<256x64xf32> -> vector<256x128xf32>
    %slice3A_18 = vector.extract_strided_slice %transpose3A {offsets = [3072, 0], sizes = [256, 64], strides = [1, 1]} : vector<16384x64xf32> to vector<256x64xf32>
    %slice3A_19 = vector.extract_strided_slice %transpose3A {offsets = [3328, 0], sizes = [256, 64], strides = [1, 1]} : vector<16384x64xf32> to vector<256x64xf32>
    %concatenate3A_20 = tpu.concatenate %slice3A_18, %slice3A_19 in 1 : vector<256x64xf32>, vector<256x64xf32> -> vector<256x128xf32>
    %slice3A_21 = vector.extract_strided_slice %transpose3A {offsets = [3584, 0], sizes = [256, 64], strides = [1, 1]} : vector<16384x64xf32> to vector<256x64xf32>
    %slice3A_22 = vector.extract_strided_slice %transpose3A {offsets = [3840, 0], sizes = [256, 64], strides = [1, 1]} : vector<16384x64xf32> to vector<256x64xf32>
    %concatenate3A_23 = tpu.concatenate %slice3A_21, %slice3A_22 in 1 : vector<256x64xf32>, vector<256x64xf32> -> vector<256x128xf32>
    %slice3A_24 = vector.extract_strided_slice %transpose3A {offsets = [4096, 0], sizes = [256, 64], strides = [1, 1]} : vector<16384x64xf32> to vector<256x64xf32>
    %slice3A_25 = vector.extract_strided_slice %transpose3A {offsets = [4352, 0], sizes = [256, 64], strides = [1, 1]} : vector<16384x64xf32> to vector<256x64xf32>
    %concatenate3A_26 = tpu.concatenate %slice3A_24, %slice3A_25 in 1 : vector<256x64xf32>, vector<256x64xf32> -> vector<256x128xf32>
    %slice3A_27 = vector.extract_strided_slice %transpose3A {offsets = [4608, 0], sizes = [256, 64], strides = [1, 1]} : vector<16384x64xf32> to vector<256x64xf32>
    %slice3A_28 = vector.extract_strided_slice %transpose3A {offsets = [4864, 0], sizes = [256, 64], strides = [1, 1]} : vector<16384x64xf32> to vector<256x64xf32>
    %concatenate3A_29 = tpu.concatenate %slice3A_27, %slice3A_28 in 1 : vector<256x64xf32>, vector<256x64xf32> -> vector<256x128xf32>
    %slice3A_30 = vector.extract_strided_slice %transpose3A {offsets = [5120, 0], sizes = [256, 64], strides = [1, 1]} : vector<16384x64xf32> to vector<256x64xf32>
    %slice3A_31 = vector.extract_strided_slice %transpose3A {offsets = [5376, 0], sizes = [256, 64], strides = [1, 1]} : vector<16384x64xf32> to vector<256x64xf32>
    %concatenate3A_32 = tpu.concatenate %slice3A_30, %slice3A_31 in 1 : vector<256x64xf32>, vector<256x64xf32> -> vector<256x128xf32>
    %slice3A_33 = vector.extract_strided_slice %transpose3A {offsets = [5632, 0], sizes = [256, 64], strides = [1, 1]} : vector<16384x64xf32> to vector<256x64xf32>
    %slice3A_34 = vector.extract_strided_slice %transpose3A {offsets = [5888, 0], sizes = [256, 64], strides = [1, 1]} : vector<16384x64xf32> to vector<256x64xf32>
    %concatenate3A_35 = tpu.concatenate %slice3A_33, %slice3A_34 in 1 : vector<256x64xf32>, vector<256x64xf32> -> vector<256x128xf32>
    %slice3A_36 = vector.extract_strided_slice %transpose3A {offsets = [6144, 0], sizes = [256, 64], strides = [1, 1]} : vector<16384x64xf32> to vector<256x64xf32>
    %slice3A_37 = vector.extract_strided_slice %transpose3A {offsets = [6400, 0], sizes = [256, 64], strides = [1, 1]} : vector<16384x64xf32> to vector<256x64xf32>
    %concatenate3A_38 = tpu.concatenate %slice3A_36, %slice3A_37 in 1 : vector<256x64xf32>, vector<256x64xf32> -> vector<256x128xf32>
    %slice3A_39 = vector.extract_strided_slice %transpose3A {offsets = [6656, 0], sizes = [256, 64], strides = [1, 1]} : vector<16384x64xf32> to vector<256x64xf32>
    %slice3A_40 = vector.extract_strided_slice %transpose3A {offsets = [6912, 0], sizes = [256, 64], strides = [1, 1]} : vector<16384x64xf32> to vector<256x64xf32>
    %concatenate3A_41 = tpu.concatenate %slice3A_39, %slice3A_40 in 1 : vector<256x64xf32>, vector<256x64xf32> -> vector<256x128xf32>
    %slice3A_42 = vector.extract_strided_slice %transpose3A {offsets = [7168, 0], sizes = [256, 64], strides = [1, 1]} : vector<16384x64xf32> to vector<256x64xf32>
    %slice3A_43 = vector.extract_strided_slice %transpose3A {offsets = [7424, 0], sizes = [256, 64], strides = [1, 1]} : vector<16384x64xf32> to vector<256x64xf32>
    %concatenate3A_44 = tpu.concatenate %slice3A_42, %slice3A_43 in 1 : vector<256x64xf32>, vector<256x64xf32> -> vector<256x128xf32>
    %slice3A_45 = vector.extract_strided_slice %transpose3A {offsets = [7680, 0], sizes = [256, 64], strides = [1, 1]} : vector<16384x64xf32> to vector<256x64xf32>
    %slice3A_46 = vector.extract_strided_slice %transpose3A {offsets = [7936, 0], sizes = [256, 64], strides = [1, 1]} : vector<16384x64xf32> to vector<256x64xf32>
    %concatenate3A_47 = tpu.concatenate %slice3A_45, %slice3A_46 in 1 : vector<256x64xf32>, vector<256x64xf32> -> vector<256x128xf32>
    %slice3A_48 = vector.extract_strided_slice %transpose3A {offsets = [8192, 0], sizes = [256, 64], strides = [1, 1]} : vector<16384x64xf32> to vector<256x64xf32>
    %slice3A_49 = vector.extract_strided_slice %transpose3A {offsets = [8448, 0], sizes = [256, 64], strides = [1, 1]} : vector<16384x64xf32> to vector<256x64xf32>
    %concatenate3A_50 = tpu.concatenate %slice3A_48, %slice3A_49 in 1 : vector<256x64xf32>, vector<256x64xf32> -> vector<256x128xf32>
    %slice3A_51 = vector.extract_strided_slice %transpose3A {offsets = [8704, 0], sizes = [256, 64], strides = [1, 1]} : vector<16384x64xf32> to vector<256x64xf32>
    %slice3A_52 = vector.extract_strided_slice %transpose3A {offsets = [8960, 0], sizes = [256, 64], strides = [1, 1]} : vector<16384x64xf32> to vector<256x64xf32>
    %concatenate3A_53 = tpu.concatenate %slice3A_51, %slice3A_52 in 1 : vector<256x64xf32>, vector<256x64xf32> -> vector<256x128xf32>
    %slice3A_54 = vector.extract_strided_slice %transpose3A {offsets = [9216, 0], sizes = [256, 64], strides = [1, 1]} : vector<16384x64xf32> to vector<256x64xf32>
    %slice3A_55 = vector.extract_strided_slice %transpose3A {offsets = [9472, 0], sizes = [256, 64], strides = [1, 1]} : vector<16384x64xf32> to vector<256x64xf32>
    %concatenate3A_56 = tpu.concatenate %slice3A_54, %slice3A_55 in 1 : vector<256x64xf32>, vector<256x64xf32> -> vector<256x128xf32>
    %slice3A_57 = vector.extract_strided_slice %transpose3A {offsets = [9728, 0], sizes = [256, 64], strides = [1, 1]} : vector<16384x64xf32> to vector<256x64xf32>
    %slice3A_58 = vector.extract_strided_slice %transpose3A {offsets = [9984, 0], sizes = [256, 64], strides = [1, 1]} : vector<16384x64xf32> to vector<256x64xf32>
    %concatenate3A_59 = tpu.concatenate %slice3A_57, %slice3A_58 in 1 : vector<256x64xf32>, vector<256x64xf32> -> vector<256x128xf32>
    %slice3A_60 = vector.extract_strided_slice %transpose3A {offsets = [10240, 0], sizes = [256, 64], strides = [1, 1]} : vector<16384x64xf32> to vector<256x64xf32>
    %slice3A_61 = vector.extract_strided_slice %transpose3A {offsets = [10496, 0], sizes = [256, 64], strides = [1, 1]} : vector<16384x64xf32> to vector<256x64xf32>
    %concatenate3A_62 = tpu.concatenate %slice3A_60, %slice3A_61 in 1 : vector<256x64xf32>, vector<256x64xf32> -> vector<256x128xf32>
    %slice3A_63 = vector.extract_strided_slice %transpose3A {offsets = [10752, 0], sizes = [256, 64], strides = [1, 1]} : vector<16384x64xf32> to vector<256x64xf32>
    %slice3A_64 = vector.extract_strided_slice %transpose3A {offsets = [11008, 0], sizes = [256, 64], strides = [1, 1]} : vector<16384x64xf32> to vector<256x64xf32>
    %concatenate3A_65 = tpu.concatenate %slice3A_63, %slice3A_64 in 1 : vector<256x64xf32>, vector<256x64xf32> -> vector<256x128xf32>
    %slice3A_66 = vector.extract_strided_slice %transpose3A {offsets = [11264, 0], sizes = [256, 64], strides = [1, 1]} : vector<16384x64xf32> to vector<256x64xf32>
    %slice3A_67 = vector.extract_strided_slice %transpose3A {offsets = [11520, 0], sizes = [256, 64], strides = [1, 1]} : vector<16384x64xf32> to vector<256x64xf32>
    %concatenate3A_68 = tpu.concatenate %slice3A_66, %slice3A_67 in 1 : vector<256x64xf32>, vector<256x64xf32> -> vector<256x128xf32>
    %slice3A_69 = vector.extract_strided_slice %transpose3A {offsets = [11776, 0], sizes = [256, 64], strides = [1, 1]} : vector<16384x64xf32> to vector<256x64xf32>
    %slice3A_70 = vector.extract_strided_slice %transpose3A {offsets = [12032, 0], sizes = [256, 64], strides = [1, 1]} : vector<16384x64xf32> to vector<256x64xf32>
    %concatenate3A_71 = tpu.concatenate %slice3A_69, %slice3A_70 in 1 : vector<256x64xf32>, vector<256x64xf32> -> vector<256x128xf32>
    %slice3A_72 = vector.extract_strided_slice %transpose3A {offsets = [12288, 0], sizes = [256, 64], strides = [1, 1]} : vector<16384x64xf32> to vector<256x64xf32>
    %slice3A_73 = vector.extract_strided_slice %transpose3A {offsets = [12544, 0], sizes = [256, 64], strides = [1, 1]} : vector<16384x64xf32> to vector<256x64xf32>
    %concatenate3A_74 = tpu.concatenate %slice3A_72, %slice3A_73 in 1 : vector<256x64xf32>, vector<256x64xf32> -> vector<256x128xf32>
    %slice3A_75 = vector.extract_strided_slice %transpose3A {offsets = [12800, 0], sizes = [256, 64], strides = [1, 1]} : vector<16384x64xf32> to vector<256x64xf32>
    %slice3A_76 = vector.extract_strided_slice %transpose3A {offsets = [13056, 0], sizes = [256, 64], strides = [1, 1]} : vector<16384x64xf32> to vector<256x64xf32>
    %concatenate3A_77 = tpu.concatenate %slice3A_75, %slice3A_76 in 1 : vector<256x64xf32>, vector<256x64xf32> -> vector<256x128xf32>
    %slice3A_78 = vector.extract_strided_slice %transpose3A {offsets = [13312, 0], sizes = [256, 64], strides = [1, 1]} : vector<16384x64xf32> to vector<256x64xf32>
    %slice3A_79 = vector.extract_strided_slice %transpose3A {offsets = [13568, 0], sizes = [256, 64], strides = [1, 1]} : vector<16384x64xf32> to vector<256x64xf32>
    %concatenate3A_80 = tpu.concatenate %slice3A_78, %slice3A_79 in 1 : vector<256x64xf32>, vector<256x64xf32> -> vector<256x128xf32>
    %slice3A_81 = vector.extract_strided_slice %transpose3A {offsets = [13824, 0], sizes = [256, 64], strides = [1, 1]} : vector<16384x64xf32> to vector<256x64xf32>
    %slice3A_82 = vector.extract_strided_slice %transpose3A {offsets = [14080, 0], sizes = [256, 64], strides = [1, 1]} : vector<16384x64xf32> to vector<256x64xf32>
    %concatenate3A_83 = tpu.concatenate %slice3A_81, %slice3A_82 in 1 : vector<256x64xf32>, vector<256x64xf32> -> vector<256x128xf32>
    %slice3A_84 = vector.extract_strided_slice %transpose3A {offsets = [14336, 0], sizes = [256, 64], strides = [1, 1]} : vector<16384x64xf32> to vector<256x64xf32>
    %slice3A_85 = vector.extract_strided_slice %transpose3A {offsets = [14592, 0], sizes = [256, 64], strides = [1, 1]} : vector<16384x64xf32> to vector<256x64xf32>
    %concatenate3A_86 = tpu.concatenate %slice3A_84, %slice3A_85 in 1 : vector<256x64xf32>, vector<256x64xf32> -> vector<256x128xf32>
    %slice3A_87 = vector.extract_strided_slice %transpose3A {offsets = [14848, 0], sizes = [256, 64], strides = [1, 1]} : vector<16384x64xf32> to vector<256x64xf32>
    %slice3A_88 = vector.extract_strided_slice %transpose3A {offsets = [15104, 0], sizes = [256, 64], strides = [1, 1]} : vector<16384x64xf32> to vector<256x64xf32>
    %concatenate3A_89 = tpu.concatenate %slice3A_87, %slice3A_88 in 1 : vector<256x64xf32>, vector<256x64xf32> -> vector<256x128xf32>
    %slice3A_90 = vector.extract_strided_slice %transpose3A {offsets = [15360, 0], sizes = [256, 64], strides = [1, 1]} : vector<16384x64xf32> to vector<256x64xf32>
    %slice3A_91 = vector.extract_strided_slice %transpose3A {offsets = [15616, 0], sizes = [256, 64], strides = [1, 1]} : vector<16384x64xf32> to vector<256x64xf32>
    %concatenate3A_92 = tpu.concatenate %slice3A_90, %slice3A_91 in 1 : vector<256x64xf32>, vector<256x64xf32> -> vector<256x128xf32>
    %slice3A_93 = vector.extract_strided_slice %transpose3A {offsets = [15872, 0], sizes = [256, 64], strides = [1, 1]} : vector<16384x64xf32> to vector<256x64xf32>
    %slice3A_94 = vector.extract_strided_slice %transpose3A {offsets = [16128, 0], sizes = [256, 64], strides = [1, 1]} : vector<16384x64xf32> to vector<256x64xf32>
    %concatenate3A_95 = tpu.concatenate %slice3A_93, %slice3A_94 in 1 : vector<256x64xf32>, vector<256x64xf32> -> vector<256x128xf32>
    %concatenate3A_96 = tpu.concatenate %concatenate3A, %concatenate3A_5, %concatenate3A_8, %concatenate3A_11, %concatenate3A_14, %concatenate3A_17, %concatenate3A_20, %concatenate3A_23, %concatenate3A_26, %concatenate3A_29, %concatenate3A_32, %concatenate3A_35, %concatenate3A_38, %concatenate3A_41, %concatenate3A_44, %concatenate3A_47, %concatenate3A_50, %concatenate3A_53, %concatenate3A_56, %concatenate3A_59, %concatenate3A_62, %concatenate3A_65, %concatenate3A_68, %concatenate3A_71, %concatenate3A_74, %concatenate3A_77, %concatenate3A_80, %concatenate3A_83, %concatenate3A_86, %concatenate3A_89, %concatenate3A_92, %concatenate3A_95 in 0 : vector<256x128xf32>, vector<256x128xf32>, vector<256x128xf32>, vector<256x128xf32>, vector<256x128xf32>, vector<256x128xf32>, vector<256x128xf32>, vector<256x128xf32>, vector<256x128xf32>, vector<256x128xf32>, vector<256x128xf32>, vector<256x128xf32>, vector<256x128xf32>, vector<256x128xf32>, vector<256x128xf32>, vector<256x128xf32>, vector<256x128xf32>, vector<256x128xf32>, vector<256x128xf32>, vector<256x128xf32>, vector<256x128xf32>, vector<256x128xf32>, vector<256x128xf32>, vector<256x128xf32>, vector<256x128xf32>, vector<256x128xf32>, vector<256x128xf32>, vector<256x128xf32>, vector<256x128xf32>, vector<256x128xf32>, vector<256x128xf32>, vector<256x128xf32> -> vector<8192x128xf32>
    %swap3A = arith.constant 0 : index
    %swap3A_97 = arith.constant 0 : index
    %swap3A_98 = vector.load %arg2[%swap3A, %swap3A_97] : memref<8192x128xf32, #tpu.memory_space<vmem>>, vector<8192x128xf32>
    tpu.vector_store %arg2[%swap3A, %swap3A_97], %concatenate3A_96 {strides = array<i32>} : memref<8192x128xf32, #tpu.memory_space<vmem>>, vector<8192x128xf32>,
    return
  }
  func.func @transform_0(%arg0: i32) -> (i32, i32) {
    %c0_i32 = arith.constant 0 : i32
    %c0_i32_0 = arith.constant 0 : i32
    return %c0_i32, %arg0 : i32, i32
  }
  func.func @transform_1(%arg0: i32) -> (i32, i32) {
    %c0_i32 = arith.constant 0 : i32
    %c0_i32_0 = arith.constant 0 : i32
    return %arg0, %c0_i32 : i32, i32
  }
}

module attributes {stable_mosaic.version = 14 : i64} {
  func.func @_dense_body(%arg0: i32, %arg1: memref<13x64xf32, #tpu.memory_space<vmem>>, %arg2: memref<13x512xf32, #tpu.memory_space<vmem>>, %arg3: memref<13x64x512xf32, #tpu.memory_space<vmem>>) attributes {dimension_semantics = [#tpu.dimension_semantics<arbitrary>], iteration_bounds = array<i64: 8>, scalar_prefetch = 0 : i64, scratch_operands = 0 : i64, tpu.core_type = #tpu.core_type<tc>, window_params = [{pipeline_mode = #tpu.pipeline_mode<synchronous>, transform_indices = @transform_0, window_bounds = array<i64: 13, 64>}, {transform_indices = @transform_1, window_bounds = array<i64: 13, 512>}, {transform_indices = @transform_2, window_bounds = array<i64: 13, 64, 512>}]} {
    %get3A = arith.constant 0 : index
    %get3A_0 = arith.constant 0 : index
    %get3A_1 = vector.load %arg1[%get3A, %get3A_0] : memref<13x64xf32, #tpu.memory_space<vmem>>, vector<13x64xf32>
    %get3A_2 = arith.constant 0 : index
    %get3A_3 = arith.constant 0 : index
    %get3A_4 = vector.load %arg2[%get3A_2, %get3A_3] : memref<13x512xf32, #tpu.memory_space<vmem>>, vector<13x512xf32>
    %broadcast_in_dim3A = vector.shape_cast %get3A_1 : vector<13x64xf32> to vector<13x64x1xf32>
    %broadcast_in_dim3A_5 = vector.shape_cast %get3A_4 : vector<13x512xf32> to vector<13x1x512xf32>
    %mul3A = vector.broadcast %broadcast_in_dim3A : vector<13x64x1xf32> to vector<13x64x512xf32>
    %mul3A_6 = vector.broadcast %broadcast_in_dim3A_5 : vector<13x1x512xf32> to vector<13x64x512xf32>
    %mul3A_7 = arith.mulf %mul3A, %mul3A_6 : vector<13x64x512xf32>
    %swap3A = arith.constant 0 : index
    %swap3A_8 = arith.constant 0 : index
    %swap3A_9 = arith.constant 0 : index
    %swap3A_10 = vector.load %arg3[%swap3A, %swap3A_8, %swap3A_9] : memref<13x64x512xf32, #tpu.memory_space<vmem>>, vector<13x64x512xf32>
    tpu.vector_store %arg3[%swap3A, %swap3A_8, %swap3A_9], %mul3A_7 {strides = array<i32>} : memref<13x64x512xf32, #tpu.memory_space<vmem>>, vector<13x64x512xf32>,
    return
  }
  func.func @transform_0(%arg0: i32) -> (i32, i32) {
    %c0_i32 = arith.constant 0 : i32
    %c0_i32_0 = arith.constant 0 : i32
    %c0_i32_1 = arith.constant 0 : i32
    return %c0_i32, %c0_i32_0 : i32, i32
  }
  func.func @transform_1(%arg0: i32) -> (i32, i32) {
    %c0_i32 = arith.constant 0 : i32
    %c0_i32_0 = arith.constant 0 : i32
    return %c0_i32, %arg0 : i32, i32
  }
  func.func @transform_2(%arg0: i32) -> (i32, i32, i32) {
    %c0_i32 = arith.constant 0 : i32
    %c0_i32_0 = arith.constant 0 : i32
    %c0_i32_1 = arith.constant 0 : i32
    return %c0_i32, %c0_i32_0, %arg0 : i32, i32, i32
  }
}

</mosaic_0001>

<sc_bundles>
// kernel: kernel.10.cloned.1.call-start
scs
__scs_entry_jumppad:
0x0: {  	(pc) =	sbr.rel $0x88, $3  }
0x1: {  	(tag) =	ssettag $0x0;
	lr =	simm.s32 $0x1  }
0x2: {  	[smem:$0x3F9B] =	sst lr;
	_ =	strace $0xD0000000  }
0x3: {  	_ = 	snop  }
0x4: {  	_ = 	snop  }
0x5: {  	_ = 	snop  }
0x6: {  	_ = 	snop  }
0x7: {  	_ = 	snop  }
__scs_overlays_trampoline_lowered:
0x8: {  	[smem:$0x3FAA] =	sst s0  }
0x9: {  	[smem:$0x3FAB] =	sst s1  }
0xa: {  	[smem:$0x3FAC] =	sst s2  }
0xb: {  	[smem:$0x3FAD] =	sst s3  }
0xc: {  	[smem:$0x3FAE] =	sst s4  }
0xd: {  	[smem:$0x3FAF] =	sst s5  }
0xe: {  	[smem:$0x3FB0] =	sst s6  }
0xf: {  	[smem:$0x3FB1] =	sst s7  }
0x10: {  	[smem:$0x3FB2] =	sst s8  }
0x11: {  	[smem:$0x3FB3] =	sst s9;
	s0 =	simm.s32 @!p0 $0x0  }
0x12: {  	s1 =	sld [smem:$0x3F99];
	s0 =	simm.s32 @p0 $0x1  }
0x13: {  	[smem:$0x3FB4] =	sst s0;
	s0 =	simm.s32 @!p1 $0x0  }
0x14: {  	s2 =	sld [smem:$0x3F98];
	s0 =	simm.s32 @p1 $0x1  }
0x15: {  	[smem:$0x3FB5] =	sst s0;
	s0 =	simm.s32 @!p2 $0x0  }
0x16: {  	s3 =	sld [smem:$0x3FDB];
	s0 =	simm.s32 @p2 $0x1  }
0x17: {  	s4 =	simm.s32 $0x1BF5;
	[smem:$0x3FB7] =	sst s0  }
0x18: {  	s0 =	sld [smem:$0x3F9A];
	_ =	swait.ge [sflag:s4], $0x0  }
0x19: {  	s7 =	sld [smem:$0x3F9B]  }
0x1a: {  	s8 =	sadd.s32 $0xFFFFE003, lr  }
0x1b: {  	s9 =	sadd.s32 $0xFFFFFEF7, lr;
	s5 =	simm.s32 $0xFFFFFFFF;
	p2 =	slt.u32 s8, $0xFFFFF086  }
0x1c: {  	p1 =	slt.u32 s9, $0xF7A;
	s5 =	simm.s32 @!p2 $0x0  }
0x1d: {  	s5 =	simm.s32 @p1 $0x1;
	p0 =	seq.s32 s7, s2  }
0x1e: {  	s7 =	smul.u32 @!p0 $0xF7A, s2;
	p2 =	seq.s32 @!p0 s5, $0x0  }
0x1f: {  	s9 =	smul.u32 $0xF7A, s1;
	s8 =	simm.s32 @!p0 $0x1BF5;
	p2 =	por !p2, p0  }
0x20: {  	[sflag:s8] =	ssyncset.s32 @!p0 $0xFFFFF086;
	s6 =	sadd.s32 @!p0 s3, s7;
	s7 =	simm.s32 @!p0 $0x108  }
0x21: {  	s3 =	sadd.s32 s3, s9;
	s6 =	sadd.s32 @!p0 $0x88, s6;
	s7 =	simm.s32 @p2 $0x1082  }
0x22: {  	[simem:s7], [sflag:s8] =	dma.local @!p0 [hbm:s6], $0xF7A  }
0x23: {  	s9 =	sor.u32 $0xD0000000, s2;
	s6 =	simm.s32 $0x108;
	_ =	swait.ge @!p0 [sflag:s8], $0x0  }
0x24: {  	s3 =	sadd.s32 $0x88, s3;
	s6 =	simm.s32 @!p1 $0x1082;
	[sflag:s4] =	ssyncset.s32 $0xFFFFF086  }
0x25: {  	[simem:s6], [sflag:s4] =	dma.local [hbm:s3], $0xF7A  }
0x26: {  	[smem:$0x3F9B] =	sst s1;
	(tag) =	ssettag s2;
	_ =	strace s9  }
0x27: {  	s1 =	sld [smem:$0x3FAB]  }
0x28: {  	s2 =	sld [smem:$0x3FAC]  }
0x29: {  	s4 =	sld [smem:$0x3FAE]  }
0x2a: {  	p0 =	seq.s32 s5, $0x0;
	s5 =	sld [smem:$0x3FAF]  }
0x2b: {  	s6 =	sld [smem:$0x3FB0]  }
0x2c: {  	s7 =	sld [smem:$0x3FB1]  }
0x2d: {  	s3 =	simm.s32 $0x108;
	s8 =	sld [smem:$0x3FB2]  }
0x2e: {  	s3 =	simm.s32 @!p0 $0x1082;
	s9 =	sld [smem:$0x3FB3]  }
0x2f: {  	lr =	sadd.s32 s0, s3;
	s0 =	sld [smem:$0x3FAA]  }
0x30: {  	s3 =	sld [smem:$0x3FAD]  }
0x31: {  	[smem:$0x3FB6] =	sst s10  }
0x32: {  	s10 =	sld [smem:$0x3FB4];
	_ =	sdelay $0x3  }
0x33: {  	p0 =	seq.s32 s10, $0x1;
	s10 =	sld [smem:$0x3FB6];
	_ =	sdelay $0x3  }
0x34: {  	[smem:$0x3FB6] =	sst s10  }
0x35: {  	s10 =	sld [smem:$0x3FB5];
	_ =	sdelay $0x3  }
0x36: {  	p1 =	seq.s32 s10, $0x1;
	s10 =	sld [smem:$0x3FB6];
	_ =	sdelay $0x3  }
0x37: {  	[smem:$0x3FB6] =	sst s10  }
0x38: {  	s10 =	sld [smem:$0x3FB7]  }
0x39: {  	_ = 	snop;
	(pc) =	sbr.ind lr, $3  }
0x3a: {  	_ = 	snop  }
0x3b: {  	_ = 	snop  }
0x3c: {  	p2 =	seq.s32 s10, $0x1;
	s10 =	sld [smem:$0x3FB6]  }
0x3d: {  	_ =	shalt  }
0x3e: {  	_ =	shalt  }
0x3f: {  	_ =	shalt  }
0x40: {  	_ =	shalt  }
0x41: {  	_ =	shalt  }
0x42: {  	_ =	shalt  }
0x43: {  	_ =	shalt  }
0x44: {  	_ =	shalt  }
0x45: {  	_ =	shalt  }
0x46: {  	_ =	shalt  }
0x47: {  	_ =	shalt  }
0x48: {  	_ =	shalt  }
0x49: {  	_ =	shalt  }
0x4a: {  	_ =	shalt  }
0x4b: {  	_ =	shalt  }
0x4c: {  	_ =	shalt  }
0x4d: {  	_ =	shalt  }
0x4e: {  	_ =	shalt  }
0x4f: {  	_ =	shalt  }
0x50: {  	_ =	shalt  }
0x51: {  	_ =	shalt  }
0x52: {  	_ =	shalt  }
0x53: {  	_ =	shalt  }
0x54: {  	_ =	shalt  }
0x55: {  	_ =	shalt  }
0x56: {  	_ =	shalt  }
0x57: {  	_ =	shalt  }
0x58: {  	_ =	shalt  }
0x59: {  	_ =	shalt  }
0x5a: {  	_ =	shalt  }
0x5b: {  	_ =	shalt  }
0x5c: {  	_ =	shalt  }
0x5d: {  	_ =	shalt  }
0x5e: {  	_ =	shalt  }
0x5f: {  	_ =	shalt  }
0x60: {  	_ =	shalt  }
0x61: {  	_ =	shalt  }
0x62: {  	_ =	shalt  }
0x63: {  	_ =	shalt  }
0x64: {  	_ =	shalt  }
0x65: {  	_ =	shalt  }
0x66: {  	_ =	shalt  }
0x67: {  	_ =	shalt  }
0x68: {  	_ =	shalt  }
0x69: {  	_ =	shalt  }
0x6a: {  	_ =	shalt  }
0x6b: {  	_ =	shalt  }
0x6c: {  	_ =	shalt  }
0x6d: {  	_ =	shalt  }
0x6e: {  	_ =	shalt  }
0x6f: {  	_ =	shalt  }
0x70: {  	_ =	shalt  }
0x71: {  	_ =	shalt  }
0x72: {  	_ =	shalt  }
0x73: {  	_ =	shalt  }
0x74: {  	_ =	shalt  }
0x75: {  	_ =	shalt  }
0x76: {  	_ =	shalt  }
0x77: {  	_ =	shalt  }
0x78: {  	_ =	shalt  }
0x79: {  	_ =	shalt  }
0x7a: {  	_ =	shalt  }
0x7b: {  	_ =	shalt  }
0x7c: {  	_ =	shalt  }
0x7d: {  	_ =	shalt  }
0x7e: {  	_ =	shalt  }
0x7f: {  	_ =	shalt  }
0x80: {  	_ =	shalt  }
0x81: {  	_ =	shalt  }
0x82: {  	_ =	shalt  }
0x83: {  	_ =	shalt  }
0x84: {  	_ =	shalt  }
0x85: {  	_ =	shalt  }
0x86: {  	_ =	shalt  }
0x87: {  	_ =	shalt  }
.Lfunc_end0:
.L_simem_size_0:
called_computation.1_lowered:
.L_overlay_start_0:
0x88: {  	s2 =	sld [smem:$0x3FD9]  }
0x89: {  	s3 =	sld [smem:$0x3FFE];
	_ =	sdelay $0x1  }
0x8a: {  	s1 =	srdreg.scid  }
0x8b: {  	s0 =	sand.u32 $0x1, s1  }
0x8c: {  	s14 =	sshll.u32 s0, $0xA;
	s2 =	sadd.s32 s3, s2  }
0x8d: {  	s2 =	sadd.s32 s2, s14  }
0x8e: {  	[smem:$0x3FC2] =	sst s2  }
0x8f: {  	_ = 	snop  }
0x90: {  	s2 =	sld [smem:$0x3FD0];
	_ =	sdelay $0x2  }
0x91: {  	s15 =	simm.s32 $0xA;
	s4 =	simm.s32 $0x10  }
0x92: {  	[smem:s4], [sflag:s15] =	dma.local [hbm:s2], $0x1  }
0x93: {  	_ =	swait.eq [sflag:s15], $0x1  }
0x94: {  	[sflag:s15] =	ssyncset.done $0x0  }
0x95: {  	[sflag:s15] =	ssyncadd.s32 $0xFFFFFFFF  }
0x96: {  	s16 =	sld [smem:$0x10];
	(tm) =	ssettm $0x1  }
0x97: {  	s17 =	sld [smem:$0x3FFB];
	_ =	sdelay $0x3  }
0x98: {  	_ =	strace s17  }
0x99: {  	s3 =	sld [smem:$0x3FFC];
	_ =	sdelay $0x3  }
0x9a: {  	_ =	strace s3  }
0x9b: {  	s3 =	sld [smem:$0x3FFD];
	_ =	sdelay $0x3  }
0x9c: {  	_ =	strace s3  }
0x9d: {  	_ =	strace $0x8FFFFFFF  }
0x9e: {  	s18 =	sld [smem:$0x3FDB];
	_ =	sdelay $0x1  }
0x9f: {  	s19 =	simm.s32 $_scs_section_size  }
0xa0: {  	s5 =	simm.s32 $_size__tile_overlayer_lowered;
	s6 =	simm.s32 $_tile_overlayer_lowered  }
0xa1: {  	s22 =	simm.s32 $0x1BFF;
	s21 =	sshll.u32 s6, $0x1;
	s3 =	sadd.s32 s19, s18  }
0xa2: {  	s7 =	simm.s32 $0x0;
	s20 =	sshll.u32 s5, $0x1;
	s5 =	sadd.s32 s21, s3  }
0xa3: {  	[timem:s7], [sflag:s22] =	dma.local [hbm:s5], s20  }
0xa4: {  	_ =	swait.ge [sflag:s22], s20  }
0xa5: {  	s4 =	ssub.s32 $0x0, s20;
	[sflag:s22] =	ssyncset.done $0x0  }
0xa6: {  	[sflag:s22] =	ssyncadd.s32 s4;
	_ =	sdelay $0x1  }
0xa7: {  	s23 =	simm.s32 $0x1B8B  }
0xa8: {  	_ =	swait.ge [sflag:s23], $0x1  }
0xa9: {  	[sflag:s23] =	ssyncset.done $0x0  }
0xaa: {  	s25 =	simm.s32 $0x1B8E;
	s24 =	sld [smem:$0x3FFE];
	[sflag:s23] =	ssyncadd.s32 $0xFFFFFFFF  }
0xab: {  	s26 =	simm.s32 $execute0_lowered;
	[smem:$0x3FD2] =	sst s25  }
0xac: {  	s5 =	sshll.u32 s26, $0x1;
	_ =	strace $0x80000049;
	[dreg:$0x1] =	wrdreg $0xFFFFFFFF  }
0xad: {  	s28 =	simm.s32 $_size_execute0_lowered;
	s3 =	sadd.s32 s3, s5;
	[dreg:$0x0] =	wrdreg $0x0  }
0xae: {  	s5 =	sshll.u32 s28, $0x1;
	[dreg:$0x2] =	wrdreg s3  }
0xaf: {  	[dreg:$0x3] =	wrdreg s5  }
0xb0: {  	[dreg:$0x4] =	wrdreg $0xC0  }
0xb1: {  	_ =	task [dreg:s7], $0x5FFFF  }
0xb2: {  	[dreg:$0x1] =	wrdreg $0xFFFFFFFF  }
0xb3: {  	[dreg:$0x0] =	wrdreg $0x60  }
0xb4: {  	[dreg:$0x2] =	wrdreg s24  }
0xb5: {  	[dreg:$0x3] =	wrdreg s16  }
0xb6: {  	[dreg:$0x4] =	wrdreg $0x9  }
0xb7: {  	_ =	task.clear_ibuf [dreg:s7], $0x5FFFF;
	_ =	strace $0x90000049  }
0xb8: {  	s29 =	simm.s32 $0x9;
	_ =	strace $0x8000004B  }
0xb9: {  	_ =	swait.ge [sflag:s29], $0x1  }
0xba: {  	[sflag:s29] =	ssyncadd.s32 $0xFFFFFFFF  }
0xbb: {  	_ =	strace $0x9000004B  }
0xbc: {  	_ =	sfence  }
0xbd: {  	s30 =	sld [smem:$0x0];
	_ =	sdelay $0x2  }
0xbe: {  	s31 =	sshll.u32 s1, $0xD;
	s1 =	sshrl.u32 s1, $0x2  }
0xbf: {  	s3 =	sand.u32 $0x4000, s31;
	s1 =	sadd.s32 s1, s30  }
0xc0: {  	s0 =	sor.u32 s3, s0;
	s1 =	sshll.u32 s1, $0x11  }
0xc1: {  	s0 =	sor.u32 s1, s0  }
0xc2: {  	s0 =	sadd.s32 $0x8F2B, s0  }
0xc3: {  	[sflag:s0] =	ssyncadd.remote.s32 $0x1  }
0xc4: {  	_ =	sfence.sel $0xFFFF  }
0xc5: {  	[dreg:$0x0] =	wrdreg $0xFFFFFFFF;
	(pc) =	sbr.abs _section_cstart, $3  }
0xc6: {  	[dreg:$0x1] =	wrdreg $0xFFFFFFFF  }
0xc7: {  	_ =	task.clear_ibuf [dreg:s7], $0x2FFFF;
	_ =	strace $0x9FFFFFFF  }
0xc8: {  	(tm) =	ssettm $0x7FFFFFFF  }
0xc9: {  	_ =	shalt  }
tec
execute0_lowered:
.L_overlay_start_1:
0x0: {  	(tag) =	ssettag $0x1  }
0x1: {  	s1 =	rddreg [dreg:$0x0]  }
0x2: {  	s2 =	srdreg.scid;
	s10 =	stileid.u32  }
0x3: {  	s0 =	rddreg [dreg:$0x1];
	s28 =	simm.s32 $0x1;
	s9 =	smul.u32 $0x6C000, s10  }
0x4: {  	s4 =	sand.u32 $0x1, s2;
	s3 =	sshll.u32 s10, $0x1;
	s29 =	smul.u32 $0xD800, s10  }
0x5: {  	s2 =	simm.s32 $0x0;
	s3 =	sor.u32 s4, s3;
	s25 =	smul.u32 $0x36000, s4  }
0x6: {  	[smem:$0x7FF] =	sst s2;
	s6 =	ssub.s32 $0x2, s4;
	s30 =	smul.u32 $0x6C00, s4  }
0x7: {  	s5 =	smul.u32 $0x1A0, s3;
	_ =	strace $0x8000004A;
	s3 =	sshll.u32 s3, $0xA  }
0x8: {  	s8 =	sshrl.u32 s6, $0x1;
	s7 =	sadd.s32 s3, s1;
	s3 =	sadd.s32 $0xEC200, s1  }
0x9: {  	s24 =	ssub.s32 s6, s8;
	s31 =	sadd.s32 s25, s9;
	s5 =	sadd.s32 s5, s1  }
0xa: {  	s26 =	sadd.s32 $0xE0E00, s7;
	s1 =	smax.u32 s24, $0x1;
	s6 =	sadd.s32 $0x35C0, s31  }
0xb: {  	s9 =	sadd.s32 $0x2F40, s31;
	s12 =	sadd.s32 $0x2F00, s31;
	s13 =	sadd.s32 $0x2880, s31  }
0xc: {  	s14 =	sadd.s32 $0x2840, s31;
	s17 =	sadd.s32 $0x21C0, s31;
	s18 =	sadd.s32 $0x2180, s31  }
0xd: {  	s19 =	sor.u32 $0x1AC0, s31;
	s22 =	sor.u32 $0x1440, s31;
	s23 =	sor.u32 $0x1400, s31  }
0xe: {  	s24 =	sor.u32 $0xD80, s31;
	s4 =	sor.u32 $0x680, s31;
	[dreg:$0x4] =	wrdreg s26  }
0xf: {  	s5 =	sadd.s32 $0xE8E00, s5;
	[dreg:$0x5] =	wrdreg s1;
	s10 =	sshrl.u32 s6, $0x3  }
0x10: {  	s11 =	sshrl.u32 s9, $0x3;
	s1 =	sshrl.u32 s12, $0x3;
	s15 =	sshrl.u32 s13, $0x3  }
0x11: {  	s16 =	sshrl.u32 s14, $0x3;
	s20 =	sshrl.u32 s18, $0x3;
	s21 =	sshrl.u32 s19, $0x3  }
0x12: {  	s25 =	sshrl.u32 s23, $0x3;
	s26 =	sshrl.u32 s24, $0x3;
	s4 =	sshrl.u32 s4, $0x3  }
0x13: {  	s6 =	simm.s32 $0x4;
	[dreg:$0x3] =	wrdreg s5;
	s5 =	sadd.s32 s29, s0  }
0x14: {  	s8 =	sadd.s32 s10, s0;
	s9 =	sadd.s32 s11, s0;
	s10 =	sadd.s32 s1, s0  }
0x15: {  	s11 =	sadd.s32 s15, s0;
	s12 =	sadd.s32 s16, s0;
	s1 =	sshrl.u32 s17, $0x3  }
0x16: {  	s14 =	sadd.s32 s20, s0;
	s15 =	sadd.s32 s21, s0;
	s17 =	sadd.s32 s25, s0  }
0x17: {  	s18 =	sadd.s32 s26, s0;
	s29 =	sor.u32 $0xD40, s31;
	s21 =	sadd.s32 s4, s0  }
.Ltmp0:
0x18: {  	s26 =	simm.s32 $0x4700;
	s4 =	simm.s32 $0x0;
	(pc) =	sbr.rel .LBB2_1-.Ltmp0, $4  }
0x19: {  	s7 =	sadd.s32 s30, s5;
	s13 =	sadd.s32 s1, s0;
	s1 =	sshrl.u32 s22, $0x3  }
0x1a: {  	s30 =	sor.u32 $0x6C0, s31;
	s16 =	sadd.s32 s1, s0;
	s1 =	sshrl.u32 s29, $0x3  }
0x1b: {  	s5 =	simm.s32 $0x5A80;
	s31 =	sshrl.u32 s30, $0x3;
	s19 =	sadd.s32 s1, s0  }
0x1c: {  	s20 =	sadd.s32 s31, s0;
	s1 =	simm.s32 $0x3;
	s0 =	simm.s32 $0x2  }
.LBB2_4:
0x1d: {  	s4 =	rddreg [dreg:$0x6]  }
0x1e: {  	s22 =	rddreg [dreg:$0x5];
	s4 =	sadd.s32 $0x1, s4  }
0x1f: {  	p0 =	sne.s32 s4, s22  }
.Ltmp1:
0x20: {  	_ = 	snop;
	(pc) =	sbr.rel @!p0 .LBB2_5-.Ltmp1, $1  }
0x21: {  	_ =	sdelay $0x3  }
.LBB2_1:
0x22: {  	[dreg:$0x6] =	wrdreg s4  }
0x23: {  	s22 =	rddreg [dreg:$0x3];
	s23 =	simm.s32 $0x5  }
0x24: {  	[tilespmem:s2], [sflag:$0x5] =	stream.linear.gather [hbm4b:s22+s2], $0xD00, $0x38;
	[tilespmem:$0x6100] =	vst v63  }
0x25: {  	_ =	swait.ge [sflag:s23], $0xD00  }
0x26: {  	[sflag:s23] =	ssyncset.done $0x0  }
0x27: {  	s24 =	simm.s32 $0xD00;
	s25 =	rddreg [dreg:$0x4];
	[sflag:s23] =	ssyncadd.s32 $0xFFFFF300  }
0x28: {  	[tilespmem:s24], [sflag:$0x5] =	stream.linear.gather [hbm4b:s25+s2], $0x2000, $0x38;
	[tilespmem:$0x6100] =	vst v63  }
0x29: {  	_ =	swait.ge [sflag:s23], $0x2000  }
0x2a: {  	s30 =	simm.s32 $0x68;
	[sflag:s23] =	ssyncset.done $0x0  }
0x2b: {  	s31 =	simm.s32 $0x2D00;
	s4 =	simm.s32 $0x68;
	[sflag:s23] =	ssyncadd.s32 $0xFFFFE000  }
0x2c: {  	[tilespmem:s31], [sflag:$0x1] =	stream.indirect.gather [hbm4b:s3+s30], $0x40, s2, s30, $0xb8;
	[tilespmem:$0x6100] =	vst v63  }
0x2d: {  	s29 =	simm.s32 $0xEC0;
	s22 =	simm.s32 $0x138;
	s24 =	simm.s32 $0x0  }
0x2e: {  	[tilespmem:s26], [sflag:$0x2] =	stream.indirect.gather [hbm4b:s3+s30], $0x40, s30, s30, $0xb8;
	[tilespmem:$0x6100] =	vst v63  }
.LBB2_2:
0x2f: {  	_ =	swait.ge [sflag:s28], $0x1A00  }
0x30: {  	[sflag:s28] =	ssyncset.done $0x0  }
0x31: {  	s30 =	sadd.s32 s24, s7;
	s23 =	simm.s32 $0x2D00;
	[sflag:s28] =	ssyncadd.s32 $0xFFFFE600  }
0x32: {  	[hbm4b:s30+s2] =	stream.linear.scatter [tilespmem:s23], [sflag:$0x3], $0x680, $0x38;
	[tilespmem:$0x6100] =	vst v63  }
0x33: {  	s25 =	sadd.s32 s24, s21;
	s31 =	sadd.s32 $0xFFFFFE40, s29  }
0x34: {  	[hbm4b:s25+s2] =	stream.linear.scatter [tilespmem:s31], [sflag:$0x3], $0x40, $0x38;
	[tilespmem:$0x6100] =	vst v63  }
0x35: {  	s23 =	sadd.s32 s24, s20;
	s31 =	simm.s32 $0x3380  }
0x36: {  	[hbm4b:s23+s2] =	stream.linear.scatter [tilespmem:s31], [sflag:$0x3], $0x680, $0x38;
	[tilespmem:$0x6100] =	vst v63  }
0x37: {  	s25 =	sadd.s32 s24, s19;
	s23 =	sadd.s32 $0xFFFFFE80, s29  }
0x38: {  	[hbm4b:s25+s2] =	stream.linear.scatter [tilespmem:s23], [sflag:$0x3], $0x40, $0x38;
	[tilespmem:$0x6100] =	vst v63  }
0x39: {  	s31 =	simm.s32 $0x3A00;
	s23 =	sadd.s32 s24, s18  }
0x3a: {  	[hbm4b:s23+s2] =	stream.linear.scatter [tilespmem:s31], [sflag:$0x3], $0x680, $0x38;
	[tilespmem:$0x6100] =	vst v63  }
0x3b: {  	s25 =	sadd.s32 s24, s17;
	s23 =	sadd.s32 $0xFFFFFEC0, s29  }
0x3c: {  	[hbm4b:s25+s2] =	stream.linear.scatter [tilespmem:s23], [sflag:$0x3], $0x40, $0x38;
	[tilespmem:$0x6100] =	vst v63  }
0x3d: {  	s31 =	simm.s32 $0x4080;
	s23 =	sadd.s32 s24, s16  }
0x3e: {  	[hbm4b:s23+s2] =	stream.linear.scatter [tilespmem:s31], [sflag:$0x3], $0x680, $0x38;
	[tilespmem:$0x6100] =	vst v63  }
0x3f: {  	s25 =	sadd.s32 s24, s15;
	s23 =	sadd.s32 $0xFFFFFF00, s29  }
0x40: {  	[hbm4b:s25+s2] =	stream.linear.scatter [tilespmem:s23], [sflag:$0x3], $0x40, $0x38;
	[tilespmem:$0x6100] =	vst v63  }
0x41: {  	_ =	swait.ge [sflag:s1], $0x680  }
0x42: {  	[sflag:s1] =	ssyncset.done $0x0  }
0x43: {  	[sflag:s1] =	ssyncadd.s32 $0xFFFFF980  }
0x44: {  	_ =	swait.ge [sflag:s1], $0x40  }
0x45: {  	[sflag:s1] =	ssyncset.done $0x0  }
0x46: {  	[sflag:s1] =	ssyncadd.s32 $0xFFFFFFC0  }
0x47: {  	_ =	swait.ge [sflag:s1], $0x680  }
0x48: {  	[sflag:s1] =	ssyncset.done $0x0  }
0x49: {  	[sflag:s1] =	ssyncadd.s32 $0xFFFFF980  }
0x4a: {  	_ =	swait.ge [sflag:s1], $0x40  }
0x4b: {  	[sflag:s1] =	ssyncset.done $0x0  }
0x4c: {  	[sflag:s1] =	ssyncadd.s32 $0xFFFFFFC0  }
0x4d: {  	_ =	swait.ge [sflag:s1], $0x680  }
0x4e: {  	[sflag:s1] =	ssyncset.done $0x0  }
0x4f: {  	[sflag:s1] =	ssyncadd.s32 $0xFFFFF980  }
0x50: {  	_ =	swait.ge [sflag:s1], $0x40  }
0x51: {  	[sflag:s1] =	ssyncset.done $0x0  }
0x52: {  	[sflag:s1] =	ssyncadd.s32 $0xFFFFFFC0  }
0x53: {  	_ =	swait.ge [sflag:s1], $0x680  }
0x54: {  	[sflag:s1] =	ssyncset.done $0x0  }
0x55: {  	[sflag:s1] =	ssyncadd.s32 $0xFFFFF980  }
0x56: {  	p0 =	seq.s32 s24, $0x6540;
	_ =	swait.ge [sflag:s1], $0x40  }
0x57: {  	s31 =	simm.s32 @!p0 $0x68;
	[sflag:s1] =	ssyncset.done $0x0  }
0x58: {  	s25 =	sadd.s32 @!p0 $0xFFFFFF98, s22;
	s23 =	simm.s32 @!p0 $0x2D00;
	[sflag:s1] =	ssyncadd.s32 $0xFFFFFFC0  }
0x59: {  	[tilespmem:s23], [sflag:$0x1] =	stream.indirect.gather @!p0 [hbm4b:s3+s31], $0x40, s25, s31, $0xb8;
	[tilespmem:$0x6100] =	vst v63  }
0x5a: {  	_ =	swait.ge [sflag:s0], $0x1A00  }
0x5b: {  	[sflag:s0] =	ssyncset.done $0x0  }
0x5c: {  	s25 =	sadd.s32 $0x360, s30;
	[sflag:s0] =	ssyncadd.s32 $0xFFFFE600  }
0x5d: {  	[hbm4b:s25+s2] =	stream.linear.scatter [tilespmem:s26], [sflag:$0x4], $0x680, $0x38;
	[tilespmem:$0x6100] =	vst v63  }
0x5e: {  	s30 =	sadd.s32 s24, s14;
	s31 =	sadd.s32 $0xFFFFFF40, s29  }
0x5f: {  	[hbm4b:s30+s2] =	stream.linear.scatter [tilespmem:s31], [sflag:$0x4], $0x40, $0x38;
	[tilespmem:$0x6100] =	vst v63  }
0x60: {  	s30 =	sadd.s32 s24, s13;
	s31 =	simm.s32 $0x4D80  }
0x61: {  	[hbm4b:s30+s2] =	stream.linear.scatter [tilespmem:s31], [sflag:$0x4], $0x680, $0x38;
	[tilespmem:$0x6100] =	vst v63  }
0x62: {  	s30 =	sadd.s32 s24, s12;
	s31 =	sadd.s32 $0xFFFFFF80, s29  }
0x63: {  	[hbm4b:s30+s2] =	stream.linear.scatter [tilespmem:s31], [sflag:$0x4], $0x40, $0x38;
	[tilespmem:$0x6100] =	vst v63  }
0x64: {  	s30 =	sadd.s32 s24, s11;
	s31 =	simm.s32 $0x5400  }
0x65: {  	[hbm4b:s30+s2] =	stream.linear.scatter [tilespmem:s31], [sflag:$0x4], $0x680, $0x38;
	[tilespmem:$0x6100] =	vst v63  }
0x66: {  	s30 =	sadd.s32 s24, s10;
	s31 =	sadd.s32 $0xFFFFFFC0, s29  }
0x67: {  	[hbm4b:s30+s2] =	stream.linear.scatter [tilespmem:s31], [sflag:$0x4], $0x40, $0x38;
	[tilespmem:$0x6100] =	vst v63  }
0x68: {  	s30 =	sadd.s32 s24, s9  }
0x69: {  	[hbm4b:s30+s2] =	stream.linear.scatter [tilespmem:s5], [sflag:$0x4], $0x680, $0x38;
	[tilespmem:$0x6100] =	vst v63  }
0x6a: {  	s31 =	sadd.s32 s24, s8  }
0x6b: {  	[hbm4b:s31+s2] =	stream.linear.scatter [tilespmem:s29], [sflag:$0x4], $0x40, $0x38;
	[tilespmem:$0x6100] =	vst v63  }
0x6c: {  	_ =	swait.ge [sflag:s6], $0x680  }
0x6d: {  	[sflag:s6] =	ssyncset.done $0x0  }
0x6e: {  	[sflag:s6] =	ssyncadd.s32 $0xFFFFF980  }
0x6f: {  	_ =	swait.ge [sflag:s6], $0x40  }
0x70: {  	[sflag:s6] =	ssyncset.done $0x0  }
0x71: {  	[sflag:s6] =	ssyncadd.s32 $0xFFFFFFC0  }
0x72: {  	_ =	swait.ge [sflag:s6], $0x680  }
0x73: {  	[sflag:s6] =	ssyncset.done $0x0  }
0x74: {  	[sflag:s6] =	ssyncadd.s32 $0xFFFFF980  }
0x75: {  	_ =	swait.ge [sflag:s6], $0x40  }
0x76: {  	[sflag:s6] =	ssyncset.done $0x0  }
0x77: {  	[sflag:s6] =	ssyncadd.s32 $0xFFFFFFC0  }
0x78: {  	_ =	swait.ge [sflag:s6], $0x680  }
0x79: {  	[sflag:s6] =	ssyncset.done $0x0  }
0x7a: {  	[sflag:s6] =	ssyncadd.s32 $0xFFFFF980  }
0x7b: {  	_ =	swait.ge [sflag:s6], $0x40  }
0x7c: {  	[sflag:s6] =	ssyncset.done $0x0  }
0x7d: {  	[sflag:s6] =	ssyncadd.s32 $0xFFFFFFC0  }
0x7e: {  	_ =	swait.ge [sflag:s6], $0x680  }
.Ltmp2:
0x7f: {  	[sflag:s6] =	ssyncset.done $0x0;
	(pc) =	sbr.rel @p0 .LBB2_4-.Ltmp2, $4  }
0x80: {  	[sflag:s6] =	ssyncadd.s32 $0xFFFFF980  }
0x81: {  	_ =	swait.ge [sflag:s6], $0x40  }
0x82: {  	[sflag:s6] =	ssyncset.done $0x0  }
0x83: {  	[sflag:s6] =	ssyncadd.s32 $0xFFFFFFC0  }
.Ltmp3:
0x84: {  	(pc) =	sbr.rel .LBB2_2-.Ltmp3, $3  }
0x85: {  	_ =	sdelay $0x1  }
0x86: {  	[tilespmem:s26], [sflag:$0x2] =	stream.indirect.gather [hbm4b:s3+s4], $0x40, s22, s4, $0xb8;
	[tilespmem:$0x6100] =	vst v63  }
0x87: {  	s22 =	sadd.s32 $0xD0, s22;
	s24 =	sadd.s32 $0x6C0, s24;
	s29 =	sadd.s32 $0x200, s29  }
.LBB2_5:
0x88: {  	_ =	sfence.sel $0x180000  }
0x89: {  	[bflag:$0x0] =	sbarrier.arrive $0xFFFF  }
0x8a: {  	_ =	strace $0x9000004A  }
0x8b: {  	s0 =	stileid.u32;
	[bflag:$0x2] =	sbarrier.arrive $0xFFFF  }
0x8c: {  	p0 =	sne.s32 s0, $0x0;
	s0 =	rddreg [dreg:$0x2]  }
0x8d: {  	s0 =	sadd.s32 @!p0 $0x100000, s0  }
0x8e: {  	[sflag:s0] =	ssyncadd.tile.s32 @!p0 $0x1;
	_ =	shalt  }
.Lfunc_end2:
_tile_overlayer_lowered:
.L_overlay_start_2:
0x8f: {  	(tag) =	ssettag $0x2  }
0x90: {  	s0 =	rddreg [dreg:$0x0];
	s2 =	stileid.u32  }
0x91: {  	s1 =	rddreg [dreg:$0x1];
	p0 =	sne.s32 s2, $0x0  }
0x92: {  	s3 =	rddreg [dreg:$0x2];
	[bflag:$0x3] =	sbarrier.arrive $0xFFFF;
	s2 =	simm.s32 @!p0 $0x1C05  }
0x93: {  	[timem:s3], [sflag:s2] =	dma.local @!p0 [hbm:s0], s1  }
0x94: {  	s0 =	simm.s32 @!p0 $0x5  }
0x95: {  	_ =	swait.ge @!p0 [sflag:s0], s1  }
0x96: {  	s1 =	ssub.s32 @!p0 $0x0, s1;
	[sflag:s0] =	ssyncset.done @!p0 $0x0  }
0x97: {  	[sflag:s0] =	ssyncadd.s32 @!p0 s1  }
0x98: {  	[bflag:$0x3] =	sbarrier.arrive $0xFFFF  }
0x99: {  	_ =	shalt  }

// kernel: kernel.7.cloned.1.call-start
scs
__scs_entry_jumppad:
0x0: {  	(pc) =	sbr.rel $0x88, $3  }
0x1: {  	(tag) =	ssettag $0x0;
	lr =	simm.s32 $0x1  }
0x2: {  	[smem:$0x3F9B] =	sst lr;
	_ =	strace $0xD0000000  }
0x3: {  	_ = 	snop  }
0x4: {  	_ = 	snop  }
0x5: {  	_ = 	snop  }
0x6: {  	_ = 	snop  }
0x7: {  	_ = 	snop  }
__scs_overlays_trampoline_lowered:
0x8: {  	[smem:$0x3FAA] =	sst s0  }
0x9: {  	[smem:$0x3FAB] =	sst s1  }
0xa: {  	[smem:$0x3FAC] =	sst s2  }
0xb: {  	[smem:$0x3FAD] =	sst s3  }
0xc: {  	[smem:$0x3FAE] =	sst s4  }
0xd: {  	[smem:$0x3FAF] =	sst s5  }
0xe: {  	[smem:$0x3FB0] =	sst s6  }
0xf: {  	[smem:$0x3FB1] =	sst s7  }
0x10: {  	[smem:$0x3FB2] =	sst s8  }
0x11: {  	[smem:$0x3FB3] =	sst s9;
	s0 =	simm.s32 @!p0 $0x0  }
0x12: {  	s1 =	sld [smem:$0x3F99];
	s0 =	simm.s32 @p0 $0x1  }
0x13: {  	[smem:$0x3FB4] =	sst s0;
	s0 =	simm.s32 @!p1 $0x0  }
0x14: {  	s2 =	sld [smem:$0x3F98];
	s0 =	simm.s32 @p1 $0x1  }
0x15: {  	[smem:$0x3FB5] =	sst s0;
	s0 =	simm.s32 @!p2 $0x0  }
0x16: {  	s3 =	sld [smem:$0x3FDB];
	s0 =	simm.s32 @p2 $0x1  }
0x17: {  	s4 =	simm.s32 $0x1BF5;
	[smem:$0x3FB7] =	sst s0  }
0x18: {  	s0 =	sld [smem:$0x3F9A];
	_ =	swait.ge [sflag:s4], $0x0  }
0x19: {  	s7 =	sld [smem:$0x3F9B]  }
0x1a: {  	s8 =	sadd.s32 $0xFFFFE003, lr  }
0x1b: {  	s9 =	sadd.s32 $0xFFFFFEF7, lr;
	s5 =	simm.s32 $0xFFFFFFFF;
	p2 =	slt.u32 s8, $0xFFFFF086  }
0x1c: {  	p1 =	slt.u32 s9, $0xF7A;
	s5 =	simm.s32 @!p2 $0x0  }
0x1d: {  	s5 =	simm.s32 @p1 $0x1;
	p0 =	seq.s32 s7, s2  }
0x1e: {  	s7 =	smul.u32 @!p0 $0xF7A, s2;
	p2 =	seq.s32 @!p0 s5, $0x0  }
0x1f: {  	s9 =	smul.u32 $0xF7A, s1;
	s8 =	simm.s32 @!p0 $0x1BF5;
	p2 =	por !p2, p0  }
0x20: {  	[sflag:s8] =	ssyncset.s32 @!p0 $0xFFFFF086;
	s6 =	sadd.s32 @!p0 s3, s7;
	s7 =	simm.s32 @!p0 $0x108  }
0x21: {  	s3 =	sadd.s32 s3, s9;
	s6 =	sadd.s32 @!p0 $0x88, s6;
	s7 =	simm.s32 @p2 $0x1082  }
0x22: {  	[simem:s7], [sflag:s8] =	dma.local @!p0 [hbm:s6], $0xF7A  }
0x23: {  	s9 =	sor.u32 $0xD0000000, s2;
	s6 =	simm.s32 $0x108;
	_ =	swait.ge @!p0 [sflag:s8], $0x0  }
0x24: {  	s3 =	sadd.s32 $0x88, s3;
	s6 =	simm.s32 @!p1 $0x1082;
	[sflag:s4] =	ssyncset.s32 $0xFFFFF086  }
0x25: {  	[simem:s6], [sflag:s4] =	dma.local [hbm:s3], $0xF7A  }
0x26: {  	[smem:$0x3F9B] =	sst s1;
	(tag) =	ssettag s2;
	_ =	strace s9  }
0x27: {  	s1 =	sld [smem:$0x3FAB]  }
0x28: {  	s2 =	sld [smem:$0x3FAC]  }
0x29: {  	s4 =	sld [smem:$0x3FAE]  }
0x2a: {  	p0 =	seq.s32 s5, $0x0;
	s5 =	sld [smem:$0x3FAF]  }
0x2b: {  	s6 =	sld [smem:$0x3FB0]  }
0x2c: {  	s7 =	sld [smem:$0x3FB1]  }
0x2d: {  	s3 =	simm.s32 $0x108;
	s8 =	sld [smem:$0x3FB2]  }
0x2e: {  	s3 =	simm.s32 @!p0 $0x1082;
	s9 =	sld [smem:$0x3FB3]  }
0x2f: {  	lr =	sadd.s32 s0, s3;
	s0 =	sld [smem:$0x3FAA]  }
0x30: {  	s3 =	sld [smem:$0x3FAD]  }
0x31: {  	[smem:$0x3FB6] =	sst s10  }
0x32: {  	s10 =	sld [smem:$0x3FB4];
	_ =	sdelay $0x3  }
0x33: {  	p0 =	seq.s32 s10, $0x1;
	s10 =	sld [smem:$0x3FB6];
	_ =	sdelay $0x3  }
0x34: {  	[smem:$0x3FB6] =	sst s10  }
0x35: {  	s10 =	sld [smem:$0x3FB5];
	_ =	sdelay $0x3  }
0x36: {  	p1 =	seq.s32 s10, $0x1;
	s10 =	sld [smem:$0x3FB6];
	_ =	sdelay $0x3  }
0x37: {  	[smem:$0x3FB6] =	sst s10  }
0x38: {  	s10 =	sld [smem:$0x3FB7]  }
0x39: {  	_ = 	snop;
	(pc) =	sbr.ind lr, $3  }
0x3a: {  	_ = 	snop  }
0x3b: {  	_ = 	snop  }
0x3c: {  	p2 =	seq.s32 s10, $0x1;
	s10 =	sld [smem:$0x3FB6]  }
0x3d: {  	_ =	shalt  }
0x3e: {  	_ =	shalt  }
0x3f: {  	_ =	shalt  }
0x40: {  	_ =	shalt  }
0x41: {  	_ =	shalt  }
0x42: {  	_ =	shalt  }
0x43: {  	_ =	shalt  }
0x44: {  	_ =	shalt  }
0x45: {  	_ =	shalt  }
0x46: {  	_ =	shalt  }
0x47: {  	_ =	shalt  }
0x48: {  	_ =	shalt  }
0x49: {  	_ =	shalt  }
0x4a: {  	_ =	shalt  }
0x4b: {  	_ =	shalt  }
0x4c: {  	_ =	shalt  }
0x4d: {  	_ =	shalt  }
0x4e: {  	_ =	shalt  }
0x4f: {  	_ =	shalt  }
0x50: {  	_ =	shalt  }
0x51: {  	_ =	shalt  }
0x52: {  	_ =	shalt  }
0x53: {  	_ =	shalt  }
0x54: {  	_ =	shalt  }
0x55: {  	_ =	shalt  }
0x56: {  	_ =	shalt  }
0x57: {  	_ =	shalt  }
0x58: {  	_ =	shalt  }
0x59: {  	_ =	shalt  }
0x5a: {  	_ =	shalt  }
0x5b: {  	_ =	shalt  }
0x5c: {  	_ =	shalt  }
0x5d: {  	_ =	shalt  }
0x5e: {  	_ =	shalt  }
0x5f: {  	_ =	shalt  }
0x60: {  	_ =	shalt  }
0x61: {  	_ =	shalt  }
0x62: {  	_ =	shalt  }
0x63: {  	_ =	shalt  }
0x64: {  	_ =	shalt  }
0x65: {  	_ =	shalt  }
0x66: {  	_ =	shalt  }
0x67: {  	_ =	shalt  }
0x68: {  	_ =	shalt  }
0x69: {  	_ =	shalt  }
0x6a: {  	_ =	shalt  }
0x6b: {  	_ =	shalt  }
0x6c: {  	_ =	shalt  }
0x6d: {  	_ =	shalt  }
0x6e: {  	_ =	shalt  }
0x6f: {  	_ =	shalt  }
0x70: {  	_ =	shalt  }
0x71: {  	_ =	shalt  }
0x72: {  	_ =	shalt  }
0x73: {  	_ =	shalt  }
0x74: {  	_ =	shalt  }
0x75: {  	_ =	shalt  }
0x76: {  	_ =	shalt  }
0x77: {  	_ =	shalt  }
0x78: {  	_ =	shalt  }
0x79: {  	_ =	shalt  }
0x7a: {  	_ =	shalt  }
0x7b: {  	_ =	shalt  }
0x7c: {  	_ =	shalt  }
0x7d: {  	_ =	shalt  }
0x7e: {  	_ =	shalt  }
0x7f: {  	_ =	shalt  }
0x80: {  	_ =	shalt  }
0x81: {  	_ =	shalt  }
0x82: {  	_ =	shalt  }
0x83: {  	_ =	shalt  }
0x84: {  	_ =	shalt  }
0x85: {  	_ =	shalt  }
0x86: {  	_ =	shalt  }
0x87: {  	_ =	shalt  }
.Lfunc_end0:
.L_simem_size_0:
called_computation_lowered:
.L_overlay_start_0:
0x88: {  	s2 =	sld [smem:$0x3FD9]  }
0x89: {  	s3 =	sld [smem:$0x3FFE];
	_ =	sdelay $0x1  }
0x8a: {  	s1 =	srdreg.scid  }
0x8b: {  	s0 =	sand.u32 $0x1, s1  }
0x8c: {  	s14 =	sshll.u32 s0, $0xA;
	s2 =	sadd.s32 s3, s2  }
0x8d: {  	s2 =	sadd.s32 s2, s14  }
0x8e: {  	[smem:$0x3FC2] =	sst s2  }
0x8f: {  	_ = 	snop  }
0x90: {  	s2 =	sld [smem:$0x3FD0];
	_ =	sdelay $0x2  }
0x91: {  	s15 =	simm.s32 $0xA;
	s4 =	simm.s32 $0x10  }
0x92: {  	[smem:s4], [sflag:s15] =	dma.local [hbm:s2], $0x1  }
0x93: {  	_ =	swait.eq [sflag:s15], $0x1  }
0x94: {  	[sflag:s15] =	ssyncset.done $0x0  }
0x95: {  	[sflag:s15] =	ssyncadd.s32 $0xFFFFFFFF  }
0x96: {  	s16 =	sld [smem:$0x11];
	(tm) =	ssettm $0x1  }
0x97: {  	s17 =	sld [smem:$0x3FFB];
	_ =	sdelay $0x3  }
0x98: {  	_ =	strace s17  }
0x99: {  	s3 =	sld [smem:$0x3FFC];
	_ =	sdelay $0x3  }
0x9a: {  	_ =	strace s3  }
0x9b: {  	s3 =	sld [smem:$0x3FFD];
	_ =	sdelay $0x3  }
0x9c: {  	_ =	strace s3  }
0x9d: {  	_ =	strace $0x8FFFFFFF  }
0x9e: {  	s18 =	sld [smem:$0x3FDB];
	_ =	sdelay $0x1  }
0x9f: {  	s19 =	simm.s32 $_scs_section_size  }
0xa0: {  	s5 =	simm.s32 $_size__tile_overlayer_lowered;
	s6 =	simm.s32 $_tile_overlayer_lowered  }
0xa1: {  	s22 =	simm.s32 $0x1BFF;
	s21 =	sshll.u32 s6, $0x1;
	s3 =	sadd.s32 s19, s18  }
0xa2: {  	s7 =	simm.s32 $0x0;
	s20 =	sshll.u32 s5, $0x1;
	s5 =	sadd.s32 s21, s3  }
0xa3: {  	[timem:s7], [sflag:s22] =	dma.local [hbm:s5], s20  }
0xa4: {  	_ =	swait.ge [sflag:s22], s20  }
0xa5: {  	s4 =	ssub.s32 $0x0, s20;
	[sflag:s22] =	ssyncset.done $0x0  }
0xa6: {  	[sflag:s22] =	ssyncadd.s32 s4;
	_ =	sdelay $0x1  }
0xa7: {  	s23 =	simm.s32 $0x1B8B  }
0xa8: {  	_ =	swait.ge [sflag:s23], $0x1  }
0xa9: {  	[sflag:s23] =	ssyncset.done $0x0  }
0xaa: {  	s25 =	simm.s32 $0x1B8E;
	s24 =	sld [smem:$0x3FFE];
	[sflag:s23] =	ssyncadd.s32 $0xFFFFFFFF  }
0xab: {  	s26 =	simm.s32 $execute0_lowered;
	[smem:$0x3FD2] =	sst s25  }
0xac: {  	s5 =	sshll.u32 s26, $0x1;
	_ =	strace $0x80000046;
	[dreg:$0x1] =	wrdreg $0xFFFFFFFF  }
0xad: {  	s28 =	simm.s32 $_size_execute0_lowered;
	s3 =	sadd.s32 s3, s5;
	[dreg:$0x0] =	wrdreg $0x0  }
0xae: {  	s5 =	sshll.u32 s28, $0x1;
	[dreg:$0x2] =	wrdreg s3  }
0xaf: {  	[dreg:$0x3] =	wrdreg s5  }
0xb0: {  	[dreg:$0x4] =	wrdreg $0xC0  }
0xb1: {  	_ =	task [dreg:s7], $0x5FFFF  }
0xb2: {  	[dreg:$0x1] =	wrdreg $0xFFFFFFFF  }
0xb3: {  	[dreg:$0x0] =	wrdreg $0x60  }
0xb4: {  	[dreg:$0x2] =	wrdreg s16  }
0xb5: {  	[dreg:$0x3] =	wrdreg s24  }
0xb6: {  	[dreg:$0x4] =	wrdreg $0x9  }
0xb7: {  	_ =	task.clear_ibuf [dreg:s7], $0x5FFFF;
	_ =	strace $0x90000046  }
0xb8: {  	s29 =	simm.s32 $0x9;
	_ =	strace $0x80000048  }
0xb9: {  	_ =	swait.ge [sflag:s29], $0x1  }
0xba: {  	[sflag:s29] =	ssyncadd.s32 $0xFFFFFFFF  }
0xbb: {  	_ =	strace $0x90000048  }
0xbc: {  	_ =	sfence  }
0xbd: {  	s30 =	sld [smem:$0x0];
	_ =	sdelay $0x2  }
0xbe: {  	s31 =	sshll.u32 s1, $0xD;
	s1 =	sshrl.u32 s1, $0x2  }
0xbf: {  	s3 =	sand.u32 $0x4000, s31;
	s1 =	sadd.s32 s1, s30  }
0xc0: {  	s0 =	sor.u32 s3, s0;
	s1 =	sshll.u32 s1, $0x11  }
0xc1: {  	s0 =	sor.u32 s1, s0  }
0xc2: {  	s0 =	sadd.s32 $0x8F2B, s0  }
0xc3: {  	[sflag:s0] =	ssyncadd.remote.s32 $0x1  }
0xc4: {  	_ =	sfence.sel $0xFFFF  }
0xc5: {  	[dreg:$0x0] =	wrdreg $0xFFFFFFFF;
	(pc) =	sbr.abs _section_cstart, $3  }
0xc6: {  	[dreg:$0x1] =	wrdreg $0xFFFFFFFF  }
0xc7: {  	_ =	task.clear_ibuf [dreg:s7], $0x2FFFF;
	_ =	strace $0x9FFFFFFF  }
0xc8: {  	(tm) =	ssettm $0x7FFFFFFF  }
0xc9: {  	_ =	shalt  }
tec
execute0_lowered:
.L_overlay_start_1:
0x0: {  	(tag) =	ssettag $0x1  }
0x1: {  	s0 =	rddreg [dreg:$0x0]  }
0x2: {  	s1 =	rddreg [dreg:$0x1];
	s2 =	simm.s32 $0x0;
	s3 =	srdreg.scid  }
0x3: {  	s4 =	stileid.u32;
	s7 =	simm.s32 $0x5;
	s9 =	simm.s32 $0x32  }
0x4: {  	s14 =	simm.s32 $0x3940;
	s15 =	simm.s32 $0xC0;
	s16 =	simm.s32 $0x45C0  }
0x5: {  	s17 =	simm.s32 $0x100;
	s18 =	simm.s32 $0x5240;
	s19 =	simm.s32 $0x140  }
0x6: {  	s20 =	simm.s32 $0x5EC0;
	s21 =	simm.s32 $0x180;
	s22 =	simm.s32 $0x6B40  }
0x7: {  	s23 =	simm.s32 $0x1C0;
	s24 =	simm.s32 $0x77C0;
	s25 =	simm.s32 $0x1  }
0x8: {  	s28 =	simm.s32 $0x2;
	s29 =	simm.s32 $0x8540;
	s30 =	simm.s32 $0x3  }
0x9: {  	s31 =	simm.s32 $0x4;
	[smem:$0x7FF] =	sst s2;
	s3 =	sand.u32 $0x1, s3  }
.Ltmp0:
0xa: {  	s4 =	sshll.u32 s4, $0xB;
	s5 =	sshll.u32 s3, $0xA;
	(pc) =	sbr.rel .LBB2_1-.Ltmp0, $4  }
0xb: {  	_ =	strace $0x80000047;
	s6 =	ssub.s32 $0x2, s3;
	s4 =	sor.u32 s5, s4  }
0xc: {  	s3 =	sadd.s32 $0xE00, s1;
	s26 =	sshrl.u32 s6, $0x1;
	s1 =	sadd.s32 s4, s1  }
0xd: {  	s6 =	ssub.s32 s6, s26;
	s4 =	sadd.s32 s0, s4;
	s26 =	simm.s32 $0x8440  }
0xe: {  	vm0 =	vmmov $0x3;
	s0 =	simm.s32 $0x0;
	s5 =	sadd.s32 $0xE0E00, s1;
	s6 =	smax.u32 s6, $0x1  }
.LBB2_20:
0xf: {  	s0 =	sadd.s32 $0x1, s0  }
0x10: {  	_ =	swait.ge [sflag:s30], $0x100;
	p0 =	sne.s32 s0, s6  }
.Ltmp1:
0x11: {  	[sflag:s30] =	ssyncset.done $0x0;
	(pc) =	sbr.rel @!p0 .LBB2_21-.Ltmp1, $4  }
0x12: {  	[sflag:s30] =	ssyncadd.s32 $0xFFFFFF00  }
0x13: {  	_ =	swait.ge [sflag:s31], $0x100  }
0x14: {  	[sflag:s31] =	ssyncset.done $0x0  }
0x15: {  	[sflag:s31] =	ssyncadd.s32 $0xFFFFFF00  }
.LBB2_1:
0x16: {  	[tilespmem:s2], [sflag:$0x5] =	stream.linear.gather [hbm4b:s4+s2], $0x2000, $0x38;
	[tilespmem:$0x8640] =	vst v63  }
0x17: {  	_ =	swait.ge [sflag:s7], $0x2000  }
0x18: {  	[sflag:s7] =	ssyncset.done $0x0  }
0x19: {  	s1 =	simm.s32 $0x2000;
	[sflag:s7] =	ssyncadd.s32 $0xFFFFE000  }
0x1a: {  	[tilespmem:s1], [sflag:$0x5] =	stream.linear.gather [hbm4b:s3+s2], $0x40, $0x38;
	[tilespmem:$0x8640] =	vst v63  }
0x1b: {  	_ =	swait.ge [sflag:s7], $0x40  }
0x1c: {  	[sflag:s7] =	ssyncset.done $0x0  }
0x1d: {  	s11 =	simm.s32 $0x2040;
	[sflag:s7] =	ssyncadd.s32 $0xFFFFFFC0  }
0x1e: {  	[tilespmem:s11], [sflag:$0x1] =	stream.indirect.gather [hbm4b:s3+s9], $0x40, s2, s9, $0xb8;
	[tilespmem:$0x8640] =	vst v63  }
0x1f: {  	s12 =	simm.s32 $0x40;
	s8 =	simm.s32 $0x2CC0  }
0x20: {  	[tilespmem:s8], [sflag:$0x1] =	stream.indirect.gather [hbm4b:s3+s9], $0x40, s12, s9, $0xb8;
	[tilespmem:$0x8640] =	vst v63  }
0x21: {  	s13 =	simm.s32 $0x80  }
0x22: {  	[tilespmem:s14], [sflag:$0x1] =	stream.indirect.gather [hbm4b:s3+s9], $0x40, s13, s9, $0xb8;
	[tilespmem:$0x8640] =	vst v63  }
0x23: {  	_ = 	snop  }
0x24: {  	[tilespmem:s16], [sflag:$0x1] =	stream.indirect.gather [hbm4b:s3+s9], $0x40, s15, s9, $0xb8;
	[tilespmem:$0x8640] =	vst v63  }
0x25: {  	_ = 	snop  }
0x26: {  	[tilespmem:s18], [sflag:$0x2] =	stream.indirect.gather [hbm4b:s3+s9], $0x40, s17, s9, $0xb8;
	[tilespmem:$0x8640] =	vst v63  }
0x27: {  	_ = 	snop  }
0x28: {  	[tilespmem:s20], [sflag:$0x2] =	stream.indirect.gather [hbm4b:s3+s9], $0x40, s19, s9, $0xb8;
	[tilespmem:$0x8640] =	vst v63  }
0x29: {  	_ = 	snop  }
0x2a: {  	[tilespmem:s22], [sflag:$0x2] =	stream.indirect.gather [hbm4b:s3+s9], $0x40, s21, s9, $0xb8;
	[tilespmem:$0x8640] =	vst v63  }
0x2b: {  	s1 =	simm.s32 $0x0  }
0x2c: {  	[tilespmem:s24], [sflag:$0x2] =	stream.indirect.gather [hbm4b:s3+s9], $0x40, s23, s9, $0xb8;
	[tilespmem:$0x8640] =	vst v63  }
.LBB2_2:
0x2d: {  	_ =	swait.ge [sflag:s25], $0x3200  }
0x2e: {  	p0 =	seq.s32 s1, $0x0;
	[sflag:s25] =	ssyncset.done $0x0  }
0x2f: {  	s8 =	simm.s32 @!p0 $0x3;
	[sflag:s25] =	ssyncadd.s32 $0xFFFFCE00  }
0x30: {  	_ =	swait.ge @!p0 [sflag:s8], $0x100  }
0x31: {  	s10 =	sshll.u32 s1, $0x9;
	[sflag:s8] =	ssyncset.done @!p0 $0x0  }
0x32: {  	[sflag:s8] =	ssyncadd.s32 @!p0 $0xFFFFFF00;
	s8 =	sand.u32 $0x3FFFFE00, s10  }
0x33: {  	v0 =	vld [tilespmem:s8+$0x0]  }
0x34: {  	v1 =	vld [tilespmem:s8+$0x10]  }
0x35: {  	v2 =	vld [tilespmem:s8+$0x30]  }
0x36: {  	v4 =	vld [tilespmem:s8+$0x20];
	_ =	sdelay $0x1  }
0x37: {  	s12 =	simm.s32 $0x0;
	v9 =	vimm.f32 $0.0e+00  }
0x38: {  	v7 =	vimm.f32 $0.0e+00;
	v6 =	vimm.f32 $0.0e+00;
	vm1 =	veq.s32 v0, $0x0;
	v0 =	vld [tilespmem:s12+$0x2070]  }
0x39: {  	vm2 =	veq.s32 v2, $0x0;
	v2 =	vld [tilespmem:s12+$0x2040];
	v3 =	vmpcnt.ones.xlane vm1;
	vm1 =	veq.s32 v1, $0x0  }
0x3a: {  	vm2 =	vmand vm2, vm0;
	v8 =	vmpcnt.ones.xlane vm1;
	vm1 =	veq.s32 v4, $0x0;
	v4 =	vld [tilespmem:s12+$0x2050]  }
0x3b: {  	s11 =	simm.s32 $0x100;
	s10 =	sshll.u32 s1, $0x1;
	v5 =	vld [tilespmem:s12+$0x2060];
	v1 =	vimm.f32 $0.0e+00;
	v11 =	vmpcnt.ones.xlane vm2;
	v10 =	vmpcnt.ones.xlane vm1  }
.LBB2_3:
0x3c: {  	p1 =	sne.s32 s11, $0x3100  }
.Ltmp2:
0x3d: {  	s12 =	sshra.s32 s11, $0x2;
	s11 =	sadd.s32 $0x100, s11;
	v1 =	vadd.f32 v0, v1;
	(pc) =	sbr.rel @p1 .LBB2_3-.Ltmp2, $4  }
0x3e: {  	v0 =	vld [tilespmem:s12+$0x2070];
	v9 =	vadd.f32 v2, v9  }
0x3f: {  	v2 =	vld [tilespmem:s12+$0x2040];
	v7 =	vadd.f32 v4, v7  }
0x40: {  	v4 =	vld [tilespmem:s12+$0x2050];
	v6 =	vadd.f32 v5, v6  }
0x41: {  	v5 =	vld [tilespmem:s12+$0x2060]  }
0x42: {  	v3 =	vadd.s32 v3, v8  }
0x43: {  	v3 =	vadd.s32 v10, v3  }
0x44: {  	v3 =	vadd.s32 v11, v3  }
0x45: {  	v3 =	vcvt.s32.f32 v3;
	_ =	sdelay $0x1  }
0x46: {  	v8 =	vsub.f32 $5.000000000e+01, v3;
	_ =	sdelay $0x1  }
0x47: {  	v10 =	vadd.f32 $9.999999930e-09, v8;
	_ =	sdelay $0x1  }
0x48: {  	v12 =	vld [tilespmem:$0x2020];
	(erf) = vrcp.f32 v10  }
0x49: {  	v10 =	vld [tilespmem:$0x2000]  }
0x4a: {  	v13 =	vld [tilespmem:$0x2030]  }
0x4b: {  	v11 =	vld [tilespmem:$0x2010];
	_ =	sdelay $0x2  }
0x4c: {  	v0 =	vadd.f32 v0, v1;
	v2 =	vadd.f32 v2, v9;
	v9 =	vmul.f32 v3, v10  }
0x4d: {  	v4 =	vadd.f32 v4, v7;
	v5 =	vadd.f32 v5, v6;
	v6 =	vmul.f32 v3, v12  }
0x4e: {  	v7 =	vmul.f32 v3, v11;
	v3 =	vmul.f32 v3, v13;
	v2 =	vsub.f32 v2, v9  }
0x4f: {  	v5 =	vsub.f32 v5, v6;
	v1 =	vpop (erf)  }
0x50: {  	v0 =	vsub.f32 v0, v3;
	v2 =	vmul.f32 v2, v1  }
0x51: {  	vm1 =	vgt.f32 v8, $0.0e+00;
	v4 =	vsub.f32 v4, v7;
	v3 =	vmul.f32 v5, v1  }
0x52: {  	v0 =	vmul.f32 v0, v1;
	v2 =	vnsel vm1, $0x0, v2  }
0x53: {  	v4 =	vmul.f32 v4, v1;
	v1 =	vnsel vm1, $0x0, v3;
	[tilespmem:$0x8440] =	vst v2  }
0x54: {  	v0 =	vnsel vm1, $0x0, v0;
	[tilespmem:$0x8460] =	vst v1  }
0x55: {  	v2 =	vnsel vm1, $0x0, v4;
	[tilespmem:$0x8470] =	vst v0  }
0x56: {  	[tilespmem:$0x8450] =	vst v2  }
0x57: {  	v0 =	vld [tilespmem:s8+$0x40]  }
0x58: {  	v1 =	vld [tilespmem:s8+$0x50]  }
0x59: {  	v2 =	vld [tilespmem:s8+$0x70]  }
0x5a: {  	v4 =	vld [tilespmem:s8+$0x60];
	_ =	sdelay $0x1  }
0x5b: {  	s12 =	simm.s32 $0x0;
	v8 =	vimm.f32 $0.0e+00  }
0x5c: {  	v6 =	vimm.f32 $0.0e+00;
	v7 =	vimm.f32 $0.0e+00;
	vm1 =	veq.s32 v0, $0x0;
	v0 =	vld [tilespmem:s12+$0x2CF0]  }
0x5d: {  	vm2 =	veq.s32 v2, $0x0;
	v2 =	vld [tilespmem:s12+$0x2CC0];
	v3 =	vmpcnt.ones.xlane vm1;
	vm1 =	veq.s32 v1, $0x0  }
0x5e: {  	vm2 =	vmand vm2, vm0;
	v9 =	vmpcnt.ones.xlane vm1;
	vm1 =	veq.s32 v4, $0x0;
	v4 =	vld [tilespmem:s12+$0x2CD0]  }
0x5f: {  	s11 =	simm.s32 $0x100;
	v5 =	vld [tilespmem:s12+$0x2CE0];
	v1 =	vimm.f32 $0.0e+00;
	v11 =	vmpcnt.ones.xlane vm2;
	v10 =	vmpcnt.ones.xlane vm1  }
.LBB2_5:
0x60: {  	p1 =	sne.s32 s11, $0x3100  }
.Ltmp3:
0x61: {  	s12 =	sshra.s32 s11, $0x2;
	s11 =	sadd.s32 $0x100, s11;
	v1 =	vadd.f32 v0, v1;
	(pc) =	sbr.rel @p1 .LBB2_5-.Ltmp3, $4  }
0x62: {  	v0 =	vld [tilespmem:s12+$0x2CF0];
	v8 =	vadd.f32 v2, v8  }
0x63: {  	v2 =	vld [tilespmem:s12+$0x2CC0];
	v7 =	vadd.f32 v4, v7  }
0x64: {  	v4 =	vld [tilespmem:s12+$0x2CD0];
	v6 =	vadd.f32 v5, v6  }
0x65: {  	v5 =	vld [tilespmem:s12+$0x2CE0]  }
0x66: {  	v3 =	vadd.s32 v3, v9  }
0x67: {  	v3 =	vadd.s32 v10, v3  }
0x68: {  	v3 =	vadd.s32 v11, v3  }
0x69: {  	v3 =	vcvt.s32.f32 v3;
	_ =	sdelay $0x1  }
0x6a: {  	v9 =	vsub.f32 $5.000000000e+01, v3;
	_ =	sdelay $0x1  }
0x6b: {  	v10 =	vadd.f32 $9.999999930e-09, v9;
	_ =	sdelay $0x1  }
0x6c: {  	v12 =	vld [tilespmem:$0x2020];
	(erf) = vrcp.f32 v10  }
0x6d: {  	v10 =	vld [tilespmem:$0x2000]  }
0x6e: {  	v13 =	vld [tilespmem:$0x2030]  }
0x6f: {  	v11 =	vld [tilespmem:$0x2010];
	_ =	sdelay $0x2  }
0x70: {  	v0 =	vadd.f32 v0, v1;
	v2 =	vadd.f32 v2, v8;
	v8 =	vmul.f32 v3, v10  }
0x71: {  	v4 =	vadd.f32 v4, v7;
	v5 =	vadd.f32 v5, v6;
	v6 =	vmul.f32 v3, v12  }
0x72: {  	v7 =	vmul.f32 v3, v11;
	v3 =	vmul.f32 v3, v13;
	v2 =	vsub.f32 v2, v8  }
0x73: {  	v5 =	vsub.f32 v5, v6;
	v1 =	vpop (erf)  }
0x74: {  	v0 =	vsub.f32 v0, v3;
	v2 =	vmul.f32 v2, v1  }
0x75: {  	vm1 =	vgt.f32 v9, $0.0e+00;
	v4 =	vsub.f32 v4, v7;
	v3 =	vmul.f32 v5, v1  }
0x76: {  	v0 =	vmul.f32 v0, v1;
	v2 =	vnsel vm1, $0x0, v2  }
0x77: {  	v4 =	vmul.f32 v4, v1;
	v1 =	vnsel vm1, $0x0, v3;
	[tilespmem:$0x8480] =	vst v2  }
0x78: {  	v0 =	vnsel vm1, $0x0, v0;
	[tilespmem:$0x84A0] =	vst v1  }
0x79: {  	v2 =	vnsel vm1, $0x0, v4;
	[tilespmem:$0x84B0] =	vst v0  }
0x7a: {  	[tilespmem:$0x8490] =	vst v2  }
0x7b: {  	v0 =	vld [tilespmem:s8+$0x80]  }
0x7c: {  	v1 =	vld [tilespmem:s8+$0x90]  }
0x7d: {  	v2 =	vld [tilespmem:s8+$0xB0]  }
0x7e: {  	v4 =	vld [tilespmem:s8+$0xA0];
	_ =	sdelay $0x1  }
0x7f: {  	s12 =	simm.s32 $0x0;
	v6 =	vimm.f32 $0.0e+00  }
0x80: {  	v7 =	vimm.f32 $0.0e+00;
	v8 =	vimm.f32 $0.0e+00;
	vm1 =	veq.s32 v0, $0x0;
	v0 =	vld [tilespmem:s12+$0x3970]  }
0x81: {  	vm2 =	veq.s32 v2, $0x0;
	v2 =	vld [tilespmem:s12+$0x3940];
	v3 =	vmpcnt.ones.xlane vm1;
	vm1 =	veq.s32 v1, $0x0  }
0x82: {  	vm2 =	vmand vm2, vm0;
	v9 =	vmpcnt.ones.xlane vm1;
	vm1 =	veq.s32 v4, $0x0;
	v4 =	vld [tilespmem:s12+$0x3950]  }
0x83: {  	s11 =	simm.s32 $0x100;
	v5 =	vld [tilespmem:s12+$0x3960];
	v1 =	vimm.f32 $0.0e+00;
	v11 =	vmpcnt.ones.xlane vm2;
	v10 =	vmpcnt.ones.xlane vm1  }
.LBB2_7:
0x84: {  	p1 =	sne.s32 s11, $0x3100  }
.Ltmp4:
0x85: {  	s12 =	sshra.s32 s11, $0x2;
	s11 =	sadd.s32 $0x100, s11;
	v1 =	vadd.f32 v0, v1;
	(pc) =	sbr.rel @p1 .LBB2_7-.Ltmp4, $4  }
0x86: {  	v0 =	vld [tilespmem:s12+$0x3970];
	v8 =	vadd.f32 v2, v8  }
0x87: {  	v2 =	vld [tilespmem:s12+$0x3940];
	v7 =	vadd.f32 v4, v7  }
0x88: {  	v4 =	vld [tilespmem:s12+$0x3950];
	v6 =	vadd.f32 v5, v6  }
0x89: {  	v5 =	vld [tilespmem:s12+$0x3960]  }
0x8a: {  	v3 =	vadd.s32 v3, v9  }
0x8b: {  	v3 =	vadd.s32 v10, v3  }
0x8c: {  	v3 =	vadd.s32 v11, v3  }
0x8d: {  	v3 =	vcvt.s32.f32 v3;
	_ =	sdelay $0x1  }
0x8e: {  	v9 =	vsub.f32 $5.000000000e+01, v3;
	_ =	sdelay $0x1  }
0x8f: {  	v10 =	vadd.f32 $9.999999930e-09, v9;
	_ =	sdelay $0x1  }
0x90: {  	v12 =	vld [tilespmem:$0x2020];
	(erf) = vrcp.f32 v10  }
0x91: {  	v10 =	vld [tilespmem:$0x2000]  }
0x92: {  	v13 =	vld [tilespmem:$0x2030]  }
0x93: {  	v11 =	vld [tilespmem:$0x2010];
	_ =	sdelay $0x2  }
0x94: {  	v0 =	vadd.f32 v0, v1;
	v2 =	vadd.f32 v2, v8;
	v8 =	vmul.f32 v3, v10  }
0x95: {  	v4 =	vadd.f32 v4, v7;
	v5 =	vadd.f32 v5, v6;
	v6 =	vmul.f32 v3, v12  }
0x96: {  	v7 =	vmul.f32 v3, v11;
	v3 =	vmul.f32 v3, v13;
	v2 =	vsub.f32 v2, v8  }
0x97: {  	v5 =	vsub.f32 v5, v6;
	v1 =	vpop (erf)  }
0x98: {  	v0 =	vsub.f32 v0, v3;
	v2 =	vmul.f32 v2, v1  }
0x99: {  	vm1 =	vgt.f32 v9, $0.0e+00;
	v4 =	vsub.f32 v4, v7;
	v3 =	vmul.f32 v5, v1  }
0x9a: {  	v0 =	vmul.f32 v0, v1;
	v2 =	vnsel vm1, $0x0, v2  }
0x9b: {  	v4 =	vmul.f32 v4, v1;
	v1 =	vnsel vm1, $0x0, v3;
	[tilespmem:$0x84C0] =	vst v2  }
0x9c: {  	v0 =	vnsel vm1, $0x0, v0;
	[tilespmem:$0x84E0] =	vst v1  }
0x9d: {  	v2 =	vnsel vm1, $0x0, v4;
	[tilespmem:$0x84F0] =	vst v0  }
0x9e: {  	[tilespmem:$0x84D0] =	vst v2  }
0x9f: {  	v0 =	vld [tilespmem:s8+$0xC0]  }
0xa0: {  	v1 =	vld [tilespmem:s8+$0xD0]  }
0xa1: {  	v2 =	vld [tilespmem:s8+$0xF0]  }
0xa2: {  	v4 =	vld [tilespmem:s8+$0xE0];
	_ =	sdelay $0x1  }
0xa3: {  	s12 =	simm.s32 $0x0;
	v6 =	vimm.f32 $0.0e+00  }
0xa4: {  	v7 =	vimm.f32 $0.0e+00;
	v8 =	vimm.f32 $0.0e+00;
	vm1 =	veq.s32 v0, $0x0;
	v0 =	vld [tilespmem:s12+$0x45F0]  }
0xa5: {  	vm2 =	veq.s32 v2, $0x0;
	v2 =	vld [tilespmem:s12+$0x45C0];
	v3 =	vmpcnt.ones.xlane vm1;
	vm1 =	veq.s32 v1, $0x0  }
0xa6: {  	vm2 =	vmand vm2, vm0;
	v9 =	vmpcnt.ones.xlane vm1;
	vm1 =	veq.s32 v4, $0x0;
	v4 =	vld [tilespmem:s12+$0x45D0]  }
0xa7: {  	s11 =	simm.s32 $0x100;
	v5 =	vld [tilespmem:s12+$0x45E0];
	v1 =	vimm.f32 $0.0e+00;
	v11 =	vmpcnt.ones.xlane vm2;
	v10 =	vmpcnt.ones.xlane vm1  }
.LBB2_9:
0xa8: {  	p1 =	sne.s32 s11, $0x3100  }
.Ltmp5:
0xa9: {  	s12 =	sshra.s32 s11, $0x2;
	s11 =	sadd.s32 $0x100, s11;
	v1 =	vadd.f32 v0, v1;
	(pc) =	sbr.rel @p1 .LBB2_9-.Ltmp5, $4  }
0xaa: {  	v0 =	vld [tilespmem:s12+$0x45F0];
	v8 =	vadd.f32 v2, v8  }
0xab: {  	v2 =	vld [tilespmem:s12+$0x45C0];
	v7 =	vadd.f32 v4, v7  }
0xac: {  	v4 =	vld [tilespmem:s12+$0x45D0];
	v6 =	vadd.f32 v5, v6  }
0xad: {  	v5 =	vld [tilespmem:s12+$0x45E0]  }
0xae: {  	v3 =	vadd.s32 v3, v9  }
0xaf: {  	v3 =	vadd.s32 v10, v3  }
0xb0: {  	v3 =	vadd.s32 v11, v3  }
0xb1: {  	v3 =	vcvt.s32.f32 v3;
	_ =	sdelay $0x1  }
0xb2: {  	v9 =	vsub.f32 $5.000000000e+01, v3;
	_ =	sdelay $0x1  }
0xb3: {  	v10 =	vadd.f32 $9.999999930e-09, v9;
	_ =	sdelay $0x1  }
0xb4: {  	v12 =	vld [tilespmem:$0x2020];
	(erf) = vrcp.f32 v10  }
0xb5: {  	v10 =	vld [tilespmem:$0x2000]  }
0xb6: {  	v13 =	vld [tilespmem:$0x2030]  }
0xb7: {  	v11 =	vld [tilespmem:$0x2010];
	_ =	sdelay $0x2  }
0xb8: {  	v0 =	vadd.f32 v0, v1;
	v2 =	vadd.f32 v2, v8;
	v8 =	vmul.f32 v3, v10  }
0xb9: {  	v4 =	vadd.f32 v4, v7;
	v5 =	vadd.f32 v5, v6;
	v6 =	vmul.f32 v3, v12  }
0xba: {  	v7 =	vmul.f32 v3, v11;
	v3 =	vmul.f32 v3, v13;
	v2 =	vsub.f32 v2, v8  }
0xbb: {  	v5 =	vsub.f32 v5, v6;
	v1 =	vpop (erf)  }
0xbc: {  	v0 =	vsub.f32 v0, v3;
	v2 =	vmul.f32 v2, v1  }
0xbd: {  	vm1 =	vgt.f32 v9, $0.0e+00;
	v4 =	vsub.f32 v4, v7;
	v3 =	vmul.f32 v5, v1  }
0xbe: {  	v0 =	vmul.f32 v0, v1;
	v2 =	vnsel vm1, $0x0, v2  }
0xbf: {  	v4 =	vmul.f32 v4, v1;
	v1 =	vnsel vm1, $0x0, v3;
	[tilespmem:$0x8500] =	vst v2  }
0xc0: {  	v0 =	vnsel vm1, $0x0, v0;
	[tilespmem:$0x8520] =	vst v1  }
0xc1: {  	s11 =	sshll.u32 s1, $0x6;
	v2 =	vnsel vm1, $0x0, v4;
	[tilespmem:$0x8530] =	vst v0  }
0xc2: {  	p1 =	seq.s32 s1, $0xF;
	s11 =	sadd.s32 s11, s5;
	[tilespmem:$0x8510] =	vst v2  }
0xc3: {  	[hbm4b:s11+s2] =	stream.linear.scatter [tilespmem:s26], [sflag:$0x3], $0x100, $0x38;
	[tilespmem:$0x8640] =	vst v63  }
0xc4: {  	s12 =	simm.s32 @!p1 $0x32;
	s13 =	simm.s32 @!p1 $0x2040;
	s11 =	sadd.s32 @!p1 $0x200, s8  }
0xc5: {  	[tilespmem:s13], [sflag:$0x1] =	stream.indirect.gather @!p1 [hbm4b:s3+s12], $0x40, s11, s12, $0xb8;
	[tilespmem:$0x8640] =	vst v63  }
0xc6: {  	s11 =	sadd.s32 @!p1 $0x240, s8;
	s13 =	simm.s32 @!p1 $0x2CC0  }
0xc7: {  	[tilespmem:s13], [sflag:$0x1] =	stream.indirect.gather @!p1 [hbm4b:s3+s12], $0x40, s11, s12, $0xb8;
	[tilespmem:$0x8640] =	vst v63  }
0xc8: {  	s11 =	sadd.s32 @!p1 $0x280, s8;
	s13 =	simm.s32 @!p1 $0x3940  }
0xc9: {  	[tilespmem:s13], [sflag:$0x1] =	stream.indirect.gather @!p1 [hbm4b:s3+s12], $0x40, s11, s12, $0xb8;
	[tilespmem:$0x8640] =	vst v63  }
0xca: {  	s11 =	sadd.s32 @!p1 $0x2C0, s8;
	s13 =	simm.s32 @!p1 $0x45C0  }
0xcb: {  	[tilespmem:s13], [sflag:$0x1] =	stream.indirect.gather @!p1 [hbm4b:s3+s12], $0x40, s11, s12, $0xb8;
	[tilespmem:$0x8640] =	vst v63  }
0xcc: {  	_ =	swait.ge [sflag:s28], $0x3200  }
0xcd: {  	[sflag:s28] =	ssyncset.done $0x0  }
0xce: {  	s11 =	simm.s32 @!p0 $0x4;
	[sflag:s28] =	ssyncadd.s32 $0xFFFFCE00  }
0xcf: {  	s10 =	sor.u32 $0x1, s10;
	_ =	swait.ge @!p0 [sflag:s11], $0x100  }
0xd0: {  	s13 =	sshll.u32 s10, $0x8;
	[sflag:s11] =	ssyncset.done @!p0 $0x0  }
0xd1: {  	[sflag:s11] =	ssyncadd.s32 @!p0 $0xFFFFFF00;
	s11 =	sand.u32 $0x3FFFFF00, s13  }
0xd2: {  	v0 =	vld [tilespmem:s11+$0x0]  }
0xd3: {  	v1 =	vld [tilespmem:s11+$0x10]  }
0xd4: {  	v2 =	vld [tilespmem:s11+$0x30]  }
0xd5: {  	v4 =	vld [tilespmem:s11+$0x20];
	_ =	sdelay $0x1  }
0xd6: {  	v9 =	vimm.f32 $0.0e+00;
	s13 =	simm.s32 $0x0  }
0xd7: {  	v6 =	vimm.f32 $0.0e+00;
	v7 =	vimm.f32 $0.0e+00;
	vm1 =	veq.s32 v0, $0x0;
	v0 =	vld [tilespmem:s13+$0x5270]  }
0xd8: {  	vm2 =	veq.s32 v2, $0x0;
	v2 =	vld [tilespmem:s13+$0x5240];
	v3 =	vmpcnt.ones.xlane vm1;
	vm1 =	veq.s32 v1, $0x0  }
0xd9: {  	vm2 =	vmand vm2, vm0;
	v8 =	vmpcnt.ones.xlane vm1;
	vm1 =	veq.s32 v4, $0x0;
	v4 =	vld [tilespmem:s13+$0x5250]  }
0xda: {  	s10 =	sshll.u32 s10, $0x5;
	s12 =	simm.s32 $0x100;
	v5 =	vld [tilespmem:s13+$0x5260];
	v1 =	vimm.f32 $0.0e+00;
	v11 =	vmpcnt.ones.xlane vm2;
	v10 =	vmpcnt.ones.xlane vm1  }
.LBB2_11:
0xdb: {  	p0 =	sne.s32 s12, $0x3100  }
.Ltmp6:
0xdc: {  	s13 =	sshra.s32 s12, $0x2;
	s12 =	sadd.s32 $0x100, s12;
	v1 =	vadd.f32 v0, v1;
	(pc) =	sbr.rel @p0 .LBB2_11-.Ltmp6, $4  }
0xdd: {  	v0 =	vld [tilespmem:s13+$0x5270];
	v9 =	vadd.f32 v2, v9  }
0xde: {  	v2 =	vld [tilespmem:s13+$0x5240];
	v7 =	vadd.f32 v4, v7  }
0xdf: {  	v4 =	vld [tilespmem:s13+$0x5250];
	v6 =	vadd.f32 v5, v6  }
0xe0: {  	v5 =	vld [tilespmem:s13+$0x5260]  }
0xe1: {  	v3 =	vadd.s32 v3, v8  }
0xe2: {  	v3 =	vadd.s32 v10, v3  }
0xe3: {  	v3 =	vadd.s32 v11, v3  }
0xe4: {  	v3 =	vcvt.s32.f32 v3;
	_ =	sdelay $0x1  }
0xe5: {  	v8 =	vsub.f32 $5.000000000e+01, v3;
	_ =	sdelay $0x1  }
0xe6: {  	v10 =	vadd.f32 $9.999999930e-09, v8;
	_ =	sdelay $0x1  }
0xe7: {  	v12 =	vld [tilespmem:$0x2020];
	(erf) = vrcp.f32 v10  }
0xe8: {  	v10 =	vld [tilespmem:$0x2000]  }
0xe9: {  	v13 =	vld [tilespmem:$0x2030]  }
0xea: {  	v11 =	vld [tilespmem:$0x2010];
	_ =	sdelay $0x2  }
0xeb: {  	v0 =	vadd.f32 v0, v1;
	v2 =	vadd.f32 v2, v9;
	v9 =	vmul.f32 v3, v10  }
0xec: {  	v4 =	vadd.f32 v4, v7;
	v5 =	vadd.f32 v5, v6;
	v6 =	vmul.f32 v3, v12  }
0xed: {  	v7 =	vmul.f32 v3, v11;
	v3 =	vmul.f32 v3, v13;
	v2 =	vsub.f32 v2, v9  }
0xee: {  	v5 =	vsub.f32 v5, v6;
	v1 =	vpop (erf)  }
0xef: {  	v0 =	vsub.f32 v0, v3;
	v2 =	vmul.f32 v2, v1  }
0xf0: {  	vm1 =	vgt.f32 v8, $0.0e+00;
	v4 =	vsub.f32 v4, v7;
	v3 =	vmul.f32 v5, v1  }
0xf1: {  	v0 =	vmul.f32 v0, v1;
	v2 =	vnsel vm1, $0x0, v2  }
0xf2: {  	v4 =	vmul.f32 v4, v1;
	v1 =	vnsel vm1, $0x0, v3;
	[tilespmem:$0x8540] =	vst v2  }
0xf3: {  	v0 =	vnsel vm1, $0x0, v0;
	[tilespmem:$0x8560] =	vst v1  }
0xf4: {  	v2 =	vnsel vm1, $0x0, v4;
	[tilespmem:$0x8570] =	vst v0  }
0xf5: {  	[tilespmem:$0x8550] =	vst v2  }
0xf6: {  	v0 =	vld [tilespmem:s11+$0x40]  }
0xf7: {  	v1 =	vld [tilespmem:s11+$0x50]  }
0xf8: {  	v2 =	vld [tilespmem:s11+$0x70]  }
0xf9: {  	v4 =	vld [tilespmem:s11+$0x60];
	_ =	sdelay $0x1  }
0xfa: {  	s13 =	simm.s32 $0x0;
	v8 =	vimm.f32 $0.0e+00  }
0xfb: {  	v6 =	vimm.f32 $0.0e+00;
	v7 =	vimm.f32 $0.0e+00;
	vm1 =	veq.s32 v0, $0x0;
	v0 =	vld [tilespmem:s13+$0x5EF0]  }
0xfc: {  	vm2 =	veq.s32 v2, $0x0;
	v2 =	vld [tilespmem:s13+$0x5EC0];
	v3 =	vmpcnt.ones.xlane vm1;
	vm1 =	veq.s32 v1, $0x0  }
0xfd: {  	vm2 =	vmand vm2, vm0;
	v9 =	vmpcnt.ones.xlane vm1;
	vm1 =	veq.s32 v4, $0x0;
	v4 =	vld [tilespmem:s13+$0x5ED0]  }
0xfe: {  	s12 =	simm.s32 $0x100;
	v5 =	vld [tilespmem:s13+$0x5EE0];
	v1 =	vimm.f32 $0.0e+00;
	v11 =	vmpcnt.ones.xlane vm2;
	v10 =	vmpcnt.ones.xlane vm1  }
.LBB2_13:
0xff: {  	p0 =	sne.s32 s12, $0x3100  }
.Ltmp7:
0x100: {  	s13 =	sshra.s32 s12, $0x2;
	s12 =	sadd.s32 $0x100, s12;
	v1 =	vadd.f32 v0, v1;
	(pc) =	sbr.rel @p0 .LBB2_13-.Ltmp7, $4  }
0x101: {  	v0 =	vld [tilespmem:s13+$0x5EF0];
	v8 =	vadd.f32 v2, v8  }
0x102: {  	v2 =	vld [tilespmem:s13+$0x5EC0];
	v7 =	vadd.f32 v4, v7  }
0x103: {  	v4 =	vld [tilespmem:s13+$0x5ED0];
	v6 =	vadd.f32 v5, v6  }
0x104: {  	v5 =	vld [tilespmem:s13+$0x5EE0]  }
0x105: {  	v3 =	vadd.s32 v3, v9  }
0x106: {  	v3 =	vadd.s32 v10, v3  }
0x107: {  	v3 =	vadd.s32 v11, v3  }
0x108: {  	v3 =	vcvt.s32.f32 v3;
	_ =	sdelay $0x1  }
0x109: {  	v9 =	vsub.f32 $5.000000000e+01, v3;
	_ =	sdelay $0x1  }
0x10a: {  	v10 =	vadd.f32 $9.999999930e-09, v9;
	_ =	sdelay $0x1  }
0x10b: {  	v12 =	vld [tilespmem:$0x2020];
	(erf) = vrcp.f32 v10  }
0x10c: {  	v10 =	vld [tilespmem:$0x2000]  }
0x10d: {  	v13 =	vld [tilespmem:$0x2030]  }
0x10e: {  	v11 =	vld [tilespmem:$0x2010];
	_ =	sdelay $0x2  }
0x10f: {  	v0 =	vadd.f32 v0, v1;
	v2 =	vadd.f32 v2, v8;
	v8 =	vmul.f32 v3, v10  }
0x110: {  	v4 =	vadd.f32 v4, v7;
	v5 =	vadd.f32 v5, v6;
	v6 =	vmul.f32 v3, v12  }
0x111: {  	v7 =	vmul.f32 v3, v11;
	v3 =	vmul.f32 v3, v13;
	v2 =	vsub.f32 v2, v8  }
0x112: {  	v5 =	vsub.f32 v5, v6;
	v1 =	vpop (erf)  }
0x113: {  	v0 =	vsub.f32 v0, v3;
	v2 =	vmul.f32 v2, v1  }
0x114: {  	vm1 =	vgt.f32 v9, $0.0e+00;
	v4 =	vsub.f32 v4, v7;
	v3 =	vmul.f32 v5, v1  }
0x115: {  	v0 =	vmul.f32 v0, v1;
	v2 =	vnsel vm1, $0x0, v2  }
0x116: {  	v4 =	vmul.f32 v4, v1;
	v1 =	vnsel vm1, $0x0, v3;
	[tilespmem:$0x8580] =	vst v2  }
0x117: {  	v0 =	vnsel vm1, $0x0, v0;
	[tilespmem:$0x85A0] =	vst v1  }
0x118: {  	v2 =	vnsel vm1, $0x0, v4;
	[tilespmem:$0x85B0] =	vst v0  }
0x119: {  	[tilespmem:$0x8590] =	vst v2  }
0x11a: {  	v0 =	vld [tilespmem:s11+$0x80]  }
0x11b: {  	v1 =	vld [tilespmem:s11+$0x90]  }
0x11c: {  	v2 =	vld [tilespmem:s11+$0xB0]  }
0x11d: {  	v4 =	vld [tilespmem:s11+$0xA0];
	_ =	sdelay $0x1  }
0x11e: {  	s13 =	simm.s32 $0x0;
	v6 =	vimm.f32 $0.0e+00  }
0x11f: {  	v7 =	vimm.f32 $0.0e+00;
	v8 =	vimm.f32 $0.0e+00;
	vm1 =	veq.s32 v0, $0x0;
	v0 =	vld [tilespmem:s13+$0x6B70]  }
0x120: {  	vm2 =	veq.s32 v2, $0x0;
	v2 =	vld [tilespmem:s13+$0x6B40];
	v3 =	vmpcnt.ones.xlane vm1;
	vm1 =	veq.s32 v1, $0x0  }
0x121: {  	vm2 =	vmand vm2, vm0;
	v9 =	vmpcnt.ones.xlane vm1;
	vm1 =	veq.s32 v4, $0x0;
	v4 =	vld [tilespmem:s13+$0x6B50]  }
0x122: {  	s12 =	simm.s32 $0x100;
	v5 =	vld [tilespmem:s13+$0x6B60];
	v1 =	vimm.f32 $0.0e+00;
	v11 =	vmpcnt.ones.xlane vm2;
	v10 =	vmpcnt.ones.xlane vm1  }
.LBB2_15:
0x123: {  	p0 =	sne.s32 s12, $0x3100  }
.Ltmp8:
0x124: {  	s13 =	sshra.s32 s12, $0x2;
	s12 =	sadd.s32 $0x100, s12;
	v1 =	vadd.f32 v0, v1;
	(pc) =	sbr.rel @p0 .LBB2_15-.Ltmp8, $4  }
0x125: {  	v0 =	vld [tilespmem:s13+$0x6B70];
	v8 =	vadd.f32 v2, v8  }
0x126: {  	v2 =	vld [tilespmem:s13+$0x6B40];
	v7 =	vadd.f32 v4, v7  }
0x127: {  	v4 =	vld [tilespmem:s13+$0x6B50];
	v6 =	vadd.f32 v5, v6  }
0x128: {  	v5 =	vld [tilespmem:s13+$0x6B60]  }
0x129: {  	v3 =	vadd.s32 v3, v9  }
0x12a: {  	v3 =	vadd.s32 v10, v3  }
0x12b: {  	v3 =	vadd.s32 v11, v3  }
0x12c: {  	v3 =	vcvt.s32.f32 v3;
	_ =	sdelay $0x1  }
0x12d: {  	v9 =	vsub.f32 $5.000000000e+01, v3;
	_ =	sdelay $0x1  }
0x12e: {  	v10 =	vadd.f32 $9.999999930e-09, v9;
	_ =	sdelay $0x1  }
0x12f: {  	v12 =	vld [tilespmem:$0x2020];
	(erf) = vrcp.f32 v10  }
0x130: {  	v10 =	vld [tilespmem:$0x2000]  }
0x131: {  	v13 =	vld [tilespmem:$0x2030]  }
0x132: {  	v11 =	vld [tilespmem:$0x2010];
	_ =	sdelay $0x2  }
0x133: {  	v0 =	vadd.f32 v0, v1;
	v2 =	vadd.f32 v2, v8;
	v8 =	vmul.f32 v3, v10  }
0x134: {  	v4 =	vadd.f32 v4, v7;
	v5 =	vadd.f32 v5, v6;
	v6 =	vmul.f32 v3, v12  }
0x135: {  	v7 =	vmul.f32 v3, v11;
	v3 =	vmul.f32 v3, v13;
	v2 =	vsub.f32 v2, v8  }
0x136: {  	v5 =	vsub.f32 v5, v6;
	v1 =	vpop (erf)  }
0x137: {  	v0 =	vsub.f32 v0, v3;
	v2 =	vmul.f32 v2, v1  }
0x138: {  	vm1 =	vgt.f32 v9, $0.0e+00;
	v4 =	vsub.f32 v4, v7;
	v3 =	vmul.f32 v5, v1  }
0x139: {  	v0 =	vmul.f32 v0, v1;
	v2 =	vnsel vm1, $0x0, v2  }
0x13a: {  	v4 =	vmul.f32 v4, v1;
	v1 =	vnsel vm1, $0x0, v3;
	[tilespmem:$0x85C0] =	vst v2  }
0x13b: {  	v0 =	vnsel vm1, $0x0, v0;
	[tilespmem:$0x85E0] =	vst v1  }
0x13c: {  	v2 =	vnsel vm1, $0x0, v4;
	[tilespmem:$0x85F0] =	vst v0  }
0x13d: {  	[tilespmem:$0x85D0] =	vst v2  }
0x13e: {  	v0 =	vld [tilespmem:s11+$0xC0]  }
0x13f: {  	v1 =	vld [tilespmem:s11+$0xD0]  }
0x140: {  	v2 =	vld [tilespmem:s11+$0xF0]  }
0x141: {  	v4 =	vld [tilespmem:s11+$0xE0];
	_ =	sdelay $0x1  }
0x142: {  	s12 =	simm.s32 $0x0;
	v6 =	vimm.f32 $0.0e+00  }
0x143: {  	v7 =	vimm.f32 $0.0e+00;
	v8 =	vimm.f32 $0.0e+00;
	vm1 =	veq.s32 v0, $0x0;
	v0 =	vld [tilespmem:s12+$0x77F0]  }
0x144: {  	vm2 =	veq.s32 v2, $0x0;
	v2 =	vld [tilespmem:s12+$0x77C0];
	v3 =	vmpcnt.ones.xlane vm1;
	vm1 =	veq.s32 v1, $0x0  }
0x145: {  	vm2 =	vmand vm2, vm0;
	v9 =	vmpcnt.ones.xlane vm1;
	vm1 =	veq.s32 v4, $0x0;
	v4 =	vld [tilespmem:s12+$0x77D0]  }
0x146: {  	s11 =	simm.s32 $0x100;
	v5 =	vld [tilespmem:s12+$0x77E0];
	v1 =	vimm.f32 $0.0e+00;
	v11 =	vmpcnt.ones.xlane vm2;
	v10 =	vmpcnt.ones.xlane vm1  }
.LBB2_17:
0x147: {  	p0 =	sne.s32 s11, $0x3100  }
.Ltmp9:
0x148: {  	s12 =	sshra.s32 s11, $0x2;
	s11 =	sadd.s32 $0x100, s11;
	v1 =	vadd.f32 v0, v1;
	(pc) =	sbr.rel @p0 .LBB2_17-.Ltmp9, $4  }
0x149: {  	v0 =	vld [tilespmem:s12+$0x77F0];
	v8 =	vadd.f32 v2, v8  }
0x14a: {  	v2 =	vld [tilespmem:s12+$0x77C0];
	v7 =	vadd.f32 v4, v7  }
0x14b: {  	v4 =	vld [tilespmem:s12+$0x77D0];
	v6 =	vadd.f32 v5, v6  }
0x14c: {  	v5 =	vld [tilespmem:s12+$0x77E0]  }
0x14d: {  	v3 =	vadd.s32 v3, v9  }
0x14e: {  	v3 =	vadd.s32 v10, v3  }
0x14f: {  	v3 =	vadd.s32 v11, v3  }
0x150: {  	v3 =	vcvt.s32.f32 v3;
	_ =	sdelay $0x1  }
0x151: {  	v53 =	vsub.f32 $5.000000000e+01, v3;
	_ =	sdelay $0x1  }
0x152: {  	v54 =	vadd.f32 $9.999999930e-09, v53;
	_ =	sdelay $0x1  }
0x153: {  	(erf) = vrcp.f32 v54  }
0x154: {  	v55 =	vld [tilespmem:$0x2000]  }
0x155: {  	v56 =	vld [tilespmem:$0x2010]  }
0x156: {  	v12 =	vld [tilespmem:$0x2020]  }
0x157: {  	v13 =	vld [tilespmem:$0x2030];
	_ =	sdelay $0x1  }
0x158: {  	v2 =	vadd.f32 v2, v8;
	v57 =	vmul.f32 v3, v55  }
0x159: {  	v4 =	vadd.f32 v4, v7;
	v58 =	vmul.f32 v3, v56  }
0x15a: {  	v5 =	vadd.f32 v5, v6;
	v59 =	vmul.f32 v3, v12;
	v2 =	vsub.f32 v2, v57  }
0x15b: {  	v0 =	vadd.f32 v0, v1;
	v3 =	vmul.f32 v3, v13;
	v4 =	vsub.f32 v4, v58;
	v60 =	vpop (erf)  }
0x15c: {  	v5 =	vsub.f32 v5, v59;
	v2 =	vmul.f32 v2, v60  }
0x15d: {  	vm1 =	vgt.f32 v53, $0.0e+00;
	v0 =	vsub.f32 v0, v3;
	v4 =	vmul.f32 v4, v60  }
0x15e: {  	v61 =	vmul.f32 v5, v60;
	v2 =	vnsel vm1, $0x0, v2  }
.Ltmp10:
0x15f: {  	v0 =	vmul.f32 v0, v60;
	v62 =	vnsel vm1, $0x0, v4;
	[tilespmem:$0x8600] =	vst v2;
	(pc) =	sbr.rel @p1 .LBB2_20-.Ltmp10, $4  }
0x160: {  	v63 =	vnsel vm1, $0x0, v61;
	[tilespmem:$0x8610] =	vst v62  }
0x161: {  	v0 =	vnsel vm1, $0x0, v0;
	[tilespmem:$0x8620] =	vst v63  }
0x162: {  	s10 =	sadd.s32 s10, s5;
	[tilespmem:$0x8630] =	vst v0  }
0x163: {  	[hbm4b:s10+s2] =	stream.linear.scatter [tilespmem:s29], [sflag:$0x4], $0x100, $0x38;
	[tilespmem:$0x8640] =	vst v63  }
0x164: {  	s10 =	sadd.s32 $0x300, s8  }
0x165: {  	[tilespmem:s18], [sflag:$0x2] =	stream.indirect.gather [hbm4b:s3+s9], $0x40, s10, s9, $0xb8;
	[tilespmem:$0x8640] =	vst v63  }
0x166: {  	s11 =	sadd.s32 $0x340, s8  }
0x167: {  	[tilespmem:s20], [sflag:$0x2] =	stream.indirect.gather [hbm4b:s3+s9], $0x40, s11, s9, $0xb8;
	[tilespmem:$0x8640] =	vst v63  }
.Ltmp11:
0x168: {  	_ = 	snop;
	(pc) =	sbr.rel .LBB2_2-.Ltmp11, $4  }
0x169: {  	s12 =	sadd.s32 $0x380, s8  }
0x16a: {  	[tilespmem:s22], [sflag:$0x2] =	stream.indirect.gather [hbm4b:s3+s9], $0x40, s12, s9, $0xb8;
	[tilespmem:$0x8640] =	vst v63  }
0x16b: {  	s13 =	sadd.s32 $0x3C0, s8;
	s1 =	sadd.s32 $0x1, s1  }
0x16c: {  	[tilespmem:s24], [sflag:$0x2] =	stream.indirect.gather [hbm4b:s3+s9], $0x40, s13, s9, $0xb8;
	[tilespmem:$0x8640] =	vst v63  }
.LBB2_21:
0x16d: {  	_ =	sfence.sel $0x180000  }
0x16e: {  	[bflag:$0x0] =	sbarrier.arrive $0xFFFF  }
0x16f: {  	_ =	strace $0x90000047  }
0x170: {  	s0 =	stileid.u32;
	[bflag:$0x2] =	sbarrier.arrive $0xFFFF  }
0x171: {  	p0 =	sne.s32 s0, $0x0;
	s0 =	rddreg [dreg:$0x2]  }
0x172: {  	s0 =	sadd.s32 @!p0 $0x100000, s0  }
0x173: {  	[sflag:s0] =	ssyncadd.tile.s32 @!p0 $0x1;
	_ =	shalt  }
.Lfunc_end2:
_tile_overlayer_lowered:
.L_overlay_start_2:
0x174: {  	(tag) =	ssettag $0x2  }
0x175: {  	s0 =	rddreg [dreg:$0x0];
	s2 =	stileid.u32  }
0x176: {  	s1 =	rddreg [dreg:$0x1];
	p0 =	sne.s32 s2, $0x0  }
0x177: {  	s3 =	rddreg [dreg:$0x2];
	[bflag:$0x3] =	sbarrier.arrive $0xFFFF;
	s2 =	simm.s32 @!p0 $0x1C05  }
0x178: {  	[timem:s3], [sflag:s2] =	dma.local @!p0 [hbm:s0], s1  }
0x179: {  	s0 =	simm.s32 @!p0 $0x5  }
0x17a: {  	_ =	swait.ge @!p0 [sflag:s0], s1  }
0x17b: {  	s1 =	ssub.s32 @!p0 $0x0, s1;
	[sflag:s0] =	ssyncset.done @!p0 $0x0  }
0x17c: {  	[sflag:s0] =	ssyncadd.s32 @!p0 s1  }
0x17d: {  	[bflag:$0x3] =	sbarrier.arrive $0xFFFF  }
0x17e: {  	_ =	shalt  }

</sc_bundles>
